<compile_context>
chip_gen: v7x
topology: tpu7x:2x2x1
jax: 0.10.2.dev20260603
libtpu: 0.0.44.dev20260713+nightly
codegen_flags: <defaults>
</compile_context>

<pallas_src>
import functools

import jax
import jax.numpy as jnp
from jax import lax
from jax.experimental import pallas as pl
from jax.experimental.pallas import tpu as pltpu
from jax.experimental.pallas import tpu_sc as plsc

SEQ = 200
DIM = 64
LANES = 16
VECS_PER_ROW = DIM // LANES
SCALE = 8.0

NUM_WORKERS = 32
IDX_MINOR = 100
CH_SEQ = 2
CH_ROWS = CH_SEQ * SEQ
G_PER_CHUNK = CH_ROWS // IDX_MINOR
NBUF = 3


def _embed_kernel(rows_total):
    rows_per_w = rows_total // NUM_WORKERS
    n_chunks = rows_per_w // CH_ROWS
    ring_chunks = n_chunks - 1
    assert ring_chunks % NBUF == 0
    mesh = plsc.VectorSubcoreMesh(core_axis_name="c", subcore_axis_name="s")

    @functools.partial(
        pl.kernel,
        mesh=mesh,
        out_type=jax.ShapeDtypeStruct((rows_total, DIM), jnp.float32),
        scratch_types=[
            pltpu.VMEM((rows_per_w // IDX_MINOR, IDX_MINOR), jnp.int32),
            pltpu.VMEM((SEQ, DIM), jnp.float32),
            pltpu.VMEM((CH_ROWS, DIM), jnp.float32),
            pltpu.VMEM((CH_ROWS, DIM), jnp.float32),
            pltpu.VMEM((CH_ROWS, DIM), jnp.float32),
            pltpu.SemaphoreType.DMA,
            pltpu.SemaphoreType.DMA,
            pltpu.SemaphoreType.DMA,
            pltpu.SemaphoreType.DMA,
            pltpu.SemaphoreType.DMA,
            pltpu.SemaphoreType.DMA,
        ],
        compiler_params=pltpu.CompilerParams(use_tc_tiling_on_sc=False),
    )
    def body(idx_hbm, table_hbm, pos_hbm, out_hbm,
             idx_v, pos_v, buf0, buf1, buf2, sg0, sg1, sg2, ss0, ss1, ss2):
        bufs = (buf0, buf1, buf2)
        sgs = (sg0, sg1, sg2)
        sss = (ss0, ss1, ss2)
        wid = lax.axis_index("s") * 2 + lax.axis_index("c")
        row_base = wid * rows_per_w

        pltpu.sync_copy(pos_hbm, pos_v)
        pltpu.sync_copy(idx_hbm.at[wid], idx_v)

        def start_gather(g, b):
            for j in range(G_PER_CHUNK):
                pltpu.async_copy(
                    table_hbm.at[idx_v.at[g * G_PER_CHUNK + j]],
                    bufs[b].at[pl.ds(j * IDX_MINOR, IDX_MINOR)],
                    sgs[b],
                )

        def wait_gather(b):
            pltpu.make_async_copy(
                table_hbm.at[pl.ds(0, CH_ROWS)], bufs[b], sgs[b]
            ).wait()

        def start_scatter(g, b):
            pltpu.async_copy(
                bufs[b],
                out_hbm.at[pl.ds(row_base + g * CH_ROWS, CH_ROWS)],
                sss[b],
            )

        def wait_scatter(b):
            pltpu.make_async_copy(
                table_hbm.at[pl.ds(0, CH_ROWS)], bufs[b], sss[b]
            ).wait()

        def compute(b):
            buf = bufs[b]

            def row_body(rr, c2):
                for q in range(VECS_PER_ROW):
                    p = pos_v[rr, pl.ds(q * LANES, LANES)]
                    for rep in range(CH_SEQ):
                        sl = (rep * SEQ + rr, pl.ds(q * LANES, LANES))
                        buf[sl] = buf[sl] * SCALE + p
                return c2

            lax.fori_loop(0, SEQ, row_body, 0, unroll=2)

        start_gather(0, 0)
        start_gather(1, 1)

        def outer(k, carry):
            for b in range(NBUF):
                g = NBUF * k + b
                wait_gather(b)
                compute(b)
                start_scatter(g, b)
                b2 = (b + 2) % NBUF

                @pl.when(g <= ring_chunks - 3)
                def _():
                    @pl.when(g >= 1)
                    def _():
                        wait_scatter(b2)

                    start_gather(g + 2, b2)

            return carry

        lax.fori_loop(0, ring_chunks // NBUF, outer, 0)

        wait_scatter(0)
        start_gather(n_chunks - 1, 0)
        wait_gather(0)
        compute(0)
        start_scatter(n_chunks - 1, 0)
        wait_scatter(0)
        wait_scatter(1)
        wait_scatter(2)

    return body


def kernel(inputs, token_table, pos_table):
    batch, seq = inputs.shape
    rows_total = batch * seq
    idx3 = inputs.reshape(
        NUM_WORKERS, rows_total // (NUM_WORKERS * IDX_MINOR), IDX_MINOR
    ).astype(jnp.int32)
    out = _embed_kernel(rows_total)(idx3, token_table, pos_table)
    return out.reshape(batch, seq, DIM)

# --- scband reference (transcript-rebuilt; emitter-appended) ---
"""Pipeline reference for scband-positional-embedding-33440615367169 (READ-ONLY COPY).

The authoritative reference and input builder live on the scoring server;
editing this copy changes nothing except your own understanding.
"""

import jax, jax.numpy as jnp
import numpy as np

SEQ_LEN = 200
VOCAB = 100000
EMBED_DIM = 64
BATCH = 4096

def setup_inputs(seed: int = 0) -> dict:
    key = jax.random.key(seed)
    k1, k2, k3 = jax.random.split(key, 3)
    inputs = jax.random.randint(k1, (BATCH, SEQ_LEN), 0, VOCAB, dtype=jnp.int64 if jax.config.jax_enable_x64 else jnp.int32)
    token_table = jax.random.normal(k2, (VOCAB, EMBED_DIM), dtype=jnp.float32) * 0.02
    pos_table = jax.random.normal(k3, (SEQ_LEN, EMBED_DIM), dtype=jnp.float32) * 0.02
    return {"inputs": inputs, "token_table": token_table, "pos_table": pos_table}

def reference(inputs, token_table, pos_table):
    length = inputs.shape[-1]
    embed_scale = jnp.sqrt(jnp.asarray(EMBED_DIM, dtype=jnp.float32))
    positions = jnp.arange(0, length)
    embedded_tokens = jnp.take(token_table, inputs, axis=0)
    embedded_tokens = embedded_tokens * embed_scale
    embedded_positions = jnp.take(pos_table, positions, axis=0)
    return embedded_tokens + embedded_positions

if __name__ == "__main__":
    import jax
    _d = setup_inputs()
    print(jax.jit(kernel)(*tuple(_d.values())))

</pallas_src>

<mosaic_0001>
#map = affine_map<(d0, d1) -> (0, 0, 0)>
#map1 = affine_map<(d0, d1) -> (0, 0)>
module attributes {stable_mosaic.version = 14 : i64} {
  func.func @body(%arg0: i32, %arg1: i32, %arg2: memref<32x256x100xi32, #tpu.memory_space<hbm>>, %arg3: memref<100000x64xf32, #tpu.memory_space<hbm>>, %arg4: memref<200x64xf32, #tpu.memory_space<hbm>>, %arg5: memref<819200x64xf32, #tpu.memory_space<hbm>>, %arg6: memref<256x100xi32, #tpu.memory_space<vmem>>, %arg7: memref<200x64xf32, #tpu.memory_space<vmem>>, %arg8: memref<400x64xf32, #tpu.memory_space<vmem>>, %arg9: memref<400x64xf32, #tpu.memory_space<vmem>>, %arg10: memref<400x64xf32, #tpu.memory_space<vmem>>, %arg11: memref<!tpu.dma_semaphore, #tpu.memory_space<semaphore_mem>>, %arg12: memref<!tpu.dma_semaphore, #tpu.memory_space<semaphore_mem>>, %arg13: memref<!tpu.dma_semaphore, #tpu.memory_space<semaphore_mem>>, %arg14: memref<!tpu.dma_semaphore, #tpu.memory_space<semaphore_mem>>, %arg15: memref<!tpu.dma_semaphore, #tpu.memory_space<semaphore_mem>>, %arg16: memref<!tpu.dma_semaphore, #tpu.memory_space<semaphore_mem>>) attributes {dimension_semantics = [#tpu.dimension_semantics<core_parallel>, #tpu.dimension_semantics<subcore_parallel>], iteration_bounds = array<i64: 2, 16>, scalar_prefetch = 0 : i64, scratch_operands = 11 : i64, tpu.core_type = #tpu.core_type<sc_vector_subcore>, window_params = [{transform_indices = #map}, {transform_indices = #map1}, {transform_indices = #map1}, {transform_indices = #map1}]} {
    %mul3A = arith.constant 2 : i32
    %mul3A_0 = arith.muli %arg1, %mul3A : i32
    %add3A = arith.addi %mul3A_0, %arg0 : i32
    %mul3A_1 = arith.constant 25600 : i32
    %mul3A_2 = arith.muli %add3A, %mul3A_1 : i32
    "tpu.region"() ({
      %run_scoped3A = tpu.sem_alloc : memref<!tpu.dma_semaphore, #tpu.memory_space<semaphore_mem>>
      tpu.enqueue_dma source(%arg4 : memref<200x64xf32, #tpu.memory_space<hbm>>) target(%arg7 : memref<200x64xf32, #tpu.memory_space<vmem>>) target_semaphore(%run_scoped3A : memref<!tpu.dma_semaphore, #tpu.memory_space<semaphore_mem>>)
      tpu.wait_dma2 semaphore(%run_scoped3A : memref<!tpu.dma_semaphore, #tpu.memory_space<semaphore_mem>>) src(%arg4 : memref<200x64xf32, #tpu.memory_space<hbm>>) dst(%arg7 : memref<200x64xf32, #tpu.memory_space<vmem>>)
      tpu.yield
    }) : () -> ()
    "tpu.region"() ({
      %run_scoped3A = tpu.sem_alloc : memref<!tpu.dma_semaphore, #tpu.memory_space<semaphore_mem>>
      %dma_start3A_168 = arith.constant 0 : i32
      %dma_start3A_169 = arith.constant 0 : i32
      %dma_start3A_170 = tpu.memref_slice %arg2[%add3A, %dma_start3A_168, %dma_start3A_169] : memref<32x256x100xi32, #tpu.memory_space<hbm>> -> memref<1x256x100xi32, #tpu.memory_space<hbm>>
      %dma_start3A_171 = tpu.memref_squeeze %dma_start3A_170 : memref<1x256x100xi32, #tpu.memory_space<hbm>> -> memref<256x100xi32, #tpu.memory_space<hbm>>
      %dma_start3A_172 = arith.constant 0 : i32
      %dma_start3A_173 = arith.constant 0 : i32
      %dma_start3A_174 = tpu.memref_slice %arg2[%add3A, %dma_start3A_172, %dma_start3A_173] : memref<32x256x100xi32, #tpu.memory_space<hbm>> -> memref<1x256x100xi32, #tpu.memory_space<hbm>>
      %dma_start3A_175 = tpu.memref_squeeze %dma_start3A_174 : memref<1x256x100xi32, #tpu.memory_space<hbm>> -> memref<256x100xi32, #tpu.memory_space<hbm>>
      tpu.enqueue_dma source(%dma_start3A_175 : memref<256x100xi32, #tpu.memory_space<hbm>>) target(%arg6 : memref<256x100xi32, #tpu.memory_space<vmem>>) target_semaphore(%run_scoped3A : memref<!tpu.dma_semaphore, #tpu.memory_space<semaphore_mem>>)
      %dma_wait3A_176 = arith.constant 0 : i32
      %dma_wait3A_177 = arith.constant 0 : i32
      %dma_wait3A_178 = tpu.memref_slice %arg2[%add3A, %dma_wait3A_176, %dma_wait3A_177] : memref<32x256x100xi32, #tpu.memory_space<hbm>> -> memref<1x256x100xi32, #tpu.memory_space<hbm>>
      %dma_wait3A_179 = tpu.memref_squeeze %dma_wait3A_178 : memref<1x256x100xi32, #tpu.memory_space<hbm>> -> memref<256x100xi32, #tpu.memory_space<hbm>>
      %dma_wait3A_180 = arith.constant 0 : i32
      %dma_wait3A_181 = arith.constant 0 : i32
      %dma_wait3A_182 = tpu.memref_slice %arg2[%add3A, %dma_wait3A_180, %dma_wait3A_181] : memref<32x256x100xi32, #tpu.memory_space<hbm>> -> memref<1x256x100xi32, #tpu.memory_space<hbm>>
      %dma_wait3A_183 = tpu.memref_squeeze %dma_wait3A_182 : memref<1x256x100xi32, #tpu.memory_space<hbm>> -> memref<256x100xi32, #tpu.memory_space<hbm>>
      tpu.wait_dma2 semaphore(%run_scoped3A : memref<!tpu.dma_semaphore, #tpu.memory_space<semaphore_mem>>) src(%dma_wait3A_183 : memref<256x100xi32, #tpu.memory_space<hbm>>) dst(%arg6 : memref<256x100xi32, #tpu.memory_space<vmem>>)
      tpu.yield
    }) : () -> ()
    %dma_start3A = arith.constant 0 : i32
    %dma_start3A_3 = arith.constant 0 : i32
    %dma_start3A_4 = arith.constant 0 : i32
    %dma_start3A_5 = tpu.memref_slice %arg8[%dma_start3A_3, %dma_start3A_4] : memref<400x64xf32, #tpu.memory_space<vmem>> -> memref<100x64xf32, #tpu.memory_space<vmem>>
    %dma_start3A_6 = arith.constant 0 : i32
    %dma_start3A_7 = tpu.memref_slice %arg6[%dma_start3A, %dma_start3A_6] : memref<256x100xi32, #tpu.memory_space<vmem>> -> memref<1x100xi32, #tpu.memory_space<vmem>>
    %dma_start3A_8 = tpu.memref_squeeze %dma_start3A_7 : memref<1x100xi32, #tpu.memory_space<vmem>> -> memref<100xi32, #tpu.memory_space<vmem>>
    %dma_start3A_9 = arith.constant 0 : i32
    %dma_start3A_10 = arith.constant 0 : i32
    %dma_start3A_11 = tpu.memref_slice %arg3[%dma_start3A_9, %dma_start3A_10] : memref<100000x64xf32, #tpu.memory_space<hbm>> -> memref<100000x64xf32, #tpu.memory_space<hbm>>
    tpu.enqueue_indirect_dma source(%dma_start3A_11 : memref<100000x64xf32, #tpu.memory_space<hbm>>) target(%dma_start3A_5 : memref<100x64xf32, #tpu.memory_space<vmem>>) offsets(%dma_start3A_8 : memref<100xi32, #tpu.memory_space<vmem>>) semaphore(%arg11 : memref<!tpu.dma_semaphore, #tpu.memory_space<semaphore_mem>>)
    %dma_start3A_12 = arith.constant 1 : i32
    %dma_start3A_13 = arith.constant 100 : i32
    %dma_start3A_14 = arith.constant 0 : i32
    %dma_start3A_15 = tpu.memref_slice %arg8[%dma_start3A_13, %dma_start3A_14] : memref<400x64xf32, #tpu.memory_space<vmem>> -> memref<100x64xf32, #tpu.memory_space<vmem>>
    %dma_start3A_16 = arith.constant 0 : i32
    %dma_start3A_17 = tpu.memref_slice %arg6[%dma_start3A_12, %dma_start3A_16] : memref<256x100xi32, #tpu.memory_space<vmem>> -> memref<1x100xi32, #tpu.memory_space<vmem>>
    %dma_start3A_18 = tpu.memref_squeeze %dma_start3A_17 : memref<1x100xi32, #tpu.memory_space<vmem>> -> memref<100xi32, #tpu.memory_space<vmem>>
    %dma_start3A_19 = arith.constant 0 : i32
    %dma_start3A_20 = arith.constant 0 : i32
    %dma_start3A_21 = tpu.memref_slice %arg3[%dma_start3A_19, %dma_start3A_20] : memref<100000x64xf32, #tpu.memory_space<hbm>> -> memref<100000x64xf32, #tpu.memory_space<hbm>>
    tpu.enqueue_indirect_dma source(%dma_start3A_21 : memref<100000x64xf32, #tpu.memory_space<hbm>>) target(%dma_start3A_15 : memref<100x64xf32, #tpu.memory_space<vmem>>) offsets(%dma_start3A_18 : memref<100xi32, #tpu.memory_space<vmem>>) semaphore(%arg11 : memref<!tpu.dma_semaphore, #tpu.memory_space<semaphore_mem>>)
    %dma_start3A_22 = arith.constant 2 : i32
    %dma_start3A_23 = arith.constant 200 : i32
    %dma_start3A_24 = arith.constant 0 : i32
    %dma_start3A_25 = tpu.memref_slice %arg8[%dma_start3A_23, %dma_start3A_24] : memref<400x64xf32, #tpu.memory_space<vmem>> -> memref<100x64xf32, #tpu.memory_space<vmem>>
    %dma_start3A_26 = arith.constant 0 : i32
    %dma_start3A_27 = tpu.memref_slice %arg6[%dma_start3A_22, %dma_start3A_26] : memref<256x100xi32, #tpu.memory_space<vmem>> -> memref<1x100xi32, #tpu.memory_space<vmem>>
    %dma_start3A_28 = tpu.memref_squeeze %dma_start3A_27 : memref<1x100xi32, #tpu.memory_space<vmem>> -> memref<100xi32, #tpu.memory_space<vmem>>
    %dma_start3A_29 = arith.constant 0 : i32
    %dma_start3A_30 = arith.constant 0 : i32
    %dma_start3A_31 = tpu.memref_slice %arg3[%dma_start3A_29, %dma_start3A_30] : memref<100000x64xf32, #tpu.memory_space<hbm>> -> memref<100000x64xf32, #tpu.memory_space<hbm>>
    tpu.enqueue_indirect_dma source(%dma_start3A_31 : memref<100000x64xf32, #tpu.memory_space<hbm>>) target(%dma_start3A_25 : memref<100x64xf32, #tpu.memory_space<vmem>>) offsets(%dma_start3A_28 : memref<100xi32, #tpu.memory_space<vmem>>) semaphore(%arg11 : memref<!tpu.dma_semaphore, #tpu.memory_space<semaphore_mem>>)
    %dma_start3A_32 = arith.constant 3 : i32
    %dma_start3A_33 = arith.constant 300 : i32
    %dma_start3A_34 = arith.constant 0 : i32
    %dma_start3A_35 = tpu.memref_slice %arg8[%dma_start3A_33, %dma_start3A_34] : memref<400x64xf32, #tpu.memory_space<vmem>> -> memref<100x64xf32, #tpu.memory_space<vmem>>
    %dma_start3A_36 = arith.constant 0 : i32
    %dma_start3A_37 = tpu.memref_slice %arg6[%dma_start3A_32, %dma_start3A_36] : memref<256x100xi32, #tpu.memory_space<vmem>> -> memref<1x100xi32, #tpu.memory_space<vmem>>
    %dma_start3A_38 = tpu.memref_squeeze %dma_start3A_37 : memref<1x100xi32, #tpu.memory_space<vmem>> -> memref<100xi32, #tpu.memory_space<vmem>>
    %dma_start3A_39 = arith.constant 0 : i32
    %dma_start3A_40 = arith.constant 0 : i32
    %dma_start3A_41 = tpu.memref_slice %arg3[%dma_start3A_39, %dma_start3A_40] : memref<100000x64xf32, #tpu.memory_space<hbm>> -> memref<100000x64xf32, #tpu.memory_space<hbm>>
    tpu.enqueue_indirect_dma source(%dma_start3A_41 : memref<100000x64xf32, #tpu.memory_space<hbm>>) target(%dma_start3A_35 : memref<100x64xf32, #tpu.memory_space<vmem>>) offsets(%dma_start3A_38 : memref<100xi32, #tpu.memory_space<vmem>>) semaphore(%arg11 : memref<!tpu.dma_semaphore, #tpu.memory_space<semaphore_mem>>)
    %dma_start3A_42 = arith.constant 4 : i32
    %dma_start3A_43 = arith.constant 0 : i32
    %dma_start3A_44 = arith.constant 0 : i32
    %dma_start3A_45 = tpu.memref_slice %arg9[%dma_start3A_43, %dma_start3A_44] : memref<400x64xf32, #tpu.memory_space<vmem>> -> memref<100x64xf32, #tpu.memory_space<vmem>>
    %dma_start3A_46 = arith.constant 0 : i32
    %dma_start3A_47 = tpu.memref_slice %arg6[%dma_start3A_42, %dma_start3A_46] : memref<256x100xi32, #tpu.memory_space<vmem>> -> memref<1x100xi32, #tpu.memory_space<vmem>>
    %dma_start3A_48 = tpu.memref_squeeze %dma_start3A_47 : memref<1x100xi32, #tpu.memory_space<vmem>> -> memref<100xi32, #tpu.memory_space<vmem>>
    %dma_start3A_49 = arith.constant 0 : i32
    %dma_start3A_50 = arith.constant 0 : i32
    %dma_start3A_51 = tpu.memref_slice %arg3[%dma_start3A_49, %dma_start3A_50] : memref<100000x64xf32, #tpu.memory_space<hbm>> -> memref<100000x64xf32, #tpu.memory_space<hbm>>
    tpu.enqueue_indirect_dma source(%dma_start3A_51 : memref<100000x64xf32, #tpu.memory_space<hbm>>) target(%dma_start3A_45 : memref<100x64xf32, #tpu.memory_space<vmem>>) offsets(%dma_start3A_48 : memref<100xi32, #tpu.memory_space<vmem>>) semaphore(%arg12 : memref<!tpu.dma_semaphore, #tpu.memory_space<semaphore_mem>>)
    %dma_start3A_52 = arith.constant 5 : i32
    %dma_start3A_53 = arith.constant 100 : i32
    %dma_start3A_54 = arith.constant 0 : i32
    %dma_start3A_55 = tpu.memref_slice %arg9[%dma_start3A_53, %dma_start3A_54] : memref<400x64xf32, #tpu.memory_space<vmem>> -> memref<100x64xf32, #tpu.memory_space<vmem>>
    %dma_start3A_56 = arith.constant 0 : i32
    %dma_start3A_57 = tpu.memref_slice %arg6[%dma_start3A_52, %dma_start3A_56] : memref<256x100xi32, #tpu.memory_space<vmem>> -> memref<1x100xi32, #tpu.memory_space<vmem>>
    %dma_start3A_58 = tpu.memref_squeeze %dma_start3A_57 : memref<1x100xi32, #tpu.memory_space<vmem>> -> memref<100xi32, #tpu.memory_space<vmem>>
    %dma_start3A_59 = arith.constant 0 : i32
    %dma_start3A_60 = arith.constant 0 : i32
    %dma_start3A_61 = tpu.memref_slice %arg3[%dma_start3A_59, %dma_start3A_60] : memref<100000x64xf32, #tpu.memory_space<hbm>> -> memref<100000x64xf32, #tpu.memory_space<hbm>>
    tpu.enqueue_indirect_dma source(%dma_start3A_61 : memref<100000x64xf32, #tpu.memory_space<hbm>>) target(%dma_start3A_55 : memref<100x64xf32, #tpu.memory_space<vmem>>) offsets(%dma_start3A_58 : memref<100xi32, #tpu.memory_space<vmem>>) semaphore(%arg12 : memref<!tpu.dma_semaphore, #tpu.memory_space<semaphore_mem>>)
    %dma_start3A_62 = arith.constant 6 : i32
    %dma_start3A_63 = arith.constant 200 : i32
    %dma_start3A_64 = arith.constant 0 : i32
    %dma_start3A_65 = tpu.memref_slice %arg9[%dma_start3A_63, %dma_start3A_64] : memref<400x64xf32, #tpu.memory_space<vmem>> -> memref<100x64xf32, #tpu.memory_space<vmem>>
    %dma_start3A_66 = arith.constant 0 : i32
    %dma_start3A_67 = tpu.memref_slice %arg6[%dma_start3A_62, %dma_start3A_66] : memref<256x100xi32, #tpu.memory_space<vmem>> -> memref<1x100xi32, #tpu.memory_space<vmem>>
    %dma_start3A_68 = tpu.memref_squeeze %dma_start3A_67 : memref<1x100xi32, #tpu.memory_space<vmem>> -> memref<100xi32, #tpu.memory_space<vmem>>
    %dma_start3A_69 = arith.constant 0 : i32
    %dma_start3A_70 = arith.constant 0 : i32
    %dma_start3A_71 = tpu.memref_slice %arg3[%dma_start3A_69, %dma_start3A_70] : memref<100000x64xf32, #tpu.memory_space<hbm>> -> memref<100000x64xf32, #tpu.memory_space<hbm>>
    tpu.enqueue_indirect_dma source(%dma_start3A_71 : memref<100000x64xf32, #tpu.memory_space<hbm>>) target(%dma_start3A_65 : memref<100x64xf32, #tpu.memory_space<vmem>>) offsets(%dma_start3A_68 : memref<100xi32, #tpu.memory_space<vmem>>) semaphore(%arg12 : memref<!tpu.dma_semaphore, #tpu.memory_space<semaphore_mem>>)
    %dma_start3A_72 = arith.constant 7 : i32
    %dma_start3A_73 = arith.constant 300 : i32
    %dma_start3A_74 = arith.constant 0 : i32
    %dma_start3A_75 = tpu.memref_slice %arg9[%dma_start3A_73, %dma_start3A_74] : memref<400x64xf32, #tpu.memory_space<vmem>> -> memref<100x64xf32, #tpu.memory_space<vmem>>
    %dma_start3A_76 = arith.constant 0 : i32
    %dma_start3A_77 = tpu.memref_slice %arg6[%dma_start3A_72, %dma_start3A_76] : memref<256x100xi32, #tpu.memory_space<vmem>> -> memref<1x100xi32, #tpu.memory_space<vmem>>
    %dma_start3A_78 = tpu.memref_squeeze %dma_start3A_77 : memref<1x100xi32, #tpu.memory_space<vmem>> -> memref<100xi32, #tpu.memory_space<vmem>>
    %dma_start3A_79 = arith.constant 0 : i32
    %dma_start3A_80 = arith.constant 0 : i32
    %dma_start3A_81 = tpu.memref_slice %arg3[%dma_start3A_79, %dma_start3A_80] : memref<100000x64xf32, #tpu.memory_space<hbm>> -> memref<100000x64xf32, #tpu.memory_space<hbm>>
    tpu.enqueue_indirect_dma source(%dma_start3A_81 : memref<100000x64xf32, #tpu.memory_space<hbm>>) target(%dma_start3A_75 : memref<100x64xf32, #tpu.memory_space<vmem>>) offsets(%dma_start3A_78 : memref<100xi32, #tpu.memory_space<vmem>>) semaphore(%arg12 : memref<!tpu.dma_semaphore, #tpu.memory_space<semaphore_mem>>)
    %scan3A = arith.constant 0 : i32
    %scan3A_82 = arith.constant 0 : i32
    %scan3A_83 = arith.constant 21 : i32
    %scan3A_84 = arith.addi %scan3A_82, %scan3A_83 : i32
    %scan3A_85 = arith.constant 1 : i32
    scf.for %scan3A_168 = %scan3A_82 to %scan3A_84 step %scan3A_85  : i32 {
      %mul3A_169 = arith.constant 3 : i32
      %mul3A_170 = arith.muli %mul3A_169, %scan3A_168 : i32
      %add3A_171 = arith.constant 0 : i32
      %add3A_172 = arith.addi %mul3A_170, %add3A_171 : i32
      %dma_wait3A_173 = arith.constant 0 : i32
      %dma_wait3A_174 = arith.constant 0 : i32
      %dma_wait3A_175 = tpu.memref_slice %arg3[%dma_wait3A_173, %dma_wait3A_174] : memref<100000x64xf32, #tpu.memory_space<hbm>> -> memref<400x64xf32, #tpu.memory_space<hbm>>
      %dma_wait3A_176 = arith.constant 0 : i32
      %dma_wait3A_177 = arith.constant 0 : i32
      %dma_wait3A_178 = tpu.memref_slice %arg3[%dma_wait3A_176, %dma_wait3A_177] : memref<100000x64xf32, #tpu.memory_space<hbm>> -> memref<400x64xf32, #tpu.memory_space<hbm>>
      tpu.wait_dma2 semaphore(%arg11 : memref<!tpu.dma_semaphore, #tpu.memory_space<semaphore_mem>>) src(%dma_wait3A_178 : memref<400x64xf32, #tpu.memory_space<hbm>>) dst(%arg8 : memref<400x64xf32, #tpu.memory_space<vmem>>)
      %scan3A_179 = arith.constant 0 : i32
      %scan3A_180 = arith.constant 0 : i32
      %scan3A_181 = arith.constant 200 : i32
      %scan3A_182 = arith.addi %scan3A_180, %scan3A_181 : i32
      %scan3A_183 = arith.constant 2 : i32
      scf.for %scan3A_250 = %scan3A_180 to %scan3A_182 step %scan3A_183  : i32 {
        %get3A = arith.index_cast %scan3A_250 : i32 to index
        %get3A_251 = arith.constant 0 : index
        %get3A_252 = tpu.vector_load %arg7[%get3A, %get3A_251] {strides = array<i32>} : memref<200x64xf32, #tpu.memory_space<vmem>>, vector<1x16xf32>,
        %get3A_253 = vector.shape_cast %get3A_252 : vector<1x16xf32> to vector<16xf32>
        %add3A_254 = arith.constant 0 : i32
        %add3A_255 = arith.addi %add3A_254, %scan3A_250 : i32
        %get3A_256 = arith.index_cast %add3A_255 : i32 to index
        %get3A_257 = arith.constant 0 : index
        %get3A_258 = tpu.vector_load %arg8[%get3A_256, %get3A_257] {strides = array<i32>} : memref<400x64xf32, #tpu.memory_space<vmem>>, vector<1x16xf32>,
        %get3A_259 = vector.shape_cast %get3A_258 : vector<1x16xf32> to vector<16xf32>
        %mul3A_260 = arith.constant 8.000000e+00 : f32
        %mul3A_261 = vector.broadcast %mul3A_260 : f32 to vector<16xf32>
        %mul3A_262 = arith.mulf %get3A_259, %mul3A_261 : vector<16xf32>
        %add3A_263 = arith.addf %mul3A_262, %get3A_253 : vector<16xf32>
        %swap3A = arith.index_cast %add3A_255 : i32 to index
        %swap3A_264 = arith.constant 0 : index
        %swap3A_265 = tpu.vector_load %arg8[%swap3A, %swap3A_264] {strides = array<i32>} : memref<400x64xf32, #tpu.memory_space<vmem>>, vector<1x16xf32>,
        %swap3A_266 = vector.shape_cast %swap3A_265 : vector<1x16xf32> to vector<16xf32>
        %swap3A_267 = vector.shape_cast %add3A_263 : vector<16xf32> to vector<1x16xf32>
        tpu.vector_store %arg8[%swap3A, %swap3A_264], %swap3A_267 {strides = array<i32>} : memref<400x64xf32, #tpu.memory_space<vmem>>, vector<1x16xf32>,
        %add3A_268 = arith.constant 200 : i32
        %add3A_269 = arith.addi %add3A_268, %scan3A_250 : i32
        %get3A_270 = arith.index_cast %add3A_269 : i32 to index
        %get3A_271 = arith.constant 0 : index
        %get3A_272 = tpu.vector_load %arg8[%get3A_270, %get3A_271] {strides = array<i32>} : memref<400x64xf32, #tpu.memory_space<vmem>>, vector<1x16xf32>,
        %get3A_273 = vector.shape_cast %get3A_272 : vector<1x16xf32> to vector<16xf32>
        %mul3A_274 = arith.constant 8.000000e+00 : f32
        %mul3A_275 = vector.broadcast %mul3A_274 : f32 to vector<16xf32>
        %mul3A_276 = arith.mulf %get3A_273, %mul3A_275 : vector<16xf32>
        %add3A_277 = arith.addf %mul3A_276, %get3A_253 : vector<16xf32>
        %swap3A_278 = arith.index_cast %add3A_269 : i32 to index
        %swap3A_279 = arith.constant 0 : index
        %swap3A_280 = tpu.vector_load %arg8[%swap3A_278, %swap3A_279] {strides = array<i32>} : memref<400x64xf32, #tpu.memory_space<vmem>>, vector<1x16xf32>,
        %swap3A_281 = vector.shape_cast %swap3A_280 : vector<1x16xf32> to vector<16xf32>
        %swap3A_282 = vector.shape_cast %add3A_277 : vector<16xf32> to vector<1x16xf32>
        tpu.vector_store %arg8[%swap3A_278, %swap3A_279], %swap3A_282 {strides = array<i32>} : memref<400x64xf32, #tpu.memory_space<vmem>>, vector<1x16xf32>,
        %get3A_283 = arith.index_cast %scan3A_250 : i32 to index
        %get3A_284 = arith.constant 16 : index
        %get3A_285 = tpu.vector_load %arg7[%get3A_283, %get3A_284] {strides = array<i32>} : memref<200x64xf32, #tpu.memory_space<vmem>>, vector<1x16xf32>,
        %get3A_286 = vector.shape_cast %get3A_285 : vector<1x16xf32> to vector<16xf32>
        %add3A_287 = arith.constant 0 : i32
        %add3A_288 = arith.addi %add3A_287, %scan3A_250 : i32
        %get3A_289 = arith.index_cast %add3A_288 : i32 to index
        %get3A_290 = arith.constant 16 : index
        %get3A_291 = tpu.vector_load %arg8[%get3A_289, %get3A_290] {strides = array<i32>} : memref<400x64xf32, #tpu.memory_space<vmem>>, vector<1x16xf32>,
        %get3A_292 = vector.shape_cast %get3A_291 : vector<1x16xf32> to vector<16xf32>
        %mul3A_293 = arith.constant 8.000000e+00 : f32
        %mul3A_294 = vector.broadcast %mul3A_293 : f32 to vector<16xf32>
        %mul3A_295 = arith.mulf %get3A_292, %mul3A_294 : vector<16xf32>
        %add3A_296 = arith.addf %mul3A_295, %get3A_286 : vector<16xf32>
        %swap3A_297 = arith.index_cast %add3A_288 : i32 to index
        %swap3A_298 = arith.constant 16 : index
        %swap3A_299 = tpu.vector_load %arg8[%swap3A_297, %swap3A_298] {strides = array<i32>} : memref<400x64xf32, #tpu.memory_space<vmem>>, vector<1x16xf32>,
        %swap3A_300 = vector.shape_cast %swap3A_299 : vector<1x16xf32> to vector<16xf32>
        %swap3A_301 = vector.shape_cast %add3A_296 : vector<16xf32> to vector<1x16xf32>
        tpu.vector_store %arg8[%swap3A_297, %swap3A_298], %swap3A_301 {strides = array<i32>} : memref<400x64xf32, #tpu.memory_space<vmem>>, vector<1x16xf32>,
        %add3A_302 = arith.constant 200 : i32
        %add3A_303 = arith.addi %add3A_302, %scan3A_250 : i32
        %get3A_304 = arith.index_cast %add3A_303 : i32 to index
        %get3A_305 = arith.constant 16 : index
        %get3A_306 = tpu.vector_load %arg8[%get3A_304, %get3A_305] {strides = array<i32>} : memref<400x64xf32, #tpu.memory_space<vmem>>, vector<1x16xf32>,
        %get3A_307 = vector.shape_cast %get3A_306 : vector<1x16xf32> to vector<16xf32>
        %mul3A_308 = arith.constant 8.000000e+00 : f32
        %mul3A_309 = vector.broadcast %mul3A_308 : f32 to vector<16xf32>
        %mul3A_310 = arith.mulf %get3A_307, %mul3A_309 : vector<16xf32>
        %add3A_311 = arith.addf %mul3A_310, %get3A_286 : vector<16xf32>
        %swap3A_312 = arith.index_cast %add3A_303 : i32 to index
        %swap3A_313 = arith.constant 16 : index
        %swap3A_314 = tpu.vector_load %arg8[%swap3A_312, %swap3A_313] {strides = array<i32>} : memref<400x64xf32, #tpu.memory_space<vmem>>, vector<1x16xf32>,
        %swap3A_315 = vector.shape_cast %swap3A_314 : vector<1x16xf32> to vector<16xf32>
        %swap3A_316 = vector.shape_cast %add3A_311 : vector<16xf32> to vector<1x16xf32>
        tpu.vector_store %arg8[%swap3A_312, %swap3A_313], %swap3A_316 {strides = array<i32>} : memref<400x64xf32, #tpu.memory_space<vmem>>, vector<1x16xf32>,
        %get3A_317 = arith.index_cast %scan3A_250 : i32 to index
        %get3A_318 = arith.constant 32 : index
        %get3A_319 = tpu.vector_load %arg7[%get3A_317, %get3A_318] {strides = array<i32>} : memref<200x64xf32, #tpu.memory_space<vmem>>, vector<1x16xf32>,
        %get3A_320 = vector.shape_cast %get3A_319 : vector<1x16xf32> to vector<16xf32>
        %add3A_321 = arith.constant 0 : i32
        %add3A_322 = arith.addi %add3A_321, %scan3A_250 : i32
        %get3A_323 = arith.index_cast %add3A_322 : i32 to index
        %get3A_324 = arith.constant 32 : index
        %get3A_325 = tpu.vector_load %arg8[%get3A_323, %get3A_324] {strides = array<i32>} : memref<400x64xf32, #tpu.memory_space<vmem>>, vector<1x16xf32>,
        %get3A_326 = vector.shape_cast %get3A_325 : vector<1x16xf32> to vector<16xf32>
        %mul3A_327 = arith.constant 8.000000e+00 : f32
        %mul3A_328 = vector.broadcast %mul3A_327 : f32 to vector<16xf32>
        %mul3A_329 = arith.mulf %get3A_326, %mul3A_328 : vector<16xf32>
        %add3A_330 = arith.addf %mul3A_329, %get3A_320 : vector<16xf32>
        %swap3A_331 = arith.index_cast %add3A_322 : i32 to index
        %swap3A_332 = arith.constant 32 : index
        %swap3A_333 = tpu.vector_load %arg8[%swap3A_331, %swap3A_332] {strides = array<i32>} : memref<400x64xf32, #tpu.memory_space<vmem>>, vector<1x16xf32>,
        %swap3A_334 = vector.shape_cast %swap3A_333 : vector<1x16xf32> to vector<16xf32>
        %swap3A_335 = vector.shape_cast %add3A_330 : vector<16xf32> to vector<1x16xf32>
        tpu.vector_store %arg8[%swap3A_331, %swap3A_332], %swap3A_335 {strides = array<i32>} : memref<400x64xf32, #tpu.memory_space<vmem>>, vector<1x16xf32>,
        %add3A_336 = arith.constant 200 : i32
        %add3A_337 = arith.addi %add3A_336, %scan3A_250 : i32
        %get3A_338 = arith.index_cast %add3A_337 : i32 to index
        %get3A_339 = arith.constant 32 : index
        %get3A_340 = tpu.vector_load %arg8[%get3A_338, %get3A_339] {strides = array<i32>} : memref<400x64xf32, #tpu.memory_space<vmem>>, vector<1x16xf32>,
        %get3A_341 = vector.shape_cast %get3A_340 : vector<1x16xf32> to vector<16xf32>
        %mul3A_342 = arith.constant 8.000000e+00 : f32
        %mul3A_343 = vector.broadcast %mul3A_342 : f32 to vector<16xf32>
        %mul3A_344 = arith.mulf %get3A_341, %mul3A_343 : vector<16xf32>
        %add3A_345 = arith.addf %mul3A_344, %get3A_320 : vector<16xf32>
        %swap3A_346 = arith.index_cast %add3A_337 : i32 to index
        %swap3A_347 = arith.constant 32 : index
        %swap3A_348 = tpu.vector_load %arg8[%swap3A_346, %swap3A_347] {strides = array<i32>} : memref<400x64xf32, #tpu.memory_space<vmem>>, vector<1x16xf32>,
        %swap3A_349 = vector.shape_cast %swap3A_348 : vector<1x16xf32> to vector<16xf32>
        %swap3A_350 = vector.shape_cast %add3A_345 : vector<16xf32> to vector<1x16xf32>
        tpu.vector_store %arg8[%swap3A_346, %swap3A_347], %swap3A_350 {strides = array<i32>} : memref<400x64xf32, #tpu.memory_space<vmem>>, vector<1x16xf32>,
        %get3A_351 = arith.index_cast %scan3A_250 : i32 to index
        %get3A_352 = arith.constant 48 : index
        %get3A_353 = tpu.vector_load %arg7[%get3A_351, %get3A_352] {strides = array<i32>} : memref<200x64xf32, #tpu.memory_space<vmem>>, vector<1x16xf32>,
        %get3A_354 = vector.shape_cast %get3A_353 : vector<1x16xf32> to vector<16xf32>
        %add3A_355 = arith.constant 0 : i32
        %add3A_356 = arith.addi %add3A_355, %scan3A_250 : i32
        %get3A_357 = arith.index_cast %add3A_356 : i32 to index
        %get3A_358 = arith.constant 48 : index
        %get3A_359 = tpu.vector_load %arg8[%get3A_357, %get3A_358] {strides = array<i32>} : memref<400x64xf32, #tpu.memory_space<vmem>>, vector<1x16xf32>,
        %get3A_360 = vector.shape_cast %get3A_359 : vector<1x16xf32> to vector<16xf32>
        %mul3A_361 = arith.constant 8.000000e+00 : f32
        %mul3A_362 = vector.broadcast %mul3A_361 : f32 to vector<16xf32>
        %mul3A_363 = arith.mulf %get3A_360, %mul3A_362 : vector<16xf32>
        %add3A_364 = arith.addf %mul3A_363, %get3A_354 : vector<16xf32>
        %swap3A_365 = arith.index_cast %add3A_356 : i32 to index
        %swap3A_366 = arith.constant 48 : index
        %swap3A_367 = tpu.vector_load %arg8[%swap3A_365, %swap3A_366] {strides = array<i32>} : memref<400x64xf32, #tpu.memory_space<vmem>>, vector<1x16xf32>,
        %swap3A_368 = vector.shape_cast %swap3A_367 : vector<1x16xf32> to vector<16xf32>
        %swap3A_369 = vector.shape_cast %add3A_364 : vector<16xf32> to vector<1x16xf32>
        tpu.vector_store %arg8[%swap3A_365, %swap3A_366], %swap3A_369 {strides = array<i32>} : memref<400x64xf32, #tpu.memory_space<vmem>>, vector<1x16xf32>,
        %add3A_370 = arith.constant 200 : i32
        %add3A_371 = arith.addi %add3A_370, %scan3A_250 : i32
        %get3A_372 = arith.index_cast %add3A_371 : i32 to index
        %get3A_373 = arith.constant 48 : index
        %get3A_374 = tpu.vector_load %arg8[%get3A_372, %get3A_373] {strides = array<i32>} : memref<400x64xf32, #tpu.memory_space<vmem>>, vector<1x16xf32>,
        %get3A_375 = vector.shape_cast %get3A_374 : vector<1x16xf32> to vector<16xf32>
        %mul3A_376 = arith.constant 8.000000e+00 : f32
        %mul3A_377 = vector.broadcast %mul3A_376 : f32 to vector<16xf32>
        %mul3A_378 = arith.mulf %get3A_375, %mul3A_377 : vector<16xf32>
        %add3A_379 = arith.addf %mul3A_378, %get3A_354 : vector<16xf32>
        %swap3A_380 = arith.index_cast %add3A_371 : i32 to index
        %swap3A_381 = arith.constant 48 : index
        %swap3A_382 = tpu.vector_load %arg8[%swap3A_380, %swap3A_381] {strides = array<i32>} : memref<400x64xf32, #tpu.memory_space<vmem>>, vector<1x16xf32>,
        %swap3A_383 = vector.shape_cast %swap3A_382 : vector<1x16xf32> to vector<16xf32>
        %swap3A_384 = vector.shape_cast %add3A_379 : vector<16xf32> to vector<1x16xf32>
        tpu.vector_store %arg8[%swap3A_380, %swap3A_381], %swap3A_384 {strides = array<i32>} : memref<400x64xf32, #tpu.memory_space<vmem>>, vector<1x16xf32>,
        %scan3A_385 = arith.constant 1 : i32
        %scan3A_386 = arith.addi %scan3A_250, %scan3A_385 : i32
        %get3A_387 = arith.index_cast %scan3A_386 : i32 to index
        %get3A_388 = arith.constant 0 : index
        %get3A_389 = tpu.vector_load %arg7[%get3A_387, %get3A_388] {strides = array<i32>} : memref<200x64xf32, #tpu.memory_space<vmem>>, vector<1x16xf32>,
        %get3A_390 = vector.shape_cast %get3A_389 : vector<1x16xf32> to vector<16xf32>
        %add3A_391 = arith.constant 0 : i32
        %add3A_392 = arith.addi %add3A_391, %scan3A_386 : i32
        %get3A_393 = arith.index_cast %add3A_392 : i32 to index
        %get3A_394 = arith.constant 0 : index
        %get3A_395 = tpu.vector_load %arg8[%get3A_393, %get3A_394] {strides = array<i32>} : memref<400x64xf32, #tpu.memory_space<vmem>>, vector<1x16xf32>,
        %get3A_396 = vector.shape_cast %get3A_395 : vector<1x16xf32> to vector<16xf32>
        %mul3A_397 = arith.constant 8.000000e+00 : f32
        %mul3A_398 = vector.broadcast %mul3A_397 : f32 to vector<16xf32>
        %mul3A_399 = arith.mulf %get3A_396, %mul3A_398 : vector<16xf32>
        %add3A_400 = arith.addf %mul3A_399, %get3A_390 : vector<16xf32>
        %swap3A_401 = arith.index_cast %add3A_392 : i32 to index
        %swap3A_402 = arith.constant 0 : index
        %swap3A_403 = tpu.vector_load %arg8[%swap3A_401, %swap3A_402] {strides = array<i32>} : memref<400x64xf32, #tpu.memory_space<vmem>>, vector<1x16xf32>,
        %swap3A_404 = vector.shape_cast %swap3A_403 : vector<1x16xf32> to vector<16xf32>
        %swap3A_405 = vector.shape_cast %add3A_400 : vector<16xf32> to vector<1x16xf32>
        tpu.vector_store %arg8[%swap3A_401, %swap3A_402], %swap3A_405 {strides = array<i32>} : memref<400x64xf32, #tpu.memory_space<vmem>>, vector<1x16xf32>,
        %add3A_406 = arith.constant 200 : i32
        %add3A_407 = arith.addi %add3A_406, %scan3A_386 : i32
        %get3A_408 = arith.index_cast %add3A_407 : i32 to index
        %get3A_409 = arith.constant 0 : index
        %get3A_410 = tpu.vector_load %arg8[%get3A_408, %get3A_409] {strides = array<i32>} : memref<400x64xf32, #tpu.memory_space<vmem>>, vector<1x16xf32>,
        %get3A_411 = vector.shape_cast %get3A_410 : vector<1x16xf32> to vector<16xf32>
        %mul3A_412 = arith.constant 8.000000e+00 : f32
        %mul3A_413 = vector.broadcast %mul3A_412 : f32 to vector<16xf32>
        %mul3A_414 = arith.mulf %get3A_411, %mul3A_413 : vector<16xf32>
        %add3A_415 = arith.addf %mul3A_414, %get3A_390 : vector<16xf32>
        %swap3A_416 = arith.index_cast %add3A_407 : i32 to index
        %swap3A_417 = arith.constant 0 : index
        %swap3A_418 = tpu.vector_load %arg8[%swap3A_416, %swap3A_417] {strides = array<i32>} : memref<400x64xf32, #tpu.memory_space<vmem>>, vector<1x16xf32>,
        %swap3A_419 = vector.shape_cast %swap3A_418 : vector<1x16xf32> to vector<16xf32>
        %swap3A_420 = vector.shape_cast %add3A_415 : vector<16xf32> to vector<1x16xf32>
        tpu.vector_store %arg8[%swap3A_416, %swap3A_417], %swap3A_420 {strides = array<i32>} : memref<400x64xf32, #tpu.memory_space<vmem>>, vector<1x16xf32>,
        %get3A_421 = arith.index_cast %scan3A_386 : i32 to index
        %get3A_422 = arith.constant 16 : index
        %get3A_423 = tpu.vector_load %arg7[%get3A_421, %get3A_422] {strides = array<i32>} : memref<200x64xf32, #tpu.memory_space<vmem>>, vector<1x16xf32>,
        %get3A_424 = vector.shape_cast %get3A_423 : vector<1x16xf32> to vector<16xf32>
        %add3A_425 = arith.constant 0 : i32
        %add3A_426 = arith.addi %add3A_425, %scan3A_386 : i32
        %get3A_427 = arith.index_cast %add3A_426 : i32 to index
        %get3A_428 = arith.constant 16 : index
        %get3A_429 = tpu.vector_load %arg8[%get3A_427, %get3A_428] {strides = array<i32>} : memref<400x64xf32, #tpu.memory_space<vmem>>, vector<1x16xf32>,
        %get3A_430 = vector.shape_cast %get3A_429 : vector<1x16xf32> to vector<16xf32>
        %mul3A_431 = arith.constant 8.000000e+00 : f32
        %mul3A_432 = vector.broadcast %mul3A_431 : f32 to vector<16xf32>
        %mul3A_433 = arith.mulf %get3A_430, %mul3A_432 : vector<16xf32>
        %add3A_434 = arith.addf %mul3A_433, %get3A_424 : vector<16xf32>
        %swap3A_435 = arith.index_cast %add3A_426 : i32 to index
        %swap3A_436 = arith.constant 16 : index
        %swap3A_437 = tpu.vector_load %arg8[%swap3A_435, %swap3A_436] {strides = array<i32>} : memref<400x64xf32, #tpu.memory_space<vmem>>, vector<1x16xf32>,
        %swap3A_438 = vector.shape_cast %swap3A_437 : vector<1x16xf32> to vector<16xf32>
        %swap3A_439 = vector.shape_cast %add3A_434 : vector<16xf32> to vector<1x16xf32>
        tpu.vector_store %arg8[%swap3A_435, %swap3A_436], %swap3A_439 {strides = array<i32>} : memref<400x64xf32, #tpu.memory_space<vmem>>, vector<1x16xf32>,
        %add3A_440 = arith.constant 200 : i32
        %add3A_441 = arith.addi %add3A_440, %scan3A_386 : i32
        %get3A_442 = arith.index_cast %add3A_441 : i32 to index
        %get3A_443 = arith.constant 16 : index
        %get3A_444 = tpu.vector_load %arg8[%get3A_442, %get3A_443] {strides = array<i32>} : memref<400x64xf32, #tpu.memory_space<vmem>>, vector<1x16xf32>,
        %get3A_445 = vector.shape_cast %get3A_444 : vector<1x16xf32> to vector<16xf32>
        %mul3A_446 = arith.constant 8.000000e+00 : f32
        %mul3A_447 = vector.broadcast %mul3A_446 : f32 to vector<16xf32>
        %mul3A_448 = arith.mulf %get3A_445, %mul3A_447 : vector<16xf32>
        %add3A_449 = arith.addf %mul3A_448, %get3A_424 : vector<16xf32>
        %swap3A_450 = arith.index_cast %add3A_441 : i32 to index
        %swap3A_451 = arith.constant 16 : index
        %swap3A_452 = tpu.vector_load %arg8[%swap3A_450, %swap3A_451] {strides = array<i32>} : memref<400x64xf32, #tpu.memory_space<vmem>>, vector<1x16xf32>,
        %swap3A_453 = vector.shape_cast %swap3A_452 : vector<1x16xf32> to vector<16xf32>
        %swap3A_454 = vector.shape_cast %add3A_449 : vector<16xf32> to vector<1x16xf32>
        tpu.vector_store %arg8[%swap3A_450, %swap3A_451], %swap3A_454 {strides = array<i32>} : memref<400x64xf32, #tpu.memory_space<vmem>>, vector<1x16xf32>,
        %get3A_455 = arith.index_cast %scan3A_386 : i32 to index
        %get3A_456 = arith.constant 32 : index
        %get3A_457 = tpu.vector_load %arg7[%get3A_455, %get3A_456] {strides = array<i32>} : memref<200x64xf32, #tpu.memory_space<vmem>>, vector<1x16xf32>,
        %get3A_458 = vector.shape_cast %get3A_457 : vector<1x16xf32> to vector<16xf32>
        %add3A_459 = arith.constant 0 : i32
        %add3A_460 = arith.addi %add3A_459, %scan3A_386 : i32
        %get3A_461 = arith.index_cast %add3A_460 : i32 to index
        %get3A_462 = arith.constant 32 : index
        %get3A_463 = tpu.vector_load %arg8[%get3A_461, %get3A_462] {strides = array<i32>} : memref<400x64xf32, #tpu.memory_space<vmem>>, vector<1x16xf32>,
        %get3A_464 = vector.shape_cast %get3A_463 : vector<1x16xf32> to vector<16xf32>
        %mul3A_465 = arith.constant 8.000000e+00 : f32
        %mul3A_466 = vector.broadcast %mul3A_465 : f32 to vector<16xf32>
        %mul3A_467 = arith.mulf %get3A_464, %mul3A_466 : vector<16xf32>
        %add3A_468 = arith.addf %mul3A_467, %get3A_458 : vector<16xf32>
        %swap3A_469 = arith.index_cast %add3A_460 : i32 to index
        %swap3A_470 = arith.constant 32 : index
        %swap3A_471 = tpu.vector_load %arg8[%swap3A_469, %swap3A_470] {strides = array<i32>} : memref<400x64xf32, #tpu.memory_space<vmem>>, vector<1x16xf32>,
        %swap3A_472 = vector.shape_cast %swap3A_471 : vector<1x16xf32> to vector<16xf32>
        %swap3A_473 = vector.shape_cast %add3A_468 : vector<16xf32> to vector<1x16xf32>
        tpu.vector_store %arg8[%swap3A_469, %swap3A_470], %swap3A_473 {strides = array<i32>} : memref<400x64xf32, #tpu.memory_space<vmem>>, vector<1x16xf32>,
        %add3A_474 = arith.constant 200 : i32
        %add3A_475 = arith.addi %add3A_474, %scan3A_386 : i32
        %get3A_476 = arith.index_cast %add3A_475 : i32 to index
        %get3A_477 = arith.constant 32 : index
        %get3A_478 = tpu.vector_load %arg8[%get3A_476, %get3A_477] {strides = array<i32>} : memref<400x64xf32, #tpu.memory_space<vmem>>, vector<1x16xf32>,
        %get3A_479 = vector.shape_cast %get3A_478 : vector<1x16xf32> to vector<16xf32>
        %mul3A_480 = arith.constant 8.000000e+00 : f32
        %mul3A_481 = vector.broadcast %mul3A_480 : f32 to vector<16xf32>
        %mul3A_482 = arith.mulf %get3A_479, %mul3A_481 : vector<16xf32>
        %add3A_483 = arith.addf %mul3A_482, %get3A_458 : vector<16xf32>
        %swap3A_484 = arith.index_cast %add3A_475 : i32 to index
        %swap3A_485 = arith.constant 32 : index
        %swap3A_486 = tpu.vector_load %arg8[%swap3A_484, %swap3A_485] {strides = array<i32>} : memref<400x64xf32, #tpu.memory_space<vmem>>, vector<1x16xf32>,
        %swap3A_487 = vector.shape_cast %swap3A_486 : vector<1x16xf32> to vector<16xf32>
        %swap3A_488 = vector.shape_cast %add3A_483 : vector<16xf32> to vector<1x16xf32>
        tpu.vector_store %arg8[%swap3A_484, %swap3A_485], %swap3A_488 {strides = array<i32>} : memref<400x64xf32, #tpu.memory_space<vmem>>, vector<1x16xf32>,
        %get3A_489 = arith.index_cast %scan3A_386 : i32 to index
        %get3A_490 = arith.constant 48 : index
        %get3A_491 = tpu.vector_load %arg7[%get3A_489, %get3A_490] {strides = array<i32>} : memref<200x64xf32, #tpu.memory_space<vmem>>, vector<1x16xf32>,
        %get3A_492 = vector.shape_cast %get3A_491 : vector<1x16xf32> to vector<16xf32>
        %add3A_493 = arith.constant 0 : i32
        %add3A_494 = arith.addi %add3A_493, %scan3A_386 : i32
        %get3A_495 = arith.index_cast %add3A_494 : i32 to index
        %get3A_496 = arith.constant 48 : index
        %get3A_497 = tpu.vector_load %arg8[%get3A_495, %get3A_496] {strides = array<i32>} : memref<400x64xf32, #tpu.memory_space<vmem>>, vector<1x16xf32>,
        %get3A_498 = vector.shape_cast %get3A_497 : vector<1x16xf32> to vector<16xf32>
        %mul3A_499 = arith.constant 8.000000e+00 : f32
        %mul3A_500 = vector.broadcast %mul3A_499 : f32 to vector<16xf32>
        %mul3A_501 = arith.mulf %get3A_498, %mul3A_500 : vector<16xf32>
        %add3A_502 = arith.addf %mul3A_501, %get3A_492 : vector<16xf32>
        %swap3A_503 = arith.index_cast %add3A_494 : i32 to index
        %swap3A_504 = arith.constant 48 : index
        %swap3A_505 = tpu.vector_load %arg8[%swap3A_503, %swap3A_504] {strides = array<i32>} : memref<400x64xf32, #tpu.memory_space<vmem>>, vector<1x16xf32>,
        %swap3A_506 = vector.shape_cast %swap3A_505 : vector<1x16xf32> to vector<16xf32>
        %swap3A_507 = vector.shape_cast %add3A_502 : vector<16xf32> to vector<1x16xf32>
        tpu.vector_store %arg8[%swap3A_503, %swap3A_504], %swap3A_507 {strides = array<i32>} : memref<400x64xf32, #tpu.memory_space<vmem>>, vector<1x16xf32>,
        %add3A_508 = arith.constant 200 : i32
        %add3A_509 = arith.addi %add3A_508, %scan3A_386 : i32
        %get3A_510 = arith.index_cast %add3A_509 : i32 to index
        %get3A_511 = arith.constant 48 : index
        %get3A_512 = tpu.vector_load %arg8[%get3A_510, %get3A_511] {strides = array<i32>} : memref<400x64xf32, #tpu.memory_space<vmem>>, vector<1x16xf32>,
        %get3A_513 = vector.shape_cast %get3A_512 : vector<1x16xf32> to vector<16xf32>
        %mul3A_514 = arith.constant 8.000000e+00 : f32
        %mul3A_515 = vector.broadcast %mul3A_514 : f32 to vector<16xf32>
        %mul3A_516 = arith.mulf %get3A_513, %mul3A_515 : vector<16xf32>
        %add3A_517 = arith.addf %mul3A_516, %get3A_492 : vector<16xf32>
        %swap3A_518 = arith.index_cast %add3A_509 : i32 to index
        %swap3A_519 = arith.constant 48 : index
        %swap3A_520 = tpu.vector_load %arg8[%swap3A_518, %swap3A_519] {strides = array<i32>} : memref<400x64xf32, #tpu.memory_space<vmem>>, vector<1x16xf32>,
        %swap3A_521 = vector.shape_cast %swap3A_520 : vector<1x16xf32> to vector<16xf32>
        %swap3A_522 = vector.shape_cast %add3A_517 : vector<16xf32> to vector<1x16xf32>
        tpu.vector_store %arg8[%swap3A_518, %swap3A_519], %swap3A_522 {strides = array<i32>} : memref<400x64xf32, #tpu.memory_space<vmem>>, vector<1x16xf32>,
      }
      %scan3A_184 = arith.constant 200 : i32
      %mul3A_185 = arith.constant 400 : i32
      %mul3A_186 = arith.muli %add3A_172, %mul3A_185 : i32
      %add3A_187 = arith.addi %mul3A_2, %mul3A_186 : i32
      %dma_start3A_188 = arith.constant 0 : i32
      %dma_start3A_189 = tpu.memref_slice %arg5[%add3A_187, %dma_start3A_188] : memref<819200x64xf32, #tpu.memory_space<hbm>> -> memref<400x64xf32, #tpu.memory_space<hbm>>
      %dma_start3A_190 = arith.constant 0 : i32
      %dma_start3A_191 = tpu.memref_slice %arg5[%add3A_187, %dma_start3A_190] : memref<819200x64xf32, #tpu.memory_space<hbm>> -> memref<400x64xf32, #tpu.memory_space<hbm>>
      tpu.enqueue_dma source(%arg8 : memref<400x64xf32, #tpu.memory_space<vmem>>) target(%dma_start3A_191 : memref<400x64xf32, #tpu.memory_space<hbm>>) target_semaphore(%arg14 : memref<!tpu.dma_semaphore, #tpu.memory_space<semaphore_mem>>)
      %le3A = arith.constant 60 : i32
      %le3A_192 = arith.cmpi sle, %add3A_172, %le3A : i32
      %convert_element_type3A = arith.extui %le3A_192 : i1 to i32
      %cond3A = arith.constant 0 : i32
      %cond3A_193 = arith.cmpi ne, %convert_element_type3A, %cond3A : i32
      scf.if %cond3A_193 {
        %ge3A = arith.constant 1 : i32
        %ge3A_250 = arith.cmpi sge, %add3A_172, %ge3A : i32
        %convert_element_type3A_251 = arith.extui %ge3A_250 : i1 to i32
        %cond3A_252 = arith.constant 0 : i32
        %cond3A_253 = arith.cmpi ne, %convert_element_type3A_251, %cond3A_252 : i32
        scf.if %cond3A_253 {
          %dma_wait3A_308 = arith.constant 0 : i32
          %dma_wait3A_309 = arith.constant 0 : i32
          %dma_wait3A_310 = tpu.memref_slice %arg3[%dma_wait3A_308, %dma_wait3A_309] : memref<100000x64xf32, #tpu.memory_space<hbm>> -> memref<400x64xf32, #tpu.memory_space<hbm>>
          %dma_wait3A_311 = arith.constant 0 : i32
          %dma_wait3A_312 = arith.constant 0 : i32
          %dma_wait3A_313 = tpu.memref_slice %arg3[%dma_wait3A_311, %dma_wait3A_312] : memref<100000x64xf32, #tpu.memory_space<hbm>> -> memref<400x64xf32, #tpu.memory_space<hbm>>
          tpu.wait_dma2 semaphore(%arg16 : memref<!tpu.dma_semaphore, #tpu.memory_space<semaphore_mem>>) src(%dma_wait3A_313 : memref<400x64xf32, #tpu.memory_space<hbm>>) dst(%arg10 : memref<400x64xf32, #tpu.memory_space<vmem>>)
        } else {
        }
        %add3A_254 = arith.constant 2 : i32
        %add3A_255 = arith.addi %add3A_172, %add3A_254 : i32
        %mul3A_256 = arith.constant 4 : i32
        %mul3A_257 = arith.muli %add3A_255, %mul3A_256 : i32
        %add3A_258 = arith.constant 0 : i32
        %add3A_259 = arith.addi %mul3A_257, %add3A_258 : i32
        %dma_start3A_260 = arith.constant 0 : i32
        %dma_start3A_261 = arith.constant 0 : i32
        %dma_start3A_262 = tpu.memref_slice %arg10[%dma_start3A_260, %dma_start3A_261] : memref<400x64xf32, #tpu.memory_space<vmem>> -> memref<100x64xf32, #tpu.memory_space<vmem>>
        %dma_start3A_263 = arith.constant 0 : i32
        %dma_start3A_264 = tpu.memref_slice %arg6[%add3A_259, %dma_start3A_263] : memref<256x100xi32, #tpu.memory_space<vmem>> -> memref<1x100xi32, #tpu.memory_space<vmem>>
        %dma_start3A_265 = tpu.memref_squeeze %dma_start3A_264 : memref<1x100xi32, #tpu.memory_space<vmem>> -> memref<100xi32, #tpu.memory_space<vmem>>
        %dma_start3A_266 = arith.constant 0 : i32
        %dma_start3A_267 = arith.constant 0 : i32
        %dma_start3A_268 = tpu.memref_slice %arg3[%dma_start3A_266, %dma_start3A_267] : memref<100000x64xf32, #tpu.memory_space<hbm>> -> memref<100000x64xf32, #tpu.memory_space<hbm>>
        tpu.enqueue_indirect_dma source(%dma_start3A_268 : memref<100000x64xf32, #tpu.memory_space<hbm>>) target(%dma_start3A_262 : memref<100x64xf32, #tpu.memory_space<vmem>>) offsets(%dma_start3A_265 : memref<100xi32, #tpu.memory_space<vmem>>) semaphore(%arg13 : memref<!tpu.dma_semaphore, #tpu.memory_space<semaphore_mem>>)
        %mul3A_269 = arith.constant 4 : i32
        %mul3A_270 = arith.muli %add3A_255, %mul3A_269 : i32
        %add3A_271 = arith.constant 1 : i32
        %add3A_272 = arith.addi %mul3A_270, %add3A_271 : i32
        %dma_start3A_273 = arith.constant 100 : i32
        %dma_start3A_274 = arith.constant 0 : i32
        %dma_start3A_275 = tpu.memref_slice %arg10[%dma_start3A_273, %dma_start3A_274] : memref<400x64xf32, #tpu.memory_space<vmem>> -> memref<100x64xf32, #tpu.memory_space<vmem>>
        %dma_start3A_276 = arith.constant 0 : i32
        %dma_start3A_277 = tpu.memref_slice %arg6[%add3A_272, %dma_start3A_276] : memref<256x100xi32, #tpu.memory_space<vmem>> -> memref<1x100xi32, #tpu.memory_space<vmem>>
        %dma_start3A_278 = tpu.memref_squeeze %dma_start3A_277 : memref<1x100xi32, #tpu.memory_space<vmem>> -> memref<100xi32, #tpu.memory_space<vmem>>
        %dma_start3A_279 = arith.constant 0 : i32
        %dma_start3A_280 = arith.constant 0 : i32
        %dma_start3A_281 = tpu.memref_slice %arg3[%dma_start3A_279, %dma_start3A_280] : memref<100000x64xf32, #tpu.memory_space<hbm>> -> memref<100000x64xf32, #tpu.memory_space<hbm>>
        tpu.enqueue_indirect_dma source(%dma_start3A_281 : memref<100000x64xf32, #tpu.memory_space<hbm>>) target(%dma_start3A_275 : memref<100x64xf32, #tpu.memory_space<vmem>>) offsets(%dma_start3A_278 : memref<100xi32, #tpu.memory_space<vmem>>) semaphore(%arg13 : memref<!tpu.dma_semaphore, #tpu.memory_space<semaphore_mem>>)
        %mul3A_282 = arith.constant 4 : i32
        %mul3A_283 = arith.muli %add3A_255, %mul3A_282 : i32
        %add3A_284 = arith.constant 2 : i32
        %add3A_285 = arith.addi %mul3A_283, %add3A_284 : i32
        %dma_start3A_286 = arith.constant 200 : i32
        %dma_start3A_287 = arith.constant 0 : i32
        %dma_start3A_288 = tpu.memref_slice %arg10[%dma_start3A_286, %dma_start3A_287] : memref<400x64xf32, #tpu.memory_space<vmem>> -> memref<100x64xf32, #tpu.memory_space<vmem>>
        %dma_start3A_289 = arith.constant 0 : i32
        %dma_start3A_290 = tpu.memref_slice %arg6[%add3A_285, %dma_start3A_289] : memref<256x100xi32, #tpu.memory_space<vmem>> -> memref<1x100xi32, #tpu.memory_space<vmem>>
        %dma_start3A_291 = tpu.memref_squeeze %dma_start3A_290 : memref<1x100xi32, #tpu.memory_space<vmem>> -> memref<100xi32, #tpu.memory_space<vmem>>
        %dma_start3A_292 = arith.constant 0 : i32
        %dma_start3A_293 = arith.constant 0 : i32
        %dma_start3A_294 = tpu.memref_slice %arg3[%dma_start3A_292, %dma_start3A_293] : memref<100000x64xf32, #tpu.memory_space<hbm>> -> memref<100000x64xf32, #tpu.memory_space<hbm>>
        tpu.enqueue_indirect_dma source(%dma_start3A_294 : memref<100000x64xf32, #tpu.memory_space<hbm>>) target(%dma_start3A_288 : memref<100x64xf32, #tpu.memory_space<vmem>>) offsets(%dma_start3A_291 : memref<100xi32, #tpu.memory_space<vmem>>) semaphore(%arg13 : memref<!tpu.dma_semaphore, #tpu.memory_space<semaphore_mem>>)
        %mul3A_295 = arith.constant 4 : i32
        %mul3A_296 = arith.muli %add3A_255, %mul3A_295 : i32
        %add3A_297 = arith.constant 3 : i32
        %add3A_298 = arith.addi %mul3A_296, %add3A_297 : i32
        %dma_start3A_299 = arith.constant 300 : i32
        %dma_start3A_300 = arith.constant 0 : i32
        %dma_start3A_301 = tpu.memref_slice %arg10[%dma_start3A_299, %dma_start3A_300] : memref<400x64xf32, #tpu.memory_space<vmem>> -> memref<100x64xf32, #tpu.memory_space<vmem>>
        %dma_start3A_302 = arith.constant 0 : i32
        %dma_start3A_303 = tpu.memref_slice %arg6[%add3A_298, %dma_start3A_302] : memref<256x100xi32, #tpu.memory_space<vmem>> -> memref<1x100xi32, #tpu.memory_space<vmem>>
        %dma_start3A_304 = tpu.memref_squeeze %dma_start3A_303 : memref<1x100xi32, #tpu.memory_space<vmem>> -> memref<100xi32, #tpu.memory_space<vmem>>
        %dma_start3A_305 = arith.constant 0 : i32
        %dma_start3A_306 = arith.constant 0 : i32
        %dma_start3A_307 = tpu.memref_slice %arg3[%dma_start3A_305, %dma_start3A_306] : memref<100000x64xf32, #tpu.memory_space<hbm>> -> memref<100000x64xf32, #tpu.memory_space<hbm>>
        tpu.enqueue_indirect_dma source(%dma_start3A_307 : memref<100000x64xf32, #tpu.memory_space<hbm>>) target(%dma_start3A_301 : memref<100x64xf32, #tpu.memory_space<vmem>>) offsets(%dma_start3A_304 : memref<100xi32, #tpu.memory_space<vmem>>) semaphore(%arg13 : memref<!tpu.dma_semaphore, #tpu.memory_space<semaphore_mem>>)
      } else {
      }
      %mul3A_194 = arith.constant 3 : i32
      %mul3A_195 = arith.muli %mul3A_194, %scan3A_168 : i32
      %add3A_196 = arith.constant 1 : i32
      %add3A_197 = arith.addi %mul3A_195, %add3A_196 : i32
      %dma_wait3A_198 = arith.constant 0 : i32
      %dma_wait3A_199 = arith.constant 0 : i32
      %dma_wait3A_200 = tpu.memref_slice %arg3[%dma_wait3A_198, %dma_wait3A_199] : memref<100000x64xf32, #tpu.memory_space<hbm>> -> memref<400x64xf32, #tpu.memory_space<hbm>>
      %dma_wait3A_201 = arith.constant 0 : i32
      %dma_wait3A_202 = arith.constant 0 : i32
      %dma_wait3A_203 = tpu.memref_slice %arg3[%dma_wait3A_201, %dma_wait3A_202] : memref<100000x64xf32, #tpu.memory_space<hbm>> -> memref<400x64xf32, #tpu.memory_space<hbm>>
      tpu.wait_dma2 semaphore(%arg12 : memref<!tpu.dma_semaphore, #tpu.memory_space<semaphore_mem>>) src(%dma_wait3A_203 : memref<400x64xf32, #tpu.memory_space<hbm>>) dst(%arg9 : memref<400x64xf32, #tpu.memory_space<vmem>>)
      %scan3A_204 = arith.constant 0 : i32
      %scan3A_205 = arith.constant 0 : i32
      %scan3A_206 = arith.constant 200 : i32
      %scan3A_207 = arith.addi %scan3A_205, %scan3A_206 : i32
      %scan3A_208 = arith.constant 2 : i32
      scf.for %scan3A_250 = %scan3A_205 to %scan3A_207 step %scan3A_208  : i32 {
        %get3A = arith.index_cast %scan3A_250 : i32 to index
        %get3A_251 = arith.constant 0 : index
        %get3A_252 = tpu.vector_load %arg7[%get3A, %get3A_251] {strides = array<i32>} : memref<200x64xf32, #tpu.memory_space<vmem>>, vector<1x16xf32>,
        %get3A_253 = vector.shape_cast %get3A_252 : vector<1x16xf32> to vector<16xf32>
        %add3A_254 = arith.constant 0 : i32
        %add3A_255 = arith.addi %add3A_254, %scan3A_250 : i32
        %get3A_256 = arith.index_cast %add3A_255 : i32 to index
        %get3A_257 = arith.constant 0 : index
        %get3A_258 = tpu.vector_load %arg9[%get3A_256, %get3A_257] {strides = array<i32>} : memref<400x64xf32, #tpu.memory_space<vmem>>, vector<1x16xf32>,
        %get3A_259 = vector.shape_cast %get3A_258 : vector<1x16xf32> to vector<16xf32>
        %mul3A_260 = arith.constant 8.000000e+00 : f32
        %mul3A_261 = vector.broadcast %mul3A_260 : f32 to vector<16xf32>
        %mul3A_262 = arith.mulf %get3A_259, %mul3A_261 : vector<16xf32>
        %add3A_263 = arith.addf %mul3A_262, %get3A_253 : vector<16xf32>
        %swap3A = arith.index_cast %add3A_255 : i32 to index
        %swap3A_264 = arith.constant 0 : index
        %swap3A_265 = tpu.vector_load %arg9[%swap3A, %swap3A_264] {strides = array<i32>} : memref<400x64xf32, #tpu.memory_space<vmem>>, vector<1x16xf32>,
        %swap3A_266 = vector.shape_cast %swap3A_265 : vector<1x16xf32> to vector<16xf32>
        %swap3A_267 = vector.shape_cast %add3A_263 : vector<16xf32> to vector<1x16xf32>
        tpu.vector_store %arg9[%swap3A, %swap3A_264], %swap3A_267 {strides = array<i32>} : memref<400x64xf32, #tpu.memory_space<vmem>>, vector<1x16xf32>,
        %add3A_268 = arith.constant 200 : i32
        %add3A_269 = arith.addi %add3A_268, %scan3A_250 : i32
        %get3A_270 = arith.index_cast %add3A_269 : i32 to index
        %get3A_271 = arith.constant 0 : index
        %get3A_272 = tpu.vector_load %arg9[%get3A_270, %get3A_271] {strides = array<i32>} : memref<400x64xf32, #tpu.memory_space<vmem>>, vector<1x16xf32>,
        %get3A_273 = vector.shape_cast %get3A_272 : vector<1x16xf32> to vector<16xf32>
        %mul3A_274 = arith.constant 8.000000e+00 : f32
        %mul3A_275 = vector.broadcast %mul3A_274 : f32 to vector<16xf32>
        %mul3A_276 = arith.mulf %get3A_273, %mul3A_275 : vector<16xf32>
        %add3A_277 = arith.addf %mul3A_276, %get3A_253 : vector<16xf32>
        %swap3A_278 = arith.index_cast %add3A_269 : i32 to index
        %swap3A_279 = arith.constant 0 : index
        %swap3A_280 = tpu.vector_load %arg9[%swap3A_278, %swap3A_279] {strides = array<i32>} : memref<400x64xf32, #tpu.memory_space<vmem>>, vector<1x16xf32>,
        %swap3A_281 = vector.shape_cast %swap3A_280 : vector<1x16xf32> to vector<16xf32>
        %swap3A_282 = vector.shape_cast %add3A_277 : vector<16xf32> to vector<1x16xf32>
        tpu.vector_store %arg9[%swap3A_278, %swap3A_279], %swap3A_282 {strides = array<i32>} : memref<400x64xf32, #tpu.memory_space<vmem>>, vector<1x16xf32>,
        %get3A_283 = arith.index_cast %scan3A_250 : i32 to index
        %get3A_284 = arith.constant 16 : index
        %get3A_285 = tpu.vector_load %arg7[%get3A_283, %get3A_284] {strides = array<i32>} : memref<200x64xf32, #tpu.memory_space<vmem>>, vector<1x16xf32>,
        %get3A_286 = vector.shape_cast %get3A_285 : vector<1x16xf32> to vector<16xf32>
        %add3A_287 = arith.constant 0 : i32
        %add3A_288 = arith.addi %add3A_287, %scan3A_250 : i32
        %get3A_289 = arith.index_cast %add3A_288 : i32 to index
        %get3A_290 = arith.constant 16 : index
        %get3A_291 = tpu.vector_load %arg9[%get3A_289, %get3A_290] {strides = array<i32>} : memref<400x64xf32, #tpu.memory_space<vmem>>, vector<1x16xf32>,
        %get3A_292 = vector.shape_cast %get3A_291 : vector<1x16xf32> to vector<16xf32>
        %mul3A_293 = arith.constant 8.000000e+00 : f32
        %mul3A_294 = vector.broadcast %mul3A_293 : f32 to vector<16xf32>
        %mul3A_295 = arith.mulf %get3A_292, %mul3A_294 : vector<16xf32>
        %add3A_296 = arith.addf %mul3A_295, %get3A_286 : vector<16xf32>
        %swap3A_297 = arith.index_cast %add3A_288 : i32 to index
        %swap3A_298 = arith.constant 16 : index
        %swap3A_299 = tpu.vector_load %arg9[%swap3A_297, %swap3A_298] {strides = array<i32>} : memref<400x64xf32, #tpu.memory_space<vmem>>, vector<1x16xf32>,
        %swap3A_300 = vector.shape_cast %swap3A_299 : vector<1x16xf32> to vector<16xf32>
        %swap3A_301 = vector.shape_cast %add3A_296 : vector<16xf32> to vector<1x16xf32>
        tpu.vector_store %arg9[%swap3A_297, %swap3A_298], %swap3A_301 {strides = array<i32>} : memref<400x64xf32, #tpu.memory_space<vmem>>, vector<1x16xf32>,
        %add3A_302 = arith.constant 200 : i32
        %add3A_303 = arith.addi %add3A_302, %scan3A_250 : i32
        %get3A_304 = arith.index_cast %add3A_303 : i32 to index
        %get3A_305 = arith.constant 16 : index
        %get3A_306 = tpu.vector_load %arg9[%get3A_304, %get3A_305] {strides = array<i32>} : memref<400x64xf32, #tpu.memory_space<vmem>>, vector<1x16xf32>,
        %get3A_307 = vector.shape_cast %get3A_306 : vector<1x16xf32> to vector<16xf32>
        %mul3A_308 = arith.constant 8.000000e+00 : f32
        %mul3A_309 = vector.broadcast %mul3A_308 : f32 to vector<16xf32>
        %mul3A_310 = arith.mulf %get3A_307, %mul3A_309 : vector<16xf32>
        %add3A_311 = arith.addf %mul3A_310, %get3A_286 : vector<16xf32>
        %swap3A_312 = arith.index_cast %add3A_303 : i32 to index
        %swap3A_313 = arith.constant 16 : index
        %swap3A_314 = tpu.vector_load %arg9[%swap3A_312, %swap3A_313] {strides = array<i32>} : memref<400x64xf32, #tpu.memory_space<vmem>>, vector<1x16xf32>,
        %swap3A_315 = vector.shape_cast %swap3A_314 : vector<1x16xf32> to vector<16xf32>
        %swap3A_316 = vector.shape_cast %add3A_311 : vector<16xf32> to vector<1x16xf32>
        tpu.vector_store %arg9[%swap3A_312, %swap3A_313], %swap3A_316 {strides = array<i32>} : memref<400x64xf32, #tpu.memory_space<vmem>>, vector<1x16xf32>,
        %get3A_317 = arith.index_cast %scan3A_250 : i32 to index
        %get3A_318 = arith.constant 32 : index
        %get3A_319 = tpu.vector_load %arg7[%get3A_317, %get3A_318] {strides = array<i32>} : memref<200x64xf32, #tpu.memory_space<vmem>>, vector<1x16xf32>,
        %get3A_320 = vector.shape_cast %get3A_319 : vector<1x16xf32> to vector<16xf32>
        %add3A_321 = arith.constant 0 : i32
        %add3A_322 = arith.addi %add3A_321, %scan3A_250 : i32
        %get3A_323 = arith.index_cast %add3A_322 : i32 to index
        %get3A_324 = arith.constant 32 : index
        %get3A_325 = tpu.vector_load %arg9[%get3A_323, %get3A_324] {strides = array<i32>} : memref<400x64xf32, #tpu.memory_space<vmem>>, vector<1x16xf32>,
        %get3A_326 = vector.shape_cast %get3A_325 : vector<1x16xf32> to vector<16xf32>
        %mul3A_327 = arith.constant 8.000000e+00 : f32
        %mul3A_328 = vector.broadcast %mul3A_327 : f32 to vector<16xf32>
        %mul3A_329 = arith.mulf %get3A_326, %mul3A_328 : vector<16xf32>
        %add3A_330 = arith.addf %mul3A_329, %get3A_320 : vector<16xf32>
        %swap3A_331 = arith.index_cast %add3A_322 : i32 to index
        %swap3A_332 = arith.constant 32 : index
        %swap3A_333 = tpu.vector_load %arg9[%swap3A_331, %swap3A_332] {strides = array<i32>} : memref<400x64xf32, #tpu.memory_space<vmem>>, vector<1x16xf32>,
        %swap3A_334 = vector.shape_cast %swap3A_333 : vector<1x16xf32> to vector<16xf32>
        %swap3A_335 = vector.shape_cast %add3A_330 : vector<16xf32> to vector<1x16xf32>
        tpu.vector_store %arg9[%swap3A_331, %swap3A_332], %swap3A_335 {strides = array<i32>} : memref<400x64xf32, #tpu.memory_space<vmem>>, vector<1x16xf32>,
        %add3A_336 = arith.constant 200 : i32
        %add3A_337 = arith.addi %add3A_336, %scan3A_250 : i32
        %get3A_338 = arith.index_cast %add3A_337 : i32 to index
        %get3A_339 = arith.constant 32 : index
        %get3A_340 = tpu.vector_load %arg9[%get3A_338, %get3A_339] {strides = array<i32>} : memref<400x64xf32, #tpu.memory_space<vmem>>, vector<1x16xf32>,
        %get3A_341 = vector.shape_cast %get3A_340 : vector<1x16xf32> to vector<16xf32>
        %mul3A_342 = arith.constant 8.000000e+00 : f32
        %mul3A_343 = vector.broadcast %mul3A_342 : f32 to vector<16xf32>
        %mul3A_344 = arith.mulf %get3A_341, %mul3A_343 : vector<16xf32>
        %add3A_345 = arith.addf %mul3A_344, %get3A_320 : vector<16xf32>
        %swap3A_346 = arith.index_cast %add3A_337 : i32 to index
        %swap3A_347 = arith.constant 32 : index
        %swap3A_348 = tpu.vector_load %arg9[%swap3A_346, %swap3A_347] {strides = array<i32>} : memref<400x64xf32, #tpu.memory_space<vmem>>, vector<1x16xf32>,
        %swap3A_349 = vector.shape_cast %swap3A_348 : vector<1x16xf32> to vector<16xf32>
        %swap3A_350 = vector.shape_cast %add3A_345 : vector<16xf32> to vector<1x16xf32>
        tpu.vector_store %arg9[%swap3A_346, %swap3A_347], %swap3A_350 {strides = array<i32>} : memref<400x64xf32, #tpu.memory_space<vmem>>, vector<1x16xf32>,
        %get3A_351 = arith.index_cast %scan3A_250 : i32 to index
        %get3A_352 = arith.constant 48 : index
        %get3A_353 = tpu.vector_load %arg7[%get3A_351, %get3A_352] {strides = array<i32>} : memref<200x64xf32, #tpu.memory_space<vmem>>, vector<1x16xf32>,
        %get3A_354 = vector.shape_cast %get3A_353 : vector<1x16xf32> to vector<16xf32>
        %add3A_355 = arith.constant 0 : i32
        %add3A_356 = arith.addi %add3A_355, %scan3A_250 : i32
        %get3A_357 = arith.index_cast %add3A_356 : i32 to index
        %get3A_358 = arith.constant 48 : index
        %get3A_359 = tpu.vector_load %arg9[%get3A_357, %get3A_358] {strides = array<i32>} : memref<400x64xf32, #tpu.memory_space<vmem>>, vector<1x16xf32>,
        %get3A_360 = vector.shape_cast %get3A_359 : vector<1x16xf32> to vector<16xf32>
        %mul3A_361 = arith.constant 8.000000e+00 : f32
        %mul3A_362 = vector.broadcast %mul3A_361 : f32 to vector<16xf32>
        %mul3A_363 = arith.mulf %get3A_360, %mul3A_362 : vector<16xf32>
        %add3A_364 = arith.addf %mul3A_363, %get3A_354 : vector<16xf32>
        %swap3A_365 = arith.index_cast %add3A_356 : i32 to index
        %swap3A_366 = arith.constant 48 : index
        %swap3A_367 = tpu.vector_load %arg9[%swap3A_365, %swap3A_366] {strides = array<i32>} : memref<400x64xf32, #tpu.memory_space<vmem>>, vector<1x16xf32>,
        %swap3A_368 = vector.shape_cast %swap3A_367 : vector<1x16xf32> to vector<16xf32>
        %swap3A_369 = vector.shape_cast %add3A_364 : vector<16xf32> to vector<1x16xf32>
        tpu.vector_store %arg9[%swap3A_365, %swap3A_366], %swap3A_369 {strides = array<i32>} : memref<400x64xf32, #tpu.memory_space<vmem>>, vector<1x16xf32>,
        %add3A_370 = arith.constant 200 : i32
        %add3A_371 = arith.addi %add3A_370, %scan3A_250 : i32
        %get3A_372 = arith.index_cast %add3A_371 : i32 to index
        %get3A_373 = arith.constant 48 : index
        %get3A_374 = tpu.vector_load %arg9[%get3A_372, %get3A_373] {strides = array<i32>} : memref<400x64xf32, #tpu.memory_space<vmem>>, vector<1x16xf32>,
        %get3A_375 = vector.shape_cast %get3A_374 : vector<1x16xf32> to vector<16xf32>
        %mul3A_376 = arith.constant 8.000000e+00 : f32
        %mul3A_377 = vector.broadcast %mul3A_376 : f32 to vector<16xf32>
        %mul3A_378 = arith.mulf %get3A_375, %mul3A_377 : vector<16xf32>
        %add3A_379 = arith.addf %mul3A_378, %get3A_354 : vector<16xf32>
        %swap3A_380 = arith.index_cast %add3A_371 : i32 to index
        %swap3A_381 = arith.constant 48 : index
        %swap3A_382 = tpu.vector_load %arg9[%swap3A_380, %swap3A_381] {strides = array<i32>} : memref<400x64xf32, #tpu.memory_space<vmem>>, vector<1x16xf32>,
        %swap3A_383 = vector.shape_cast %swap3A_382 : vector<1x16xf32> to vector<16xf32>
        %swap3A_384 = vector.shape_cast %add3A_379 : vector<16xf32> to vector<1x16xf32>
        tpu.vector_store %arg9[%swap3A_380, %swap3A_381], %swap3A_384 {strides = array<i32>} : memref<400x64xf32, #tpu.memory_space<vmem>>, vector<1x16xf32>,
        %scan3A_385 = arith.constant 1 : i32
        %scan3A_386 = arith.addi %scan3A_250, %scan3A_385 : i32
        %get3A_387 = arith.index_cast %scan3A_386 : i32 to index
        %get3A_388 = arith.constant 0 : index
        %get3A_389 = tpu.vector_load %arg7[%get3A_387, %get3A_388] {strides = array<i32>} : memref<200x64xf32, #tpu.memory_space<vmem>>, vector<1x16xf32>,
        %get3A_390 = vector.shape_cast %get3A_389 : vector<1x16xf32> to vector<16xf32>
        %add3A_391 = arith.constant 0 : i32
        %add3A_392 = arith.addi %add3A_391, %scan3A_386 : i32
        %get3A_393 = arith.index_cast %add3A_392 : i32 to index
        %get3A_394 = arith.constant 0 : index
        %get3A_395 = tpu.vector_load %arg9[%get3A_393, %get3A_394] {strides = array<i32>} : memref<400x64xf32, #tpu.memory_space<vmem>>, vector<1x16xf32>,
        %get3A_396 = vector.shape_cast %get3A_395 : vector<1x16xf32> to vector<16xf32>
        %mul3A_397 = arith.constant 8.000000e+00 : f32
        %mul3A_398 = vector.broadcast %mul3A_397 : f32 to vector<16xf32>
        %mul3A_399 = arith.mulf %get3A_396, %mul3A_398 : vector<16xf32>
        %add3A_400 = arith.addf %mul3A_399, %get3A_390 : vector<16xf32>
        %swap3A_401 = arith.index_cast %add3A_392 : i32 to index
        %swap3A_402 = arith.constant 0 : index
        %swap3A_403 = tpu.vector_load %arg9[%swap3A_401, %swap3A_402] {strides = array<i32>} : memref<400x64xf32, #tpu.memory_space<vmem>>, vector<1x16xf32>,
        %swap3A_404 = vector.shape_cast %swap3A_403 : vector<1x16xf32> to vector<16xf32>
        %swap3A_405 = vector.shape_cast %add3A_400 : vector<16xf32> to vector<1x16xf32>
        tpu.vector_store %arg9[%swap3A_401, %swap3A_402], %swap3A_405 {strides = array<i32>} : memref<400x64xf32, #tpu.memory_space<vmem>>, vector<1x16xf32>,
        %add3A_406 = arith.constant 200 : i32
        %add3A_407 = arith.addi %add3A_406, %scan3A_386 : i32
        %get3A_408 = arith.index_cast %add3A_407 : i32 to index
        %get3A_409 = arith.constant 0 : index
        %get3A_410 = tpu.vector_load %arg9[%get3A_408, %get3A_409] {strides = array<i32>} : memref<400x64xf32, #tpu.memory_space<vmem>>, vector<1x16xf32>,
        %get3A_411 = vector.shape_cast %get3A_410 : vector<1x16xf32> to vector<16xf32>
        %mul3A_412 = arith.constant 8.000000e+00 : f32
        %mul3A_413 = vector.broadcast %mul3A_412 : f32 to vector<16xf32>
        %mul3A_414 = arith.mulf %get3A_411, %mul3A_413 : vector<16xf32>
        %add3A_415 = arith.addf %mul3A_414, %get3A_390 : vector<16xf32>
        %swap3A_416 = arith.index_cast %add3A_407 : i32 to index
        %swap3A_417 = arith.constant 0 : index
        %swap3A_418 = tpu.vector_load %arg9[%swap3A_416, %swap3A_417] {strides = array<i32>} : memref<400x64xf32, #tpu.memory_space<vmem>>, vector<1x16xf32>,
        %swap3A_419 = vector.shape_cast %swap3A_418 : vector<1x16xf32> to vector<16xf32>
        %swap3A_420 = vector.shape_cast %add3A_415 : vector<16xf32> to vector<1x16xf32>
        tpu.vector_store %arg9[%swap3A_416, %swap3A_417], %swap3A_420 {strides = array<i32>} : memref<400x64xf32, #tpu.memory_space<vmem>>, vector<1x16xf32>,
        %get3A_421 = arith.index_cast %scan3A_386 : i32 to index
        %get3A_422 = arith.constant 16 : index
        %get3A_423 = tpu.vector_load %arg7[%get3A_421, %get3A_422] {strides = array<i32>} : memref<200x64xf32, #tpu.memory_space<vmem>>, vector<1x16xf32>,
        %get3A_424 = vector.shape_cast %get3A_423 : vector<1x16xf32> to vector<16xf32>
        %add3A_425 = arith.constant 0 : i32
        %add3A_426 = arith.addi %add3A_425, %scan3A_386 : i32
        %get3A_427 = arith.index_cast %add3A_426 : i32 to index
        %get3A_428 = arith.constant 16 : index
        %get3A_429 = tpu.vector_load %arg9[%get3A_427, %get3A_428] {strides = array<i32>} : memref<400x64xf32, #tpu.memory_space<vmem>>, vector<1x16xf32>,
        %get3A_430 = vector.shape_cast %get3A_429 : vector<1x16xf32> to vector<16xf32>
        %mul3A_431 = arith.constant 8.000000e+00 : f32
        %mul3A_432 = vector.broadcast %mul3A_431 : f32 to vector<16xf32>
        %mul3A_433 = arith.mulf %get3A_430, %mul3A_432 : vector<16xf32>
        %add3A_434 = arith.addf %mul3A_433, %get3A_424 : vector<16xf32>
        %swap3A_435 = arith.index_cast %add3A_426 : i32 to index
        %swap3A_436 = arith.constant 16 : index
        %swap3A_437 = tpu.vector_load %arg9[%swap3A_435, %swap3A_436] {strides = array<i32>} : memref<400x64xf32, #tpu.memory_space<vmem>>, vector<1x16xf32>,
        %swap3A_438 = vector.shape_cast %swap3A_437 : vector<1x16xf32> to vector<16xf32>
        %swap3A_439 = vector.shape_cast %add3A_434 : vector<16xf32> to vector<1x16xf32>
        tpu.vector_store %arg9[%swap3A_435, %swap3A_436], %swap3A_439 {strides = array<i32>} : memref<400x64xf32, #tpu.memory_space<vmem>>, vector<1x16xf32>,
        %add3A_440 = arith.constant 200 : i32
        %add3A_441 = arith.addi %add3A_440, %scan3A_386 : i32
        %get3A_442 = arith.index_cast %add3A_441 : i32 to index
        %get3A_443 = arith.constant 16 : index
        %get3A_444 = tpu.vector_load %arg9[%get3A_442, %get3A_443] {strides = array<i32>} : memref<400x64xf32, #tpu.memory_space<vmem>>, vector<1x16xf32>,
        %get3A_445 = vector.shape_cast %get3A_444 : vector<1x16xf32> to vector<16xf32>
        %mul3A_446 = arith.constant 8.000000e+00 : f32
        %mul3A_447 = vector.broadcast %mul3A_446 : f32 to vector<16xf32>
        %mul3A_448 = arith.mulf %get3A_445, %mul3A_447 : vector<16xf32>
        %add3A_449 = arith.addf %mul3A_448, %get3A_424 : vector<16xf32>
        %swap3A_450 = arith.index_cast %add3A_441 : i32 to index
        %swap3A_451 = arith.constant 16 : index
        %swap3A_452 = tpu.vector_load %arg9[%swap3A_450, %swap3A_451] {strides = array<i32>} : memref<400x64xf32, #tpu.memory_space<vmem>>, vector<1x16xf32>,
        %swap3A_453 = vector.shape_cast %swap3A_452 : vector<1x16xf32> to vector<16xf32>
        %swap3A_454 = vector.shape_cast %add3A_449 : vector<16xf32> to vector<1x16xf32>
        tpu.vector_store %arg9[%swap3A_450, %swap3A_451], %swap3A_454 {strides = array<i32>} : memref<400x64xf32, #tpu.memory_space<vmem>>, vector<1x16xf32>,
        %get3A_455 = arith.index_cast %scan3A_386 : i32 to index
        %get3A_456 = arith.constant 32 : index
        %get3A_457 = tpu.vector_load %arg7[%get3A_455, %get3A_456] {strides = array<i32>} : memref<200x64xf32, #tpu.memory_space<vmem>>, vector<1x16xf32>,
        %get3A_458 = vector.shape_cast %get3A_457 : vector<1x16xf32> to vector<16xf32>
        %add3A_459 = arith.constant 0 : i32
        %add3A_460 = arith.addi %add3A_459, %scan3A_386 : i32
        %get3A_461 = arith.index_cast %add3A_460 : i32 to index
        %get3A_462 = arith.constant 32 : index
        %get3A_463 = tpu.vector_load %arg9[%get3A_461, %get3A_462] {strides = array<i32>} : memref<400x64xf32, #tpu.memory_space<vmem>>, vector<1x16xf32>,
        %get3A_464 = vector.shape_cast %get3A_463 : vector<1x16xf32> to vector<16xf32>
        %mul3A_465 = arith.constant 8.000000e+00 : f32
        %mul3A_466 = vector.broadcast %mul3A_465 : f32 to vector<16xf32>
        %mul3A_467 = arith.mulf %get3A_464, %mul3A_466 : vector<16xf32>
        %add3A_468 = arith.addf %mul3A_467, %get3A_458 : vector<16xf32>
        %swap3A_469 = arith.index_cast %add3A_460 : i32 to index
        %swap3A_470 = arith.constant 32 : index
        %swap3A_471 = tpu.vector_load %arg9[%swap3A_469, %swap3A_470] {strides = array<i32>} : memref<400x64xf32, #tpu.memory_space<vmem>>, vector<1x16xf32>,
        %swap3A_472 = vector.shape_cast %swap3A_471 : vector<1x16xf32> to vector<16xf32>
        %swap3A_473 = vector.shape_cast %add3A_468 : vector<16xf32> to vector<1x16xf32>
        tpu.vector_store %arg9[%swap3A_469, %swap3A_470], %swap3A_473 {strides = array<i32>} : memref<400x64xf32, #tpu.memory_space<vmem>>, vector<1x16xf32>,
        %add3A_474 = arith.constant 200 : i32
        %add3A_475 = arith.addi %add3A_474, %scan3A_386 : i32
        %get3A_476 = arith.index_cast %add3A_475 : i32 to index
        %get3A_477 = arith.constant 32 : index
        %get3A_478 = tpu.vector_load %arg9[%get3A_476, %get3A_477] {strides = array<i32>} : memref<400x64xf32, #tpu.memory_space<vmem>>, vector<1x16xf32>,
        %get3A_479 = vector.shape_cast %get3A_478 : vector<1x16xf32> to vector<16xf32>
        %mul3A_480 = arith.constant 8.000000e+00 : f32
        %mul3A_481 = vector.broadcast %mul3A_480 : f32 to vector<16xf32>
        %mul3A_482 = arith.mulf %get3A_479, %mul3A_481 : vector<16xf32>
        %add3A_483 = arith.addf %mul3A_482, %get3A_458 : vector<16xf32>
        %swap3A_484 = arith.index_cast %add3A_475 : i32 to index
        %swap3A_485 = arith.constant 32 : index
        %swap3A_486 = tpu.vector_load %arg9[%swap3A_484, %swap3A_485] {strides = array<i32>} : memref<400x64xf32, #tpu.memory_space<vmem>>, vector<1x16xf32>,
        %swap3A_487 = vector.shape_cast %swap3A_486 : vector<1x16xf32> to vector<16xf32>
        %swap3A_488 = vector.shape_cast %add3A_483 : vector<16xf32> to vector<1x16xf32>
        tpu.vector_store %arg9[%swap3A_484, %swap3A_485], %swap3A_488 {strides = array<i32>} : memref<400x64xf32, #tpu.memory_space<vmem>>, vector<1x16xf32>,
        %get3A_489 = arith.index_cast %scan3A_386 : i32 to index
        %get3A_490 = arith.constant 48 : index
        %get3A_491 = tpu.vector_load %arg7[%get3A_489, %get3A_490] {strides = array<i32>} : memref<200x64xf32, #tpu.memory_space<vmem>>, vector<1x16xf32>,
        %get3A_492 = vector.shape_cast %get3A_491 : vector<1x16xf32> to vector<16xf32>
        %add3A_493 = arith.constant 0 : i32
        %add3A_494 = arith.addi %add3A_493, %scan3A_386 : i32
        %get3A_495 = arith.index_cast %add3A_494 : i32 to index
        %get3A_496 = arith.constant 48 : index
        %get3A_497 = tpu.vector_load %arg9[%get3A_495, %get3A_496] {strides = array<i32>} : memref<400x64xf32, #tpu.memory_space<vmem>>, vector<1x16xf32>,
        %get3A_498 = vector.shape_cast %get3A_497 : vector<1x16xf32> to vector<16xf32>
        %mul3A_499 = arith.constant 8.000000e+00 : f32
        %mul3A_500 = vector.broadcast %mul3A_499 : f32 to vector<16xf32>
        %mul3A_501 = arith.mulf %get3A_498, %mul3A_500 : vector<16xf32>
        %add3A_502 = arith.addf %mul3A_501, %get3A_492 : vector<16xf32>
        %swap3A_503 = arith.index_cast %add3A_494 : i32 to index
        %swap3A_504 = arith.constant 48 : index
        %swap3A_505 = tpu.vector_load %arg9[%swap3A_503, %swap3A_504] {strides = array<i32>} : memref<400x64xf32, #tpu.memory_space<vmem>>, vector<1x16xf32>,
        %swap3A_506 = vector.shape_cast %swap3A_505 : vector<1x16xf32> to vector<16xf32>
        %swap3A_507 = vector.shape_cast %add3A_502 : vector<16xf32> to vector<1x16xf32>
        tpu.vector_store %arg9[%swap3A_503, %swap3A_504], %swap3A_507 {strides = array<i32>} : memref<400x64xf32, #tpu.memory_space<vmem>>, vector<1x16xf32>,
        %add3A_508 = arith.constant 200 : i32
        %add3A_509 = arith.addi %add3A_508, %scan3A_386 : i32
        %get3A_510 = arith.index_cast %add3A_509 : i32 to index
        %get3A_511 = arith.constant 48 : index
        %get3A_512 = tpu.vector_load %arg9[%get3A_510, %get3A_511] {strides = array<i32>} : memref<400x64xf32, #tpu.memory_space<vmem>>, vector<1x16xf32>,
        %get3A_513 = vector.shape_cast %get3A_512 : vector<1x16xf32> to vector<16xf32>
        %mul3A_514 = arith.constant 8.000000e+00 : f32
        %mul3A_515 = vector.broadcast %mul3A_514 : f32 to vector<16xf32>
        %mul3A_516 = arith.mulf %get3A_513, %mul3A_515 : vector<16xf32>
        %add3A_517 = arith.addf %mul3A_516, %get3A_492 : vector<16xf32>
        %swap3A_518 = arith.index_cast %add3A_509 : i32 to index
        %swap3A_519 = arith.constant 48 : index
        %swap3A_520 = tpu.vector_load %arg9[%swap3A_518, %swap3A_519] {strides = array<i32>} : memref<400x64xf32, #tpu.memory_space<vmem>>, vector<1x16xf32>,
        %swap3A_521 = vector.shape_cast %swap3A_520 : vector<1x16xf32> to vector<16xf32>
        %swap3A_522 = vector.shape_cast %add3A_517 : vector<16xf32> to vector<1x16xf32>
        tpu.vector_store %arg9[%swap3A_518, %swap3A_519], %swap3A_522 {strides = array<i32>} : memref<400x64xf32, #tpu.memory_space<vmem>>, vector<1x16xf32>,
      }
      %scan3A_209 = arith.constant 200 : i32
      %mul3A_210 = arith.constant 400 : i32
      %mul3A_211 = arith.muli %add3A_197, %mul3A_210 : i32
      %add3A_212 = arith.addi %mul3A_2, %mul3A_211 : i32
      %dma_start3A_213 = arith.constant 0 : i32
      %dma_start3A_214 = tpu.memref_slice %arg5[%add3A_212, %dma_start3A_213] : memref<819200x64xf32, #tpu.memory_space<hbm>> -> memref<400x64xf32, #tpu.memory_space<hbm>>
      %dma_start3A_215 = arith.constant 0 : i32
      %dma_start3A_216 = tpu.memref_slice %arg5[%add3A_212, %dma_start3A_215] : memref<819200x64xf32, #tpu.memory_space<hbm>> -> memref<400x64xf32, #tpu.memory_space<hbm>>
      tpu.enqueue_dma source(%arg9 : memref<400x64xf32, #tpu.memory_space<vmem>>) target(%dma_start3A_216 : memref<400x64xf32, #tpu.memory_space<hbm>>) target_semaphore(%arg15 : memref<!tpu.dma_semaphore, #tpu.memory_space<semaphore_mem>>)
      %le3A_217 = arith.constant 60 : i32
      %le3A_218 = arith.cmpi sle, %add3A_197, %le3A_217 : i32
      %convert_element_type3A_219 = arith.extui %le3A_218 : i1 to i32
      %cond3A_220 = arith.constant 0 : i32
      %cond3A_221 = arith.cmpi ne, %convert_element_type3A_219, %cond3A_220 : i32
      scf.if %cond3A_221 {
        %ge3A = arith.constant 1 : i32
        %ge3A_250 = arith.cmpi sge, %add3A_197, %ge3A : i32
        %convert_element_type3A_251 = arith.extui %ge3A_250 : i1 to i32
        %cond3A_252 = arith.constant 0 : i32
        %cond3A_253 = arith.cmpi ne, %convert_element_type3A_251, %cond3A_252 : i32
        scf.if %cond3A_253 {
          %dma_wait3A_308 = arith.constant 0 : i32
          %dma_wait3A_309 = arith.constant 0 : i32
          %dma_wait3A_310 = tpu.memref_slice %arg3[%dma_wait3A_308, %dma_wait3A_309] : memref<100000x64xf32, #tpu.memory_space<hbm>> -> memref<400x64xf32, #tpu.memory_space<hbm>>
          %dma_wait3A_311 = arith.constant 0 : i32
          %dma_wait3A_312 = arith.constant 0 : i32
          %dma_wait3A_313 = tpu.memref_slice %arg3[%dma_wait3A_311, %dma_wait3A_312] : memref<100000x64xf32, #tpu.memory_space<hbm>> -> memref<400x64xf32, #tpu.memory_space<hbm>>
          tpu.wait_dma2 semaphore(%arg14 : memref<!tpu.dma_semaphore, #tpu.memory_space<semaphore_mem>>) src(%dma_wait3A_313 : memref<400x64xf32, #tpu.memory_space<hbm>>) dst(%arg8 : memref<400x64xf32, #tpu.memory_space<vmem>>)
        } else {
        }
        %add3A_254 = arith.constant 2 : i32
        %add3A_255 = arith.addi %add3A_197, %add3A_254 : i32
        %mul3A_256 = arith.constant 4 : i32
        %mul3A_257 = arith.muli %add3A_255, %mul3A_256 : i32
        %add3A_258 = arith.constant 0 : i32
        %add3A_259 = arith.addi %mul3A_257, %add3A_258 : i32
        %dma_start3A_260 = arith.constant 0 : i32
        %dma_start3A_261 = arith.constant 0 : i32
        %dma_start3A_262 = tpu.memref_slice %arg8[%dma_start3A_260, %dma_start3A_261] : memref<400x64xf32, #tpu.memory_space<vmem>> -> memref<100x64xf32, #tpu.memory_space<vmem>>
        %dma_start3A_263 = arith.constant 0 : i32
        %dma_start3A_264 = tpu.memref_slice %arg6[%add3A_259, %dma_start3A_263] : memref<256x100xi32, #tpu.memory_space<vmem>> -> memref<1x100xi32, #tpu.memory_space<vmem>>
        %dma_start3A_265 = tpu.memref_squeeze %dma_start3A_264 : memref<1x100xi32, #tpu.memory_space<vmem>> -> memref<100xi32, #tpu.memory_space<vmem>>
        %dma_start3A_266 = arith.constant 0 : i32
        %dma_start3A_267 = arith.constant 0 : i32
        %dma_start3A_268 = tpu.memref_slice %arg3[%dma_start3A_266, %dma_start3A_267] : memref<100000x64xf32, #tpu.memory_space<hbm>> -> memref<100000x64xf32, #tpu.memory_space<hbm>>
        tpu.enqueue_indirect_dma source(%dma_start3A_268 : memref<100000x64xf32, #tpu.memory_space<hbm>>) target(%dma_start3A_262 : memref<100x64xf32, #tpu.memory_space<vmem>>) offsets(%dma_start3A_265 : memref<100xi32, #tpu.memory_space<vmem>>) semaphore(%arg11 : memref<!tpu.dma_semaphore, #tpu.memory_space<semaphore_mem>>)
        %mul3A_269 = arith.constant 4 : i32
        %mul3A_270 = arith.muli %add3A_255, %mul3A_269 : i32
        %add3A_271 = arith.constant 1 : i32
        %add3A_272 = arith.addi %mul3A_270, %add3A_271 : i32
        %dma_start3A_273 = arith.constant 100 : i32
        %dma_start3A_274 = arith.constant 0 : i32
        %dma_start3A_275 = tpu.memref_slice %arg8[%dma_start3A_273, %dma_start3A_274] : memref<400x64xf32, #tpu.memory_space<vmem>> -> memref<100x64xf32, #tpu.memory_space<vmem>>
        %dma_start3A_276 = arith.constant 0 : i32
        %dma_start3A_277 = tpu.memref_slice %arg6[%add3A_272, %dma_start3A_276] : memref<256x100xi32, #tpu.memory_space<vmem>> -> memref<1x100xi32, #tpu.memory_space<vmem>>
        %dma_start3A_278 = tpu.memref_squeeze %dma_start3A_277 : memref<1x100xi32, #tpu.memory_space<vmem>> -> memref<100xi32, #tpu.memory_space<vmem>>
        %dma_start3A_279 = arith.constant 0 : i32
        %dma_start3A_280 = arith.constant 0 : i32
        %dma_start3A_281 = tpu.memref_slice %arg3[%dma_start3A_279, %dma_start3A_280] : memref<100000x64xf32, #tpu.memory_space<hbm>> -> memref<100000x64xf32, #tpu.memory_space<hbm>>
        tpu.enqueue_indirect_dma source(%dma_start3A_281 : memref<100000x64xf32, #tpu.memory_space<hbm>>) target(%dma_start3A_275 : memref<100x64xf32, #tpu.memory_space<vmem>>) offsets(%dma_start3A_278 : memref<100xi32, #tpu.memory_space<vmem>>) semaphore(%arg11 : memref<!tpu.dma_semaphore, #tpu.memory_space<semaphore_mem>>)
        %mul3A_282 = arith.constant 4 : i32
        %mul3A_283 = arith.muli %add3A_255, %mul3A_282 : i32
        %add3A_284 = arith.constant 2 : i32
        %add3A_285 = arith.addi %mul3A_283, %add3A_284 : i32
        %dma_start3A_286 = arith.constant 200 : i32
        %dma_start3A_287 = arith.constant 0 : i32
        %dma_start3A_288 = tpu.memref_slice %arg8[%dma_start3A_286, %dma_start3A_287] : memref<400x64xf32, #tpu.memory_space<vmem>> -> memref<100x64xf32, #tpu.memory_space<vmem>>
        %dma_start3A_289 = arith.constant 0 : i32
        %dma_start3A_290 = tpu.memref_slice %arg6[%add3A_285, %dma_start3A_289] : memref<256x100xi32, #tpu.memory_space<vmem>> -> memref<1x100xi32, #tpu.memory_space<vmem>>
        %dma_start3A_291 = tpu.memref_squeeze %dma_start3A_290 : memref<1x100xi32, #tpu.memory_space<vmem>> -> memref<100xi32, #tpu.memory_space<vmem>>
        %dma_start3A_292 = arith.constant 0 : i32
        %dma_start3A_293 = arith.constant 0 : i32
        %dma_start3A_294 = tpu.memref_slice %arg3[%dma_start3A_292, %dma_start3A_293] : memref<100000x64xf32, #tpu.memory_space<hbm>> -> memref<100000x64xf32, #tpu.memory_space<hbm>>
        tpu.enqueue_indirect_dma source(%dma_start3A_294 : memref<100000x64xf32, #tpu.memory_space<hbm>>) target(%dma_start3A_288 : memref<100x64xf32, #tpu.memory_space<vmem>>) offsets(%dma_start3A_291 : memref<100xi32, #tpu.memory_space<vmem>>) semaphore(%arg11 : memref<!tpu.dma_semaphore, #tpu.memory_space<semaphore_mem>>)
        %mul3A_295 = arith.constant 4 : i32
        %mul3A_296 = arith.muli %add3A_255, %mul3A_295 : i32
        %add3A_297 = arith.constant 3 : i32
        %add3A_298 = arith.addi %mul3A_296, %add3A_297 : i32
        %dma_start3A_299 = arith.constant 300 : i32
        %dma_start3A_300 = arith.constant 0 : i32
        %dma_start3A_301 = tpu.memref_slice %arg8[%dma_start3A_299, %dma_start3A_300] : memref<400x64xf32, #tpu.memory_space<vmem>> -> memref<100x64xf32, #tpu.memory_space<vmem>>
        %dma_start3A_302 = arith.constant 0 : i32
        %dma_start3A_303 = tpu.memref_slice %arg6[%add3A_298, %dma_start3A_302] : memref<256x100xi32, #tpu.memory_space<vmem>> -> memref<1x100xi32, #tpu.memory_space<vmem>>
        %dma_start3A_304 = tpu.memref_squeeze %dma_start3A_303 : memref<1x100xi32, #tpu.memory_space<vmem>> -> memref<100xi32, #tpu.memory_space<vmem>>
        %dma_start3A_305 = arith.constant 0 : i32
        %dma_start3A_306 = arith.constant 0 : i32
        %dma_start3A_307 = tpu.memref_slice %arg3[%dma_start3A_305, %dma_start3A_306] : memref<100000x64xf32, #tpu.memory_space<hbm>> -> memref<100000x64xf32, #tpu.memory_space<hbm>>
        tpu.enqueue_indirect_dma source(%dma_start3A_307 : memref<100000x64xf32, #tpu.memory_space<hbm>>) target(%dma_start3A_301 : memref<100x64xf32, #tpu.memory_space<vmem>>) offsets(%dma_start3A_304 : memref<100xi32, #tpu.memory_space<vmem>>) semaphore(%arg11 : memref<!tpu.dma_semaphore, #tpu.memory_space<semaphore_mem>>)
      } else {
      }
      %mul3A_222 = arith.constant 3 : i32
      %mul3A_223 = arith.muli %mul3A_222, %scan3A_168 : i32
      %add3A_224 = arith.constant 2 : i32
      %add3A_225 = arith.addi %mul3A_223, %add3A_224 : i32
      %dma_wait3A_226 = arith.constant 0 : i32
      %dma_wait3A_227 = arith.constant 0 : i32
      %dma_wait3A_228 = tpu.memref_slice %arg3[%dma_wait3A_226, %dma_wait3A_227] : memref<100000x64xf32, #tpu.memory_space<hbm>> -> memref<400x64xf32, #tpu.memory_space<hbm>>
      %dma_wait3A_229 = arith.constant 0 : i32
      %dma_wait3A_230 = arith.constant 0 : i32
      %dma_wait3A_231 = tpu.memref_slice %arg3[%dma_wait3A_229, %dma_wait3A_230] : memref<100000x64xf32, #tpu.memory_space<hbm>> -> memref<400x64xf32, #tpu.memory_space<hbm>>
      tpu.wait_dma2 semaphore(%arg13 : memref<!tpu.dma_semaphore, #tpu.memory_space<semaphore_mem>>) src(%dma_wait3A_231 : memref<400x64xf32, #tpu.memory_space<hbm>>) dst(%arg10 : memref<400x64xf32, #tpu.memory_space<vmem>>)
      %scan3A_232 = arith.constant 0 : i32
      %scan3A_233 = arith.constant 0 : i32
      %scan3A_234 = arith.constant 200 : i32
      %scan3A_235 = arith.addi %scan3A_233, %scan3A_234 : i32
      %scan3A_236 = arith.constant 2 : i32
      scf.for %scan3A_250 = %scan3A_233 to %scan3A_235 step %scan3A_236  : i32 {
        %get3A = arith.index_cast %scan3A_250 : i32 to index
        %get3A_251 = arith.constant 0 : index
        %get3A_252 = tpu.vector_load %arg7[%get3A, %get3A_251] {strides = array<i32>} : memref<200x64xf32, #tpu.memory_space<vmem>>, vector<1x16xf32>,
        %get3A_253 = vector.shape_cast %get3A_252 : vector<1x16xf32> to vector<16xf32>
        %add3A_254 = arith.constant 0 : i32
        %add3A_255 = arith.addi %add3A_254, %scan3A_250 : i32
        %get3A_256 = arith.index_cast %add3A_255 : i32 to index
        %get3A_257 = arith.constant 0 : index
        %get3A_258 = tpu.vector_load %arg10[%get3A_256, %get3A_257] {strides = array<i32>} : memref<400x64xf32, #tpu.memory_space<vmem>>, vector<1x16xf32>,
        %get3A_259 = vector.shape_cast %get3A_258 : vector<1x16xf32> to vector<16xf32>
        %mul3A_260 = arith.constant 8.000000e+00 : f32
        %mul3A_261 = vector.broadcast %mul3A_260 : f32 to vector<16xf32>
        %mul3A_262 = arith.mulf %get3A_259, %mul3A_261 : vector<16xf32>
        %add3A_263 = arith.addf %mul3A_262, %get3A_253 : vector<16xf32>
        %swap3A = arith.index_cast %add3A_255 : i32 to index
        %swap3A_264 = arith.constant 0 : index
        %swap3A_265 = tpu.vector_load %arg10[%swap3A, %swap3A_264] {strides = array<i32>} : memref<400x64xf32, #tpu.memory_space<vmem>>, vector<1x16xf32>,
        %swap3A_266 = vector.shape_cast %swap3A_265 : vector<1x16xf32> to vector<16xf32>
        %swap3A_267 = vector.shape_cast %add3A_263 : vector<16xf32> to vector<1x16xf32>
        tpu.vector_store %arg10[%swap3A, %swap3A_264], %swap3A_267 {strides = array<i32>} : memref<400x64xf32, #tpu.memory_space<vmem>>, vector<1x16xf32>,
        %add3A_268 = arith.constant 200 : i32
        %add3A_269 = arith.addi %add3A_268, %scan3A_250 : i32
        %get3A_270 = arith.index_cast %add3A_269 : i32 to index
        %get3A_271 = arith.constant 0 : index
        %get3A_272 = tpu.vector_load %arg10[%get3A_270, %get3A_271] {strides = array<i32>} : memref<400x64xf32, #tpu.memory_space<vmem>>, vector<1x16xf32>,
        %get3A_273 = vector.shape_cast %get3A_272 : vector<1x16xf32> to vector<16xf32>
        %mul3A_274 = arith.constant 8.000000e+00 : f32
        %mul3A_275 = vector.broadcast %mul3A_274 : f32 to vector<16xf32>
        %mul3A_276 = arith.mulf %get3A_273, %mul3A_275 : vector<16xf32>
        %add3A_277 = arith.addf %mul3A_276, %get3A_253 : vector<16xf32>
        %swap3A_278 = arith.index_cast %add3A_269 : i32 to index
        %swap3A_279 = arith.constant 0 : index
        %swap3A_280 = tpu.vector_load %arg10[%swap3A_278, %swap3A_279] {strides = array<i32>} : memref<400x64xf32, #tpu.memory_space<vmem>>, vector<1x16xf32>,
        %swap3A_281 = vector.shape_cast %swap3A_280 : vector<1x16xf32> to vector<16xf32>
        %swap3A_282 = vector.shape_cast %add3A_277 : vector<16xf32> to vector<1x16xf32>
        tpu.vector_store %arg10[%swap3A_278, %swap3A_279], %swap3A_282 {strides = array<i32>} : memref<400x64xf32, #tpu.memory_space<vmem>>, vector<1x16xf32>,
        %get3A_283 = arith.index_cast %scan3A_250 : i32 to index
        %get3A_284 = arith.constant 16 : index
        %get3A_285 = tpu.vector_load %arg7[%get3A_283, %get3A_284] {strides = array<i32>} : memref<200x64xf32, #tpu.memory_space<vmem>>, vector<1x16xf32>,
        %get3A_286 = vector.shape_cast %get3A_285 : vector<1x16xf32> to vector<16xf32>
        %add3A_287 = arith.constant 0 : i32
        %add3A_288 = arith.addi %add3A_287, %scan3A_250 : i32
        %get3A_289 = arith.index_cast %add3A_288 : i32 to index
        %get3A_290 = arith.constant 16 : index
        %get3A_291 = tpu.vector_load %arg10[%get3A_289, %get3A_290] {strides = array<i32>} : memref<400x64xf32, #tpu.memory_space<vmem>>, vector<1x16xf32>,
        %get3A_292 = vector.shape_cast %get3A_291 : vector<1x16xf32> to vector<16xf32>
        %mul3A_293 = arith.constant 8.000000e+00 : f32
        %mul3A_294 = vector.broadcast %mul3A_293 : f32 to vector<16xf32>
        %mul3A_295 = arith.mulf %get3A_292, %mul3A_294 : vector<16xf32>
        %add3A_296 = arith.addf %mul3A_295, %get3A_286 : vector<16xf32>
        %swap3A_297 = arith.index_cast %add3A_288 : i32 to index
        %swap3A_298 = arith.constant 16 : index
        %swap3A_299 = tpu.vector_load %arg10[%swap3A_297, %swap3A_298] {strides = array<i32>} : memref<400x64xf32, #tpu.memory_space<vmem>>, vector<1x16xf32>,
        %swap3A_300 = vector.shape_cast %swap3A_299 : vector<1x16xf32> to vector<16xf32>
        %swap3A_301 = vector.shape_cast %add3A_296 : vector<16xf32> to vector<1x16xf32>
        tpu.vector_store %arg10[%swap3A_297, %swap3A_298], %swap3A_301 {strides = array<i32>} : memref<400x64xf32, #tpu.memory_space<vmem>>, vector<1x16xf32>,
        %add3A_302 = arith.constant 200 : i32
        %add3A_303 = arith.addi %add3A_302, %scan3A_250 : i32
        %get3A_304 = arith.index_cast %add3A_303 : i32 to index
        %get3A_305 = arith.constant 16 : index
        %get3A_306 = tpu.vector_load %arg10[%get3A_304, %get3A_305] {strides = array<i32>} : memref<400x64xf32, #tpu.memory_space<vmem>>, vector<1x16xf32>,
        %get3A_307 = vector.shape_cast %get3A_306 : vector<1x16xf32> to vector<16xf32>
        %mul3A_308 = arith.constant 8.000000e+00 : f32
        %mul3A_309 = vector.broadcast %mul3A_308 : f32 to vector<16xf32>
        %mul3A_310 = arith.mulf %get3A_307, %mul3A_309 : vector<16xf32>
        %add3A_311 = arith.addf %mul3A_310, %get3A_286 : vector<16xf32>
        %swap3A_312 = arith.index_cast %add3A_303 : i32 to index
        %swap3A_313 = arith.constant 16 : index
        %swap3A_314 = tpu.vector_load %arg10[%swap3A_312, %swap3A_313] {strides = array<i32>} : memref<400x64xf32, #tpu.memory_space<vmem>>, vector<1x16xf32>,
        %swap3A_315 = vector.shape_cast %swap3A_314 : vector<1x16xf32> to vector<16xf32>
        %swap3A_316 = vector.shape_cast %add3A_311 : vector<16xf32> to vector<1x16xf32>
        tpu.vector_store %arg10[%swap3A_312, %swap3A_313], %swap3A_316 {strides = array<i32>} : memref<400x64xf32, #tpu.memory_space<vmem>>, vector<1x16xf32>,
        %get3A_317 = arith.index_cast %scan3A_250 : i32 to index
        %get3A_318 = arith.constant 32 : index
        %get3A_319 = tpu.vector_load %arg7[%get3A_317, %get3A_318] {strides = array<i32>} : memref<200x64xf32, #tpu.memory_space<vmem>>, vector<1x16xf32>,
        %get3A_320 = vector.shape_cast %get3A_319 : vector<1x16xf32> to vector<16xf32>
        %add3A_321 = arith.constant 0 : i32
        %add3A_322 = arith.addi %add3A_321, %scan3A_250 : i32
        %get3A_323 = arith.index_cast %add3A_322 : i32 to index
        %get3A_324 = arith.constant 32 : index
        %get3A_325 = tpu.vector_load %arg10[%get3A_323, %get3A_324] {strides = array<i32>} : memref<400x64xf32, #tpu.memory_space<vmem>>, vector<1x16xf32>,
        %get3A_326 = vector.shape_cast %get3A_325 : vector<1x16xf32> to vector<16xf32>
        %mul3A_327 = arith.constant 8.000000e+00 : f32
        %mul3A_328 = vector.broadcast %mul3A_327 : f32 to vector<16xf32>
        %mul3A_329 = arith.mulf %get3A_326, %mul3A_328 : vector<16xf32>
        %add3A_330 = arith.addf %mul3A_329, %get3A_320 : vector<16xf32>
        %swap3A_331 = arith.index_cast %add3A_322 : i32 to index
        %swap3A_332 = arith.constant 32 : index
        %swap3A_333 = tpu.vector_load %arg10[%swap3A_331, %swap3A_332] {strides = array<i32>} : memref<400x64xf32, #tpu.memory_space<vmem>>, vector<1x16xf32>,
        %swap3A_334 = vector.shape_cast %swap3A_333 : vector<1x16xf32> to vector<16xf32>
        %swap3A_335 = vector.shape_cast %add3A_330 : vector<16xf32> to vector<1x16xf32>
        tpu.vector_store %arg10[%swap3A_331, %swap3A_332], %swap3A_335 {strides = array<i32>} : memref<400x64xf32, #tpu.memory_space<vmem>>, vector<1x16xf32>,
        %add3A_336 = arith.constant 200 : i32
        %add3A_337 = arith.addi %add3A_336, %scan3A_250 : i32
        %get3A_338 = arith.index_cast %add3A_337 : i32 to index
        %get3A_339 = arith.constant 32 : index
        %get3A_340 = tpu.vector_load %arg10[%get3A_338, %get3A_339] {strides = array<i32>} : memref<400x64xf32, #tpu.memory_space<vmem>>, vector<1x16xf32>,
        %get3A_341 = vector.shape_cast %get3A_340 : vector<1x16xf32> to vector<16xf32>
        %mul3A_342 = arith.constant 8.000000e+00 : f32
        %mul3A_343 = vector.broadcast %mul3A_342 : f32 to vector<16xf32>
        %mul3A_344 = arith.mulf %get3A_341, %mul3A_343 : vector<16xf32>
        %add3A_345 = arith.addf %mul3A_344, %get3A_320 : vector<16xf32>
        %swap3A_346 = arith.index_cast %add3A_337 : i32 to index
        %swap3A_347 = arith.constant 32 : index
        %swap3A_348 = tpu.vector_load %arg10[%swap3A_346, %swap3A_347] {strides = array<i32>} : memref<400x64xf32, #tpu.memory_space<vmem>>, vector<1x16xf32>,
        %swap3A_349 = vector.shape_cast %swap3A_348 : vector<1x16xf32> to vector<16xf32>
        %swap3A_350 = vector.shape_cast %add3A_345 : vector<16xf32> to vector<1x16xf32>
        tpu.vector_store %arg10[%swap3A_346, %swap3A_347], %swap3A_350 {strides = array<i32>} : memref<400x64xf32, #tpu.memory_space<vmem>>, vector<1x16xf32>,
        %get3A_351 = arith.index_cast %scan3A_250 : i32 to index
        %get3A_352 = arith.constant 48 : index
        %get3A_353 = tpu.vector_load %arg7[%get3A_351, %get3A_352] {strides = array<i32>} : memref<200x64xf32, #tpu.memory_space<vmem>>, vector<1x16xf32>,
        %get3A_354 = vector.shape_cast %get3A_353 : vector<1x16xf32> to vector<16xf32>
        %add3A_355 = arith.constant 0 : i32
        %add3A_356 = arith.addi %add3A_355, %scan3A_250 : i32
        %get3A_357 = arith.index_cast %add3A_356 : i32 to index
        %get3A_358 = arith.constant 48 : index
        %get3A_359 = tpu.vector_load %arg10[%get3A_357, %get3A_358] {strides = array<i32>} : memref<400x64xf32, #tpu.memory_space<vmem>>, vector<1x16xf32>,
        %get3A_360 = vector.shape_cast %get3A_359 : vector<1x16xf32> to vector<16xf32>
        %mul3A_361 = arith.constant 8.000000e+00 : f32
        %mul3A_362 = vector.broadcast %mul3A_361 : f32 to vector<16xf32>
        %mul3A_363 = arith.mulf %get3A_360, %mul3A_362 : vector<16xf32>
        %add3A_364 = arith.addf %mul3A_363, %get3A_354 : vector<16xf32>
        %swap3A_365 = arith.index_cast %add3A_356 : i32 to index
        %swap3A_366 = arith.constant 48 : index
        %swap3A_367 = tpu.vector_load %arg10[%swap3A_365, %swap3A_366] {strides = array<i32>} : memref<400x64xf32, #tpu.memory_space<vmem>>, vector<1x16xf32>,
        %swap3A_368 = vector.shape_cast %swap3A_367 : vector<1x16xf32> to vector<16xf32>
        %swap3A_369 = vector.shape_cast %add3A_364 : vector<16xf32> to vector<1x16xf32>
        tpu.vector_store %arg10[%swap3A_365, %swap3A_366], %swap3A_369 {strides = array<i32>} : memref<400x64xf32, #tpu.memory_space<vmem>>, vector<1x16xf32>,
        %add3A_370 = arith.constant 200 : i32
        %add3A_371 = arith.addi %add3A_370, %scan3A_250 : i32
        %get3A_372 = arith.index_cast %add3A_371 : i32 to index
        %get3A_373 = arith.constant 48 : index
        %get3A_374 = tpu.vector_load %arg10[%get3A_372, %get3A_373] {strides = array<i32>} : memref<400x64xf32, #tpu.memory_space<vmem>>, vector<1x16xf32>,
        %get3A_375 = vector.shape_cast %get3A_374 : vector<1x16xf32> to vector<16xf32>
        %mul3A_376 = arith.constant 8.000000e+00 : f32
        %mul3A_377 = vector.broadcast %mul3A_376 : f32 to vector<16xf32>
        %mul3A_378 = arith.mulf %get3A_375, %mul3A_377 : vector<16xf32>
        %add3A_379 = arith.addf %mul3A_378, %get3A_354 : vector<16xf32>
        %swap3A_380 = arith.index_cast %add3A_371 : i32 to index
        %swap3A_381 = arith.constant 48 : index
        %swap3A_382 = tpu.vector_load %arg10[%swap3A_380, %swap3A_381] {strides = array<i32>} : memref<400x64xf32, #tpu.memory_space<vmem>>, vector<1x16xf32>,
        %swap3A_383 = vector.shape_cast %swap3A_382 : vector<1x16xf32> to vector<16xf32>
        %swap3A_384 = vector.shape_cast %add3A_379 : vector<16xf32> to vector<1x16xf32>
        tpu.vector_store %arg10[%swap3A_380, %swap3A_381], %swap3A_384 {strides = array<i32>} : memref<400x64xf32, #tpu.memory_space<vmem>>, vector<1x16xf32>,
        %scan3A_385 = arith.constant 1 : i32
        %scan3A_386 = arith.addi %scan3A_250, %scan3A_385 : i32
        %get3A_387 = arith.index_cast %scan3A_386 : i32 to index
        %get3A_388 = arith.constant 0 : index
        %get3A_389 = tpu.vector_load %arg7[%get3A_387, %get3A_388] {strides = array<i32>} : memref<200x64xf32, #tpu.memory_space<vmem>>, vector<1x16xf32>,
        %get3A_390 = vector.shape_cast %get3A_389 : vector<1x16xf32> to vector<16xf32>
        %add3A_391 = arith.constant 0 : i32
        %add3A_392 = arith.addi %add3A_391, %scan3A_386 : i32
        %get3A_393 = arith.index_cast %add3A_392 : i32 to index
        %get3A_394 = arith.constant 0 : index
        %get3A_395 = tpu.vector_load %arg10[%get3A_393, %get3A_394] {strides = array<i32>} : memref<400x64xf32, #tpu.memory_space<vmem>>, vector<1x16xf32>,
        %get3A_396 = vector.shape_cast %get3A_395 : vector<1x16xf32> to vector<16xf32>
        %mul3A_397 = arith.constant 8.000000e+00 : f32
        %mul3A_398 = vector.broadcast %mul3A_397 : f32 to vector<16xf32>
        %mul3A_399 = arith.mulf %get3A_396, %mul3A_398 : vector<16xf32>
        %add3A_400 = arith.addf %mul3A_399, %get3A_390 : vector<16xf32>
        %swap3A_401 = arith.index_cast %add3A_392 : i32 to index
        %swap3A_402 = arith.constant 0 : index
        %swap3A_403 = tpu.vector_load %arg10[%swap3A_401, %swap3A_402] {strides = array<i32>} : memref<400x64xf32, #tpu.memory_space<vmem>>, vector<1x16xf32>,
        %swap3A_404 = vector.shape_cast %swap3A_403 : vector<1x16xf32> to vector<16xf32>
        %swap3A_405 = vector.shape_cast %add3A_400 : vector<16xf32> to vector<1x16xf32>
        tpu.vector_store %arg10[%swap3A_401, %swap3A_402], %swap3A_405 {strides = array<i32>} : memref<400x64xf32, #tpu.memory_space<vmem>>, vector<1x16xf32>,
        %add3A_406 = arith.constant 200 : i32
        %add3A_407 = arith.addi %add3A_406, %scan3A_386 : i32
        %get3A_408 = arith.index_cast %add3A_407 : i32 to index
        %get3A_409 = arith.constant 0 : index
        %get3A_410 = tpu.vector_load %arg10[%get3A_408, %get3A_409] {strides = array<i32>} : memref<400x64xf32, #tpu.memory_space<vmem>>, vector<1x16xf32>,
        %get3A_411 = vector.shape_cast %get3A_410 : vector<1x16xf32> to vector<16xf32>
        %mul3A_412 = arith.constant 8.000000e+00 : f32
        %mul3A_413 = vector.broadcast %mul3A_412 : f32 to vector<16xf32>
        %mul3A_414 = arith.mulf %get3A_411, %mul3A_413 : vector<16xf32>
        %add3A_415 = arith.addf %mul3A_414, %get3A_390 : vector<16xf32>
        %swap3A_416 = arith.index_cast %add3A_407 : i32 to index
        %swap3A_417 = arith.constant 0 : index
        %swap3A_418 = tpu.vector_load %arg10[%swap3A_416, %swap3A_417] {strides = array<i32>} : memref<400x64xf32, #tpu.memory_space<vmem>>, vector<1x16xf32>,
        %swap3A_419 = vector.shape_cast %swap3A_418 : vector<1x16xf32> to vector<16xf32>
        %swap3A_420 = vector.shape_cast %add3A_415 : vector<16xf32> to vector<1x16xf32>
        tpu.vector_store %arg10[%swap3A_416, %swap3A_417], %swap3A_420 {strides = array<i32>} : memref<400x64xf32, #tpu.memory_space<vmem>>, vector<1x16xf32>,
        %get3A_421 = arith.index_cast %scan3A_386 : i32 to index
        %get3A_422 = arith.constant 16 : index
        %get3A_423 = tpu.vector_load %arg7[%get3A_421, %get3A_422] {strides = array<i32>} : memref<200x64xf32, #tpu.memory_space<vmem>>, vector<1x16xf32>,
        %get3A_424 = vector.shape_cast %get3A_423 : vector<1x16xf32> to vector<16xf32>
        %add3A_425 = arith.constant 0 : i32
        %add3A_426 = arith.addi %add3A_425, %scan3A_386 : i32
        %get3A_427 = arith.index_cast %add3A_426 : i32 to index
        %get3A_428 = arith.constant 16 : index
        %get3A_429 = tpu.vector_load %arg10[%get3A_427, %get3A_428] {strides = array<i32>} : memref<400x64xf32, #tpu.memory_space<vmem>>, vector<1x16xf32>,
        %get3A_430 = vector.shape_cast %get3A_429 : vector<1x16xf32> to vector<16xf32>
        %mul3A_431 = arith.constant 8.000000e+00 : f32
        %mul3A_432 = vector.broadcast %mul3A_431 : f32 to vector<16xf32>
        %mul3A_433 = arith.mulf %get3A_430, %mul3A_432 : vector<16xf32>
        %add3A_434 = arith.addf %mul3A_433, %get3A_424 : vector<16xf32>
        %swap3A_435 = arith.index_cast %add3A_426 : i32 to index
        %swap3A_436 = arith.constant 16 : index
        %swap3A_437 = tpu.vector_load %arg10[%swap3A_435, %swap3A_436] {strides = array<i32>} : memref<400x64xf32, #tpu.memory_space<vmem>>, vector<1x16xf32>,
        %swap3A_438 = vector.shape_cast %swap3A_437 : vector<1x16xf32> to vector<16xf32>
        %swap3A_439 = vector.shape_cast %add3A_434 : vector<16xf32> to vector<1x16xf32>
        tpu.vector_store %arg10[%swap3A_435, %swap3A_436], %swap3A_439 {strides = array<i32>} : memref<400x64xf32, #tpu.memory_space<vmem>>, vector<1x16xf32>,
        %add3A_440 = arith.constant 200 : i32
        %add3A_441 = arith.addi %add3A_440, %scan3A_386 : i32
        %get3A_442 = arith.index_cast %add3A_441 : i32 to index
        %get3A_443 = arith.constant 16 : index
        %get3A_444 = tpu.vector_load %arg10[%get3A_442, %get3A_443] {strides = array<i32>} : memref<400x64xf32, #tpu.memory_space<vmem>>, vector<1x16xf32>,
        %get3A_445 = vector.shape_cast %get3A_444 : vector<1x16xf32> to vector<16xf32>
        %mul3A_446 = arith.constant 8.000000e+00 : f32
        %mul3A_447 = vector.broadcast %mul3A_446 : f32 to vector<16xf32>
        %mul3A_448 = arith.mulf %get3A_445, %mul3A_447 : vector<16xf32>
        %add3A_449 = arith.addf %mul3A_448, %get3A_424 : vector<16xf32>
        %swap3A_450 = arith.index_cast %add3A_441 : i32 to index
        %swap3A_451 = arith.constant 16 : index
        %swap3A_452 = tpu.vector_load %arg10[%swap3A_450, %swap3A_451] {strides = array<i32>} : memref<400x64xf32, #tpu.memory_space<vmem>>, vector<1x16xf32>,
        %swap3A_453 = vector.shape_cast %swap3A_452 : vector<1x16xf32> to vector<16xf32>
        %swap3A_454 = vector.shape_cast %add3A_449 : vector<16xf32> to vector<1x16xf32>
        tpu.vector_store %arg10[%swap3A_450, %swap3A_451], %swap3A_454 {strides = array<i32>} : memref<400x64xf32, #tpu.memory_space<vmem>>, vector<1x16xf32>,
        %get3A_455 = arith.index_cast %scan3A_386 : i32 to index
        %get3A_456 = arith.constant 32 : index
        %get3A_457 = tpu.vector_load %arg7[%get3A_455, %get3A_456] {strides = array<i32>} : memref<200x64xf32, #tpu.memory_space<vmem>>, vector<1x16xf32>,
        %get3A_458 = vector.shape_cast %get3A_457 : vector<1x16xf32> to vector<16xf32>
        %add3A_459 = arith.constant 0 : i32
        %add3A_460 = arith.addi %add3A_459, %scan3A_386 : i32
        %get3A_461 = arith.index_cast %add3A_460 : i32 to index
        %get3A_462 = arith.constant 32 : index
        %get3A_463 = tpu.vector_load %arg10[%get3A_461, %get3A_462] {strides = array<i32>} : memref<400x64xf32, #tpu.memory_space<vmem>>, vector<1x16xf32>,
        %get3A_464 = vector.shape_cast %get3A_463 : vector<1x16xf32> to vector<16xf32>
        %mul3A_465 = arith.constant 8.000000e+00 : f32
        %mul3A_466 = vector.broadcast %mul3A_465 : f32 to vector<16xf32>
        %mul3A_467 = arith.mulf %get3A_464, %mul3A_466 : vector<16xf32>
        %add3A_468 = arith.addf %mul3A_467, %get3A_458 : vector<16xf32>
        %swap3A_469 = arith.index_cast %add3A_460 : i32 to index
        %swap3A_470 = arith.constant 32 : index
        %swap3A_471 = tpu.vector_load %arg10[%swap3A_469, %swap3A_470] {strides = array<i32>} : memref<400x64xf32, #tpu.memory_space<vmem>>, vector<1x16xf32>,
        %swap3A_472 = vector.shape_cast %swap3A_471 : vector<1x16xf32> to vector<16xf32>
        %swap3A_473 = vector.shape_cast %add3A_468 : vector<16xf32> to vector<1x16xf32>
        tpu.vector_store %arg10[%swap3A_469, %swap3A_470], %swap3A_473 {strides = array<i32>} : memref<400x64xf32, #tpu.memory_space<vmem>>, vector<1x16xf32>,
        %add3A_474 = arith.constant 200 : i32
        %add3A_475 = arith.addi %add3A_474, %scan3A_386 : i32
        %get3A_476 = arith.index_cast %add3A_475 : i32 to index
        %get3A_477 = arith.constant 32 : index
        %get3A_478 = tpu.vector_load %arg10[%get3A_476, %get3A_477] {strides = array<i32>} : memref<400x64xf32, #tpu.memory_space<vmem>>, vector<1x16xf32>,
        %get3A_479 = vector.shape_cast %get3A_478 : vector<1x16xf32> to vector<16xf32>
        %mul3A_480 = arith.constant 8.000000e+00 : f32
        %mul3A_481 = vector.broadcast %mul3A_480 : f32 to vector<16xf32>
        %mul3A_482 = arith.mulf %get3A_479, %mul3A_481 : vector<16xf32>
        %add3A_483 = arith.addf %mul3A_482, %get3A_458 : vector<16xf32>
        %swap3A_484 = arith.index_cast %add3A_475 : i32 to index
        %swap3A_485 = arith.constant 32 : index
        %swap3A_486 = tpu.vector_load %arg10[%swap3A_484, %swap3A_485] {strides = array<i32>} : memref<400x64xf32, #tpu.memory_space<vmem>>, vector<1x16xf32>,
        %swap3A_487 = vector.shape_cast %swap3A_486 : vector<1x16xf32> to vector<16xf32>
        %swap3A_488 = vector.shape_cast %add3A_483 : vector<16xf32> to vector<1x16xf32>
        tpu.vector_store %arg10[%swap3A_484, %swap3A_485], %swap3A_488 {strides = array<i32>} : memref<400x64xf32, #tpu.memory_space<vmem>>, vector<1x16xf32>,
        %get3A_489 = arith.index_cast %scan3A_386 : i32 to index
        %get3A_490 = arith.constant 48 : index
        %get3A_491 = tpu.vector_load %arg7[%get3A_489, %get3A_490] {strides = array<i32>} : memref<200x64xf32, #tpu.memory_space<vmem>>, vector<1x16xf32>,
        %get3A_492 = vector.shape_cast %get3A_491 : vector<1x16xf32> to vector<16xf32>
        %add3A_493 = arith.constant 0 : i32
        %add3A_494 = arith.addi %add3A_493, %scan3A_386 : i32
        %get3A_495 = arith.index_cast %add3A_494 : i32 to index
        %get3A_496 = arith.constant 48 : index
        %get3A_497 = tpu.vector_load %arg10[%get3A_495, %get3A_496] {strides = array<i32>} : memref<400x64xf32, #tpu.memory_space<vmem>>, vector<1x16xf32>,
        %get3A_498 = vector.shape_cast %get3A_497 : vector<1x16xf32> to vector<16xf32>
        %mul3A_499 = arith.constant 8.000000e+00 : f32
        %mul3A_500 = vector.broadcast %mul3A_499 : f32 to vector<16xf32>
        %mul3A_501 = arith.mulf %get3A_498, %mul3A_500 : vector<16xf32>
        %add3A_502 = arith.addf %mul3A_501, %get3A_492 : vector<16xf32>
        %swap3A_503 = arith.index_cast %add3A_494 : i32 to index
        %swap3A_504 = arith.constant 48 : index
        %swap3A_505 = tpu.vector_load %arg10[%swap3A_503, %swap3A_504] {strides = array<i32>} : memref<400x64xf32, #tpu.memory_space<vmem>>, vector<1x16xf32>,
        %swap3A_506 = vector.shape_cast %swap3A_505 : vector<1x16xf32> to vector<16xf32>
        %swap3A_507 = vector.shape_cast %add3A_502 : vector<16xf32> to vector<1x16xf32>
        tpu.vector_store %arg10[%swap3A_503, %swap3A_504], %swap3A_507 {strides = array<i32>} : memref<400x64xf32, #tpu.memory_space<vmem>>, vector<1x16xf32>,
        %add3A_508 = arith.constant 200 : i32
        %add3A_509 = arith.addi %add3A_508, %scan3A_386 : i32
        %get3A_510 = arith.index_cast %add3A_509 : i32 to index
        %get3A_511 = arith.constant 48 : index
        %get3A_512 = tpu.vector_load %arg10[%get3A_510, %get3A_511] {strides = array<i32>} : memref<400x64xf32, #tpu.memory_space<vmem>>, vector<1x16xf32>,
        %get3A_513 = vector.shape_cast %get3A_512 : vector<1x16xf32> to vector<16xf32>
        %mul3A_514 = arith.constant 8.000000e+00 : f32
        %mul3A_515 = vector.broadcast %mul3A_514 : f32 to vector<16xf32>
        %mul3A_516 = arith.mulf %get3A_513, %mul3A_515 : vector<16xf32>
        %add3A_517 = arith.addf %mul3A_516, %get3A_492 : vector<16xf32>
        %swap3A_518 = arith.index_cast %add3A_509 : i32 to index
        %swap3A_519 = arith.constant 48 : index
        %swap3A_520 = tpu.vector_load %arg10[%swap3A_518, %swap3A_519] {strides = array<i32>} : memref<400x64xf32, #tpu.memory_space<vmem>>, vector<1x16xf32>,
        %swap3A_521 = vector.shape_cast %swap3A_520 : vector<1x16xf32> to vector<16xf32>
        %swap3A_522 = vector.shape_cast %add3A_517 : vector<16xf32> to vector<1x16xf32>
        tpu.vector_store %arg10[%swap3A_518, %swap3A_519], %swap3A_522 {strides = array<i32>} : memref<400x64xf32, #tpu.memory_space<vmem>>, vector<1x16xf32>,
      }
      %scan3A_237 = arith.constant 200 : i32
      %mul3A_238 = arith.constant 400 : i32
      %mul3A_239 = arith.muli %add3A_225, %mul3A_238 : i32
      %add3A_240 = arith.addi %mul3A_2, %mul3A_239 : i32
      %dma_start3A_241 = arith.constant 0 : i32
      %dma_start3A_242 = tpu.memref_slice %arg5[%add3A_240, %dma_start3A_241] : memref<819200x64xf32, #tpu.memory_space<hbm>> -> memref<400x64xf32, #tpu.memory_space<hbm>>
      %dma_start3A_243 = arith.constant 0 : i32
      %dma_start3A_244 = tpu.memref_slice %arg5[%add3A_240, %dma_start3A_243] : memref<819200x64xf32, #tpu.memory_space<hbm>> -> memref<400x64xf32, #tpu.memory_space<hbm>>
      tpu.enqueue_dma source(%arg10 : memref<400x64xf32, #tpu.memory_space<vmem>>) target(%dma_start3A_244 : memref<400x64xf32, #tpu.memory_space<hbm>>) target_semaphore(%arg16 : memref<!tpu.dma_semaphore, #tpu.memory_space<semaphore_mem>>)
      %le3A_245 = arith.constant 60 : i32
      %le3A_246 = arith.cmpi sle, %add3A_225, %le3A_245 : i32
      %convert_element_type3A_247 = arith.extui %le3A_246 : i1 to i32
      %cond3A_248 = arith.constant 0 : i32
      %cond3A_249 = arith.cmpi ne, %convert_element_type3A_247, %cond3A_248 : i32
      scf.if %cond3A_249 {
        %ge3A = arith.constant 1 : i32
        %ge3A_250 = arith.cmpi sge, %add3A_225, %ge3A : i32
        %convert_element_type3A_251 = arith.extui %ge3A_250 : i1 to i32
        %cond3A_252 = arith.constant 0 : i32
        %cond3A_253 = arith.cmpi ne, %convert_element_type3A_251, %cond3A_252 : i32
        scf.if %cond3A_253 {
          %dma_wait3A_308 = arith.constant 0 : i32
          %dma_wait3A_309 = arith.constant 0 : i32
          %dma_wait3A_310 = tpu.memref_slice %arg3[%dma_wait3A_308, %dma_wait3A_309] : memref<100000x64xf32, #tpu.memory_space<hbm>> -> memref<400x64xf32, #tpu.memory_space<hbm>>
          %dma_wait3A_311 = arith.constant 0 : i32
          %dma_wait3A_312 = arith.constant 0 : i32
          %dma_wait3A_313 = tpu.memref_slice %arg3[%dma_wait3A_311, %dma_wait3A_312] : memref<100000x64xf32, #tpu.memory_space<hbm>> -> memref<400x64xf32, #tpu.memory_space<hbm>>
          tpu.wait_dma2 semaphore(%arg15 : memref<!tpu.dma_semaphore, #tpu.memory_space<semaphore_mem>>) src(%dma_wait3A_313 : memref<400x64xf32, #tpu.memory_space<hbm>>) dst(%arg9 : memref<400x64xf32, #tpu.memory_space<vmem>>)
        } else {
        }
        %add3A_254 = arith.constant 2 : i32
        %add3A_255 = arith.addi %add3A_225, %add3A_254 : i32
        %mul3A_256 = arith.constant 4 : i32
        %mul3A_257 = arith.muli %add3A_255, %mul3A_256 : i32
        %add3A_258 = arith.constant 0 : i32
        %add3A_259 = arith.addi %mul3A_257, %add3A_258 : i32
        %dma_start3A_260 = arith.constant 0 : i32
        %dma_start3A_261 = arith.constant 0 : i32
        %dma_start3A_262 = tpu.memref_slice %arg9[%dma_start3A_260, %dma_start3A_261] : memref<400x64xf32, #tpu.memory_space<vmem>> -> memref<100x64xf32, #tpu.memory_space<vmem>>
        %dma_start3A_263 = arith.constant 0 : i32
        %dma_start3A_264 = tpu.memref_slice %arg6[%add3A_259, %dma_start3A_263] : memref<256x100xi32, #tpu.memory_space<vmem>> -> memref<1x100xi32, #tpu.memory_space<vmem>>
        %dma_start3A_265 = tpu.memref_squeeze %dma_start3A_264 : memref<1x100xi32, #tpu.memory_space<vmem>> -> memref<100xi32, #tpu.memory_space<vmem>>
        %dma_start3A_266 = arith.constant 0 : i32
        %dma_start3A_267 = arith.constant 0 : i32
        %dma_start3A_268 = tpu.memref_slice %arg3[%dma_start3A_266, %dma_start3A_267] : memref<100000x64xf32, #tpu.memory_space<hbm>> -> memref<100000x64xf32, #tpu.memory_space<hbm>>
        tpu.enqueue_indirect_dma source(%dma_start3A_268 : memref<100000x64xf32, #tpu.memory_space<hbm>>) target(%dma_start3A_262 : memref<100x64xf32, #tpu.memory_space<vmem>>) offsets(%dma_start3A_265 : memref<100xi32, #tpu.memory_space<vmem>>) semaphore(%arg12 : memref<!tpu.dma_semaphore, #tpu.memory_space<semaphore_mem>>)
        %mul3A_269 = arith.constant 4 : i32
        %mul3A_270 = arith.muli %add3A_255, %mul3A_269 : i32
        %add3A_271 = arith.constant 1 : i32
        %add3A_272 = arith.addi %mul3A_270, %add3A_271 : i32
        %dma_start3A_273 = arith.constant 100 : i32
        %dma_start3A_274 = arith.constant 0 : i32
        %dma_start3A_275 = tpu.memref_slice %arg9[%dma_start3A_273, %dma_start3A_274] : memref<400x64xf32, #tpu.memory_space<vmem>> -> memref<100x64xf32, #tpu.memory_space<vmem>>
        %dma_start3A_276 = arith.constant 0 : i32
        %dma_start3A_277 = tpu.memref_slice %arg6[%add3A_272, %dma_start3A_276] : memref<256x100xi32, #tpu.memory_space<vmem>> -> memref<1x100xi32, #tpu.memory_space<vmem>>
        %dma_start3A_278 = tpu.memref_squeeze %dma_start3A_277 : memref<1x100xi32, #tpu.memory_space<vmem>> -> memref<100xi32, #tpu.memory_space<vmem>>
        %dma_start3A_279 = arith.constant 0 : i32
        %dma_start3A_280 = arith.constant 0 : i32
        %dma_start3A_281 = tpu.memref_slice %arg3[%dma_start3A_279, %dma_start3A_280] : memref<100000x64xf32, #tpu.memory_space<hbm>> -> memref<100000x64xf32, #tpu.memory_space<hbm>>
        tpu.enqueue_indirect_dma source(%dma_start3A_281 : memref<100000x64xf32, #tpu.memory_space<hbm>>) target(%dma_start3A_275 : memref<100x64xf32, #tpu.memory_space<vmem>>) offsets(%dma_start3A_278 : memref<100xi32, #tpu.memory_space<vmem>>) semaphore(%arg12 : memref<!tpu.dma_semaphore, #tpu.memory_space<semaphore_mem>>)
        %mul3A_282 = arith.constant 4 : i32
        %mul3A_283 = arith.muli %add3A_255, %mul3A_282 : i32
        %add3A_284 = arith.constant 2 : i32
        %add3A_285 = arith.addi %mul3A_283, %add3A_284 : i32
        %dma_start3A_286 = arith.constant 200 : i32
        %dma_start3A_287 = arith.constant 0 : i32
        %dma_start3A_288 = tpu.memref_slice %arg9[%dma_start3A_286, %dma_start3A_287] : memref<400x64xf32, #tpu.memory_space<vmem>> -> memref<100x64xf32, #tpu.memory_space<vmem>>
        %dma_start3A_289 = arith.constant 0 : i32
        %dma_start3A_290 = tpu.memref_slice %arg6[%add3A_285, %dma_start3A_289] : memref<256x100xi32, #tpu.memory_space<vmem>> -> memref<1x100xi32, #tpu.memory_space<vmem>>
        %dma_start3A_291 = tpu.memref_squeeze %dma_start3A_290 : memref<1x100xi32, #tpu.memory_space<vmem>> -> memref<100xi32, #tpu.memory_space<vmem>>
        %dma_start3A_292 = arith.constant 0 : i32
        %dma_start3A_293 = arith.constant 0 : i32
        %dma_start3A_294 = tpu.memref_slice %arg3[%dma_start3A_292, %dma_start3A_293] : memref<100000x64xf32, #tpu.memory_space<hbm>> -> memref<100000x64xf32, #tpu.memory_space<hbm>>
        tpu.enqueue_indirect_dma source(%dma_start3A_294 : memref<100000x64xf32, #tpu.memory_space<hbm>>) target(%dma_start3A_288 : memref<100x64xf32, #tpu.memory_space<vmem>>) offsets(%dma_start3A_291 : memref<100xi32, #tpu.memory_space<vmem>>) semaphore(%arg12 : memref<!tpu.dma_semaphore, #tpu.memory_space<semaphore_mem>>)
        %mul3A_295 = arith.constant 4 : i32
        %mul3A_296 = arith.muli %add3A_255, %mul3A_295 : i32
        %add3A_297 = arith.constant 3 : i32
        %add3A_298 = arith.addi %mul3A_296, %add3A_297 : i32
        %dma_start3A_299 = arith.constant 300 : i32
        %dma_start3A_300 = arith.constant 0 : i32
        %dma_start3A_301 = tpu.memref_slice %arg9[%dma_start3A_299, %dma_start3A_300] : memref<400x64xf32, #tpu.memory_space<vmem>> -> memref<100x64xf32, #tpu.memory_space<vmem>>
        %dma_start3A_302 = arith.constant 0 : i32
        %dma_start3A_303 = tpu.memref_slice %arg6[%add3A_298, %dma_start3A_302] : memref<256x100xi32, #tpu.memory_space<vmem>> -> memref<1x100xi32, #tpu.memory_space<vmem>>
        %dma_start3A_304 = tpu.memref_squeeze %dma_start3A_303 : memref<1x100xi32, #tpu.memory_space<vmem>> -> memref<100xi32, #tpu.memory_space<vmem>>
        %dma_start3A_305 = arith.constant 0 : i32
        %dma_start3A_306 = arith.constant 0 : i32
        %dma_start3A_307 = tpu.memref_slice %arg3[%dma_start3A_305, %dma_start3A_306] : memref<100000x64xf32, #tpu.memory_space<hbm>> -> memref<100000x64xf32, #tpu.memory_space<hbm>>
        tpu.enqueue_indirect_dma source(%dma_start3A_307 : memref<100000x64xf32, #tpu.memory_space<hbm>>) target(%dma_start3A_301 : memref<100x64xf32, #tpu.memory_space<vmem>>) offsets(%dma_start3A_304 : memref<100xi32, #tpu.memory_space<vmem>>) semaphore(%arg12 : memref<!tpu.dma_semaphore, #tpu.memory_space<semaphore_mem>>)
      } else {
      }
    }
    %scan3A_86 = arith.constant 21 : i32
    %dma_wait3A = arith.constant 0 : i32
    %dma_wait3A_87 = arith.constant 0 : i32
    %dma_wait3A_88 = tpu.memref_slice %arg3[%dma_wait3A, %dma_wait3A_87] : memref<100000x64xf32, #tpu.memory_space<hbm>> -> memref<400x64xf32, #tpu.memory_space<hbm>>
    %dma_wait3A_89 = arith.constant 0 : i32
    %dma_wait3A_90 = arith.constant 0 : i32
    %dma_wait3A_91 = tpu.memref_slice %arg3[%dma_wait3A_89, %dma_wait3A_90] : memref<100000x64xf32, #tpu.memory_space<hbm>> -> memref<400x64xf32, #tpu.memory_space<hbm>>
    tpu.wait_dma2 semaphore(%arg14 : memref<!tpu.dma_semaphore, #tpu.memory_space<semaphore_mem>>) src(%dma_wait3A_91 : memref<400x64xf32, #tpu.memory_space<hbm>>) dst(%arg8 : memref<400x64xf32, #tpu.memory_space<vmem>>)
    %dma_start3A_92 = arith.constant 252 : i32
    %dma_start3A_93 = arith.constant 0 : i32
    %dma_start3A_94 = arith.constant 0 : i32
    %dma_start3A_95 = tpu.memref_slice %arg8[%dma_start3A_93, %dma_start3A_94] : memref<400x64xf32, #tpu.memory_space<vmem>> -> memref<100x64xf32, #tpu.memory_space<vmem>>
    %dma_start3A_96 = arith.constant 0 : i32
    %dma_start3A_97 = tpu.memref_slice %arg6[%dma_start3A_92, %dma_start3A_96] : memref<256x100xi32, #tpu.memory_space<vmem>> -> memref<1x100xi32, #tpu.memory_space<vmem>>
    %dma_start3A_98 = tpu.memref_squeeze %dma_start3A_97 : memref<1x100xi32, #tpu.memory_space<vmem>> -> memref<100xi32, #tpu.memory_space<vmem>>
    %dma_start3A_99 = arith.constant 0 : i32
    %dma_start3A_100 = arith.constant 0 : i32
    %dma_start3A_101 = tpu.memref_slice %arg3[%dma_start3A_99, %dma_start3A_100] : memref<100000x64xf32, #tpu.memory_space<hbm>> -> memref<100000x64xf32, #tpu.memory_space<hbm>>
    tpu.enqueue_indirect_dma source(%dma_start3A_101 : memref<100000x64xf32, #tpu.memory_space<hbm>>) target(%dma_start3A_95 : memref<100x64xf32, #tpu.memory_space<vmem>>) offsets(%dma_start3A_98 : memref<100xi32, #tpu.memory_space<vmem>>) semaphore(%arg11 : memref<!tpu.dma_semaphore, #tpu.memory_space<semaphore_mem>>)
    %dma_start3A_102 = arith.constant 253 : i32
    %dma_start3A_103 = arith.constant 100 : i32
    %dma_start3A_104 = arith.constant 0 : i32
    %dma_start3A_105 = tpu.memref_slice %arg8[%dma_start3A_103, %dma_start3A_104] : memref<400x64xf32, #tpu.memory_space<vmem>> -> memref<100x64xf32, #tpu.memory_space<vmem>>
    %dma_start3A_106 = arith.constant 0 : i32
    %dma_start3A_107 = tpu.memref_slice %arg6[%dma_start3A_102, %dma_start3A_106] : memref<256x100xi32, #tpu.memory_space<vmem>> -> memref<1x100xi32, #tpu.memory_space<vmem>>
    %dma_start3A_108 = tpu.memref_squeeze %dma_start3A_107 : memref<1x100xi32, #tpu.memory_space<vmem>> -> memref<100xi32, #tpu.memory_space<vmem>>
    %dma_start3A_109 = arith.constant 0 : i32
    %dma_start3A_110 = arith.constant 0 : i32
    %dma_start3A_111 = tpu.memref_slice %arg3[%dma_start3A_109, %dma_start3A_110] : memref<100000x64xf32, #tpu.memory_space<hbm>> -> memref<100000x64xf32, #tpu.memory_space<hbm>>
    tpu.enqueue_indirect_dma source(%dma_start3A_111 : memref<100000x64xf32, #tpu.memory_space<hbm>>) target(%dma_start3A_105 : memref<100x64xf32, #tpu.memory_space<vmem>>) offsets(%dma_start3A_108 : memref<100xi32, #tpu.memory_space<vmem>>) semaphore(%arg11 : memref<!tpu.dma_semaphore, #tpu.memory_space<semaphore_mem>>)
    %dma_start3A_112 = arith.constant 254 : i32
    %dma_start3A_113 = arith.constant 200 : i32
    %dma_start3A_114 = arith.constant 0 : i32
    %dma_start3A_115 = tpu.memref_slice %arg8[%dma_start3A_113, %dma_start3A_114] : memref<400x64xf32, #tpu.memory_space<vmem>> -> memref<100x64xf32, #tpu.memory_space<vmem>>
    %dma_start3A_116 = arith.constant 0 : i32
    %dma_start3A_117 = tpu.memref_slice %arg6[%dma_start3A_112, %dma_start3A_116] : memref<256x100xi32, #tpu.memory_space<vmem>> -> memref<1x100xi32, #tpu.memory_space<vmem>>
    %dma_start3A_118 = tpu.memref_squeeze %dma_start3A_117 : memref<1x100xi32, #tpu.memory_space<vmem>> -> memref<100xi32, #tpu.memory_space<vmem>>
    %dma_start3A_119 = arith.constant 0 : i32
    %dma_start3A_120 = arith.constant 0 : i32
    %dma_start3A_121 = tpu.memref_slice %arg3[%dma_start3A_119, %dma_start3A_120] : memref<100000x64xf32, #tpu.memory_space<hbm>> -> memref<100000x64xf32, #tpu.memory_space<hbm>>
    tpu.enqueue_indirect_dma source(%dma_start3A_121 : memref<100000x64xf32, #tpu.memory_space<hbm>>) target(%dma_start3A_115 : memref<100x64xf32, #tpu.memory_space<vmem>>) offsets(%dma_start3A_118 : memref<100xi32, #tpu.memory_space<vmem>>) semaphore(%arg11 : memref<!tpu.dma_semaphore, #tpu.memory_space<semaphore_mem>>)
    %dma_start3A_122 = arith.constant 255 : i32
    %dma_start3A_123 = arith.constant 300 : i32
    %dma_start3A_124 = arith.constant 0 : i32
    %dma_start3A_125 = tpu.memref_slice %arg8[%dma_start3A_123, %dma_start3A_124] : memref<400x64xf32, #tpu.memory_space<vmem>> -> memref<100x64xf32, #tpu.memory_space<vmem>>
    %dma_start3A_126 = arith.constant 0 : i32
    %dma_start3A_127 = tpu.memref_slice %arg6[%dma_start3A_122, %dma_start3A_126] : memref<256x100xi32, #tpu.memory_space<vmem>> -> memref<1x100xi32, #tpu.memory_space<vmem>>
    %dma_start3A_128 = tpu.memref_squeeze %dma_start3A_127 : memref<1x100xi32, #tpu.memory_space<vmem>> -> memref<100xi32, #tpu.memory_space<vmem>>
    %dma_start3A_129 = arith.constant 0 : i32
    %dma_start3A_130 = arith.constant 0 : i32
    %dma_start3A_131 = tpu.memref_slice %arg3[%dma_start3A_129, %dma_start3A_130] : memref<100000x64xf32, #tpu.memory_space<hbm>> -> memref<100000x64xf32, #tpu.memory_space<hbm>>
    tpu.enqueue_indirect_dma source(%dma_start3A_131 : memref<100000x64xf32, #tpu.memory_space<hbm>>) target(%dma_start3A_125 : memref<100x64xf32, #tpu.memory_space<vmem>>) offsets(%dma_start3A_128 : memref<100xi32, #tpu.memory_space<vmem>>) semaphore(%arg11 : memref<!tpu.dma_semaphore, #tpu.memory_space<semaphore_mem>>)
    %dma_wait3A_132 = arith.constant 0 : i32
    %dma_wait3A_133 = arith.constant 0 : i32
    %dma_wait3A_134 = tpu.memref_slice %arg3[%dma_wait3A_132, %dma_wait3A_133] : memref<100000x64xf32, #tpu.memory_space<hbm>> -> memref<400x64xf32, #tpu.memory_space<hbm>>
    %dma_wait3A_135 = arith.constant 0 : i32
    %dma_wait3A_136 = arith.constant 0 : i32
    %dma_wait3A_137 = tpu.memref_slice %arg3[%dma_wait3A_135, %dma_wait3A_136] : memref<100000x64xf32, #tpu.memory_space<hbm>> -> memref<400x64xf32, #tpu.memory_space<hbm>>
    tpu.wait_dma2 semaphore(%arg11 : memref<!tpu.dma_semaphore, #tpu.memory_space<semaphore_mem>>) src(%dma_wait3A_137 : memref<400x64xf32, #tpu.memory_space<hbm>>) dst(%arg8 : memref<400x64xf32, #tpu.memory_space<vmem>>)
    %scan3A_138 = arith.constant 0 : i32
    %scan3A_139 = arith.constant 0 : i32
    %scan3A_140 = arith.constant 200 : i32
    %scan3A_141 = arith.addi %scan3A_139, %scan3A_140 : i32
    %scan3A_142 = arith.constant 2 : i32
    scf.for %scan3A_168 = %scan3A_139 to %scan3A_141 step %scan3A_142  : i32 {
      %get3A = arith.index_cast %scan3A_168 : i32 to index
      %get3A_169 = arith.constant 0 : index
      %get3A_170 = tpu.vector_load %arg7[%get3A, %get3A_169] {strides = array<i32>} : memref<200x64xf32, #tpu.memory_space<vmem>>, vector<1x16xf32>,
      %get3A_171 = vector.shape_cast %get3A_170 : vector<1x16xf32> to vector<16xf32>
      %add3A_172 = arith.constant 0 : i32
      %add3A_173 = arith.addi %add3A_172, %scan3A_168 : i32
      %get3A_174 = arith.index_cast %add3A_173 : i32 to index
      %get3A_175 = arith.constant 0 : index
      %get3A_176 = tpu.vector_load %arg8[%get3A_174, %get3A_175] {strides = array<i32>} : memref<400x64xf32, #tpu.memory_space<vmem>>, vector<1x16xf32>,
      %get3A_177 = vector.shape_cast %get3A_176 : vector<1x16xf32> to vector<16xf32>
      %mul3A_178 = arith.constant 8.000000e+00 : f32
      %mul3A_179 = vector.broadcast %mul3A_178 : f32 to vector<16xf32>
      %mul3A_180 = arith.mulf %get3A_177, %mul3A_179 : vector<16xf32>
      %add3A_181 = arith.addf %mul3A_180, %get3A_171 : vector<16xf32>
      %swap3A = arith.index_cast %add3A_173 : i32 to index
      %swap3A_182 = arith.constant 0 : index
      %swap3A_183 = tpu.vector_load %arg8[%swap3A, %swap3A_182] {strides = array<i32>} : memref<400x64xf32, #tpu.memory_space<vmem>>, vector<1x16xf32>,
      %swap3A_184 = vector.shape_cast %swap3A_183 : vector<1x16xf32> to vector<16xf32>
      %swap3A_185 = vector.shape_cast %add3A_181 : vector<16xf32> to vector<1x16xf32>
      tpu.vector_store %arg8[%swap3A, %swap3A_182], %swap3A_185 {strides = array<i32>} : memref<400x64xf32, #tpu.memory_space<vmem>>, vector<1x16xf32>,
      %add3A_186 = arith.constant 200 : i32
      %add3A_187 = arith.addi %add3A_186, %scan3A_168 : i32
      %get3A_188 = arith.index_cast %add3A_187 : i32 to index
      %get3A_189 = arith.constant 0 : index
      %get3A_190 = tpu.vector_load %arg8[%get3A_188, %get3A_189] {strides = array<i32>} : memref<400x64xf32, #tpu.memory_space<vmem>>, vector<1x16xf32>,
      %get3A_191 = vector.shape_cast %get3A_190 : vector<1x16xf32> to vector<16xf32>
      %mul3A_192 = arith.constant 8.000000e+00 : f32
      %mul3A_193 = vector.broadcast %mul3A_192 : f32 to vector<16xf32>
      %mul3A_194 = arith.mulf %get3A_191, %mul3A_193 : vector<16xf32>
      %add3A_195 = arith.addf %mul3A_194, %get3A_171 : vector<16xf32>
      %swap3A_196 = arith.index_cast %add3A_187 : i32 to index
      %swap3A_197 = arith.constant 0 : index
      %swap3A_198 = tpu.vector_load %arg8[%swap3A_196, %swap3A_197] {strides = array<i32>} : memref<400x64xf32, #tpu.memory_space<vmem>>, vector<1x16xf32>,
      %swap3A_199 = vector.shape_cast %swap3A_198 : vector<1x16xf32> to vector<16xf32>
      %swap3A_200 = vector.shape_cast %add3A_195 : vector<16xf32> to vector<1x16xf32>
      tpu.vector_store %arg8[%swap3A_196, %swap3A_197], %swap3A_200 {strides = array<i32>} : memref<400x64xf32, #tpu.memory_space<vmem>>, vector<1x16xf32>,
      %get3A_201 = arith.index_cast %scan3A_168 : i32 to index
      %get3A_202 = arith.constant 16 : index
      %get3A_203 = tpu.vector_load %arg7[%get3A_201, %get3A_202] {strides = array<i32>} : memref<200x64xf32, #tpu.memory_space<vmem>>, vector<1x16xf32>,
      %get3A_204 = vector.shape_cast %get3A_203 : vector<1x16xf32> to vector<16xf32>
      %add3A_205 = arith.constant 0 : i32
      %add3A_206 = arith.addi %add3A_205, %scan3A_168 : i32
      %get3A_207 = arith.index_cast %add3A_206 : i32 to index
      %get3A_208 = arith.constant 16 : index
      %get3A_209 = tpu.vector_load %arg8[%get3A_207, %get3A_208] {strides = array<i32>} : memref<400x64xf32, #tpu.memory_space<vmem>>, vector<1x16xf32>,
      %get3A_210 = vector.shape_cast %get3A_209 : vector<1x16xf32> to vector<16xf32>
      %mul3A_211 = arith.constant 8.000000e+00 : f32
      %mul3A_212 = vector.broadcast %mul3A_211 : f32 to vector<16xf32>
      %mul3A_213 = arith.mulf %get3A_210, %mul3A_212 : vector<16xf32>
      %add3A_214 = arith.addf %mul3A_213, %get3A_204 : vector<16xf32>
      %swap3A_215 = arith.index_cast %add3A_206 : i32 to index
      %swap3A_216 = arith.constant 16 : index
      %swap3A_217 = tpu.vector_load %arg8[%swap3A_215, %swap3A_216] {strides = array<i32>} : memref<400x64xf32, #tpu.memory_space<vmem>>, vector<1x16xf32>,
      %swap3A_218 = vector.shape_cast %swap3A_217 : vector<1x16xf32> to vector<16xf32>
      %swap3A_219 = vector.shape_cast %add3A_214 : vector<16xf32> to vector<1x16xf32>
      tpu.vector_store %arg8[%swap3A_215, %swap3A_216], %swap3A_219 {strides = array<i32>} : memref<400x64xf32, #tpu.memory_space<vmem>>, vector<1x16xf32>,
      %add3A_220 = arith.constant 200 : i32
      %add3A_221 = arith.addi %add3A_220, %scan3A_168 : i32
      %get3A_222 = arith.index_cast %add3A_221 : i32 to index
      %get3A_223 = arith.constant 16 : index
      %get3A_224 = tpu.vector_load %arg8[%get3A_222, %get3A_223] {strides = array<i32>} : memref<400x64xf32, #tpu.memory_space<vmem>>, vector<1x16xf32>,
      %get3A_225 = vector.shape_cast %get3A_224 : vector<1x16xf32> to vector<16xf32>
      %mul3A_226 = arith.constant 8.000000e+00 : f32
      %mul3A_227 = vector.broadcast %mul3A_226 : f32 to vector<16xf32>
      %mul3A_228 = arith.mulf %get3A_225, %mul3A_227 : vector<16xf32>
      %add3A_229 = arith.addf %mul3A_228, %get3A_204 : vector<16xf32>
      %swap3A_230 = arith.index_cast %add3A_221 : i32 to index
      %swap3A_231 = arith.constant 16 : index
      %swap3A_232 = tpu.vector_load %arg8[%swap3A_230, %swap3A_231] {strides = array<i32>} : memref<400x64xf32, #tpu.memory_space<vmem>>, vector<1x16xf32>,
      %swap3A_233 = vector.shape_cast %swap3A_232 : vector<1x16xf32> to vector<16xf32>
      %swap3A_234 = vector.shape_cast %add3A_229 : vector<16xf32> to vector<1x16xf32>
      tpu.vector_store %arg8[%swap3A_230, %swap3A_231], %swap3A_234 {strides = array<i32>} : memref<400x64xf32, #tpu.memory_space<vmem>>, vector<1x16xf32>,
      %get3A_235 = arith.index_cast %scan3A_168 : i32 to index
      %get3A_236 = arith.constant 32 : index
      %get3A_237 = tpu.vector_load %arg7[%get3A_235, %get3A_236] {strides = array<i32>} : memref<200x64xf32, #tpu.memory_space<vmem>>, vector<1x16xf32>,
      %get3A_238 = vector.shape_cast %get3A_237 : vector<1x16xf32> to vector<16xf32>
      %add3A_239 = arith.constant 0 : i32
      %add3A_240 = arith.addi %add3A_239, %scan3A_168 : i32
      %get3A_241 = arith.index_cast %add3A_240 : i32 to index
      %get3A_242 = arith.constant 32 : index
      %get3A_243 = tpu.vector_load %arg8[%get3A_241, %get3A_242] {strides = array<i32>} : memref<400x64xf32, #tpu.memory_space<vmem>>, vector<1x16xf32>,
      %get3A_244 = vector.shape_cast %get3A_243 : vector<1x16xf32> to vector<16xf32>
      %mul3A_245 = arith.constant 8.000000e+00 : f32
      %mul3A_246 = vector.broadcast %mul3A_245 : f32 to vector<16xf32>
      %mul3A_247 = arith.mulf %get3A_244, %mul3A_246 : vector<16xf32>
      %add3A_248 = arith.addf %mul3A_247, %get3A_238 : vector<16xf32>
      %swap3A_249 = arith.index_cast %add3A_240 : i32 to index
      %swap3A_250 = arith.constant 32 : index
      %swap3A_251 = tpu.vector_load %arg8[%swap3A_249, %swap3A_250] {strides = array<i32>} : memref<400x64xf32, #tpu.memory_space<vmem>>, vector<1x16xf32>,
      %swap3A_252 = vector.shape_cast %swap3A_251 : vector<1x16xf32> to vector<16xf32>
      %swap3A_253 = vector.shape_cast %add3A_248 : vector<16xf32> to vector<1x16xf32>
      tpu.vector_store %arg8[%swap3A_249, %swap3A_250], %swap3A_253 {strides = array<i32>} : memref<400x64xf32, #tpu.memory_space<vmem>>, vector<1x16xf32>,
      %add3A_254 = arith.constant 200 : i32
      %add3A_255 = arith.addi %add3A_254, %scan3A_168 : i32
      %get3A_256 = arith.index_cast %add3A_255 : i32 to index
      %get3A_257 = arith.constant 32 : index
      %get3A_258 = tpu.vector_load %arg8[%get3A_256, %get3A_257] {strides = array<i32>} : memref<400x64xf32, #tpu.memory_space<vmem>>, vector<1x16xf32>,
      %get3A_259 = vector.shape_cast %get3A_258 : vector<1x16xf32> to vector<16xf32>
      %mul3A_260 = arith.constant 8.000000e+00 : f32
      %mul3A_261 = vector.broadcast %mul3A_260 : f32 to vector<16xf32>
      %mul3A_262 = arith.mulf %get3A_259, %mul3A_261 : vector<16xf32>
      %add3A_263 = arith.addf %mul3A_262, %get3A_238 : vector<16xf32>
      %swap3A_264 = arith.index_cast %add3A_255 : i32 to index
      %swap3A_265 = arith.constant 32 : index
      %swap3A_266 = tpu.vector_load %arg8[%swap3A_264, %swap3A_265] {strides = array<i32>} : memref<400x64xf32, #tpu.memory_space<vmem>>, vector<1x16xf32>,
      %swap3A_267 = vector.shape_cast %swap3A_266 : vector<1x16xf32> to vector<16xf32>
      %swap3A_268 = vector.shape_cast %add3A_263 : vector<16xf32> to vector<1x16xf32>
      tpu.vector_store %arg8[%swap3A_264, %swap3A_265], %swap3A_268 {strides = array<i32>} : memref<400x64xf32, #tpu.memory_space<vmem>>, vector<1x16xf32>,
      %get3A_269 = arith.index_cast %scan3A_168 : i32 to index
      %get3A_270 = arith.constant 48 : index
      %get3A_271 = tpu.vector_load %arg7[%get3A_269, %get3A_270] {strides = array<i32>} : memref<200x64xf32, #tpu.memory_space<vmem>>, vector<1x16xf32>,
      %get3A_272 = vector.shape_cast %get3A_271 : vector<1x16xf32> to vector<16xf32>
      %add3A_273 = arith.constant 0 : i32
      %add3A_274 = arith.addi %add3A_273, %scan3A_168 : i32
      %get3A_275 = arith.index_cast %add3A_274 : i32 to index
      %get3A_276 = arith.constant 48 : index
      %get3A_277 = tpu.vector_load %arg8[%get3A_275, %get3A_276] {strides = array<i32>} : memref<400x64xf32, #tpu.memory_space<vmem>>, vector<1x16xf32>,
      %get3A_278 = vector.shape_cast %get3A_277 : vector<1x16xf32> to vector<16xf32>
      %mul3A_279 = arith.constant 8.000000e+00 : f32
      %mul3A_280 = vector.broadcast %mul3A_279 : f32 to vector<16xf32>
      %mul3A_281 = arith.mulf %get3A_278, %mul3A_280 : vector<16xf32>
      %add3A_282 = arith.addf %mul3A_281, %get3A_272 : vector<16xf32>
      %swap3A_283 = arith.index_cast %add3A_274 : i32 to index
      %swap3A_284 = arith.constant 48 : index
      %swap3A_285 = tpu.vector_load %arg8[%swap3A_283, %swap3A_284] {strides = array<i32>} : memref<400x64xf32, #tpu.memory_space<vmem>>, vector<1x16xf32>,
      %swap3A_286 = vector.shape_cast %swap3A_285 : vector<1x16xf32> to vector<16xf32>
      %swap3A_287 = vector.shape_cast %add3A_282 : vector<16xf32> to vector<1x16xf32>
      tpu.vector_store %arg8[%swap3A_283, %swap3A_284], %swap3A_287 {strides = array<i32>} : memref<400x64xf32, #tpu.memory_space<vmem>>, vector<1x16xf32>,
      %add3A_288 = arith.constant 200 : i32
      %add3A_289 = arith.addi %add3A_288, %scan3A_168 : i32
      %get3A_290 = arith.index_cast %add3A_289 : i32 to index
      %get3A_291 = arith.constant 48 : index
      %get3A_292 = tpu.vector_load %arg8[%get3A_290, %get3A_291] {strides = array<i32>} : memref<400x64xf32, #tpu.memory_space<vmem>>, vector<1x16xf32>,
      %get3A_293 = vector.shape_cast %get3A_292 : vector<1x16xf32> to vector<16xf32>
      %mul3A_294 = arith.constant 8.000000e+00 : f32
      %mul3A_295 = vector.broadcast %mul3A_294 : f32 to vector<16xf32>
      %mul3A_296 = arith.mulf %get3A_293, %mul3A_295 : vector<16xf32>
      %add3A_297 = arith.addf %mul3A_296, %get3A_272 : vector<16xf32>
      %swap3A_298 = arith.index_cast %add3A_289 : i32 to index
      %swap3A_299 = arith.constant 48 : index
      %swap3A_300 = tpu.vector_load %arg8[%swap3A_298, %swap3A_299] {strides = array<i32>} : memref<400x64xf32, #tpu.memory_space<vmem>>, vector<1x16xf32>,
      %swap3A_301 = vector.shape_cast %swap3A_300 : vector<1x16xf32> to vector<16xf32>
      %swap3A_302 = vector.shape_cast %add3A_297 : vector<16xf32> to vector<1x16xf32>
      tpu.vector_store %arg8[%swap3A_298, %swap3A_299], %swap3A_302 {strides = array<i32>} : memref<400x64xf32, #tpu.memory_space<vmem>>, vector<1x16xf32>,
      %scan3A_303 = arith.constant 1 : i32
      %scan3A_304 = arith.addi %scan3A_168, %scan3A_303 : i32
      %get3A_305 = arith.index_cast %scan3A_304 : i32 to index
      %get3A_306 = arith.constant 0 : index
      %get3A_307 = tpu.vector_load %arg7[%get3A_305, %get3A_306] {strides = array<i32>} : memref<200x64xf32, #tpu.memory_space<vmem>>, vector<1x16xf32>,
      %get3A_308 = vector.shape_cast %get3A_307 : vector<1x16xf32> to vector<16xf32>
      %add3A_309 = arith.constant 0 : i32
      %add3A_310 = arith.addi %add3A_309, %scan3A_304 : i32
      %get3A_311 = arith.index_cast %add3A_310 : i32 to index
      %get3A_312 = arith.constant 0 : index
      %get3A_313 = tpu.vector_load %arg8[%get3A_311, %get3A_312] {strides = array<i32>} : memref<400x64xf32, #tpu.memory_space<vmem>>, vector<1x16xf32>,
      %get3A_314 = vector.shape_cast %get3A_313 : vector<1x16xf32> to vector<16xf32>
      %mul3A_315 = arith.constant 8.000000e+00 : f32
      %mul3A_316 = vector.broadcast %mul3A_315 : f32 to vector<16xf32>
      %mul3A_317 = arith.mulf %get3A_314, %mul3A_316 : vector<16xf32>
      %add3A_318 = arith.addf %mul3A_317, %get3A_308 : vector<16xf32>
      %swap3A_319 = arith.index_cast %add3A_310 : i32 to index
      %swap3A_320 = arith.constant 0 : index
      %swap3A_321 = tpu.vector_load %arg8[%swap3A_319, %swap3A_320] {strides = array<i32>} : memref<400x64xf32, #tpu.memory_space<vmem>>, vector<1x16xf32>,
      %swap3A_322 = vector.shape_cast %swap3A_321 : vector<1x16xf32> to vector<16xf32>
      %swap3A_323 = vector.shape_cast %add3A_318 : vector<16xf32> to vector<1x16xf32>
      tpu.vector_store %arg8[%swap3A_319, %swap3A_320], %swap3A_323 {strides = array<i32>} : memref<400x64xf32, #tpu.memory_space<vmem>>, vector<1x16xf32>,
      %add3A_324 = arith.constant 200 : i32
      %add3A_325 = arith.addi %add3A_324, %scan3A_304 : i32
      %get3A_326 = arith.index_cast %add3A_325 : i32 to index
      %get3A_327 = arith.constant 0 : index
      %get3A_328 = tpu.vector_load %arg8[%get3A_326, %get3A_327] {strides = array<i32>} : memref<400x64xf32, #tpu.memory_space<vmem>>, vector<1x16xf32>,
      %get3A_329 = vector.shape_cast %get3A_328 : vector<1x16xf32> to vector<16xf32>
      %mul3A_330 = arith.constant 8.000000e+00 : f32
      %mul3A_331 = vector.broadcast %mul3A_330 : f32 to vector<16xf32>
      %mul3A_332 = arith.mulf %get3A_329, %mul3A_331 : vector<16xf32>
      %add3A_333 = arith.addf %mul3A_332, %get3A_308 : vector<16xf32>
      %swap3A_334 = arith.index_cast %add3A_325 : i32 to index
      %swap3A_335 = arith.constant 0 : index
      %swap3A_336 = tpu.vector_load %arg8[%swap3A_334, %swap3A_335] {strides = array<i32>} : memref<400x64xf32, #tpu.memory_space<vmem>>, vector<1x16xf32>,
      %swap3A_337 = vector.shape_cast %swap3A_336 : vector<1x16xf32> to vector<16xf32>
      %swap3A_338 = vector.shape_cast %add3A_333 : vector<16xf32> to vector<1x16xf32>
      tpu.vector_store %arg8[%swap3A_334, %swap3A_335], %swap3A_338 {strides = array<i32>} : memref<400x64xf32, #tpu.memory_space<vmem>>, vector<1x16xf32>,
      %get3A_339 = arith.index_cast %scan3A_304 : i32 to index
      %get3A_340 = arith.constant 16 : index
      %get3A_341 = tpu.vector_load %arg7[%get3A_339, %get3A_340] {strides = array<i32>} : memref<200x64xf32, #tpu.memory_space<vmem>>, vector<1x16xf32>,
      %get3A_342 = vector.shape_cast %get3A_341 : vector<1x16xf32> to vector<16xf32>
      %add3A_343 = arith.constant 0 : i32
      %add3A_344 = arith.addi %add3A_343, %scan3A_304 : i32
      %get3A_345 = arith.index_cast %add3A_344 : i32 to index
      %get3A_346 = arith.constant 16 : index
      %get3A_347 = tpu.vector_load %arg8[%get3A_345, %get3A_346] {strides = array<i32>} : memref<400x64xf32, #tpu.memory_space<vmem>>, vector<1x16xf32>,
      %get3A_348 = vector.shape_cast %get3A_347 : vector<1x16xf32> to vector<16xf32>
      %mul3A_349 = arith.constant 8.000000e+00 : f32
      %mul3A_350 = vector.broadcast %mul3A_349 : f32 to vector<16xf32>
      %mul3A_351 = arith.mulf %get3A_348, %mul3A_350 : vector<16xf32>
      %add3A_352 = arith.addf %mul3A_351, %get3A_342 : vector<16xf32>
      %swap3A_353 = arith.index_cast %add3A_344 : i32 to index
      %swap3A_354 = arith.constant 16 : index
      %swap3A_355 = tpu.vector_load %arg8[%swap3A_353, %swap3A_354] {strides = array<i32>} : memref<400x64xf32, #tpu.memory_space<vmem>>, vector<1x16xf32>,
      %swap3A_356 = vector.shape_cast %swap3A_355 : vector<1x16xf32> to vector<16xf32>
      %swap3A_357 = vector.shape_cast %add3A_352 : vector<16xf32> to vector<1x16xf32>
      tpu.vector_store %arg8[%swap3A_353, %swap3A_354], %swap3A_357 {strides = array<i32>} : memref<400x64xf32, #tpu.memory_space<vmem>>, vector<1x16xf32>,
      %add3A_358 = arith.constant 200 : i32
      %add3A_359 = arith.addi %add3A_358, %scan3A_304 : i32
      %get3A_360 = arith.index_cast %add3A_359 : i32 to index
      %get3A_361 = arith.constant 16 : index
      %get3A_362 = tpu.vector_load %arg8[%get3A_360, %get3A_361] {strides = array<i32>} : memref<400x64xf32, #tpu.memory_space<vmem>>, vector<1x16xf32>,
      %get3A_363 = vector.shape_cast %get3A_362 : vector<1x16xf32> to vector<16xf32>
      %mul3A_364 = arith.constant 8.000000e+00 : f32
      %mul3A_365 = vector.broadcast %mul3A_364 : f32 to vector<16xf32>
      %mul3A_366 = arith.mulf %get3A_363, %mul3A_365 : vector<16xf32>
      %add3A_367 = arith.addf %mul3A_366, %get3A_342 : vector<16xf32>
      %swap3A_368 = arith.index_cast %add3A_359 : i32 to index
      %swap3A_369 = arith.constant 16 : index
      %swap3A_370 = tpu.vector_load %arg8[%swap3A_368, %swap3A_369] {strides = array<i32>} : memref<400x64xf32, #tpu.memory_space<vmem>>, vector<1x16xf32>,
      %swap3A_371 = vector.shape_cast %swap3A_370 : vector<1x16xf32> to vector<16xf32>
      %swap3A_372 = vector.shape_cast %add3A_367 : vector<16xf32> to vector<1x16xf32>
      tpu.vector_store %arg8[%swap3A_368, %swap3A_369], %swap3A_372 {strides = array<i32>} : memref<400x64xf32, #tpu.memory_space<vmem>>, vector<1x16xf32>,
      %get3A_373 = arith.index_cast %scan3A_304 : i32 to index
      %get3A_374 = arith.constant 32 : index
      %get3A_375 = tpu.vector_load %arg7[%get3A_373, %get3A_374] {strides = array<i32>} : memref<200x64xf32, #tpu.memory_space<vmem>>, vector<1x16xf32>,
      %get3A_376 = vector.shape_cast %get3A_375 : vector<1x16xf32> to vector<16xf32>
      %add3A_377 = arith.constant 0 : i32
      %add3A_378 = arith.addi %add3A_377, %scan3A_304 : i32
      %get3A_379 = arith.index_cast %add3A_378 : i32 to index
      %get3A_380 = arith.constant 32 : index
      %get3A_381 = tpu.vector_load %arg8[%get3A_379, %get3A_380] {strides = array<i32>} : memref<400x64xf32, #tpu.memory_space<vmem>>, vector<1x16xf32>,
      %get3A_382 = vector.shape_cast %get3A_381 : vector<1x16xf32> to vector<16xf32>
      %mul3A_383 = arith.constant 8.000000e+00 : f32
      %mul3A_384 = vector.broadcast %mul3A_383 : f32 to vector<16xf32>
      %mul3A_385 = arith.mulf %get3A_382, %mul3A_384 : vector<16xf32>
      %add3A_386 = arith.addf %mul3A_385, %get3A_376 : vector<16xf32>
      %swap3A_387 = arith.index_cast %add3A_378 : i32 to index
      %swap3A_388 = arith.constant 32 : index
      %swap3A_389 = tpu.vector_load %arg8[%swap3A_387, %swap3A_388] {strides = array<i32>} : memref<400x64xf32, #tpu.memory_space<vmem>>, vector<1x16xf32>,
      %swap3A_390 = vector.shape_cast %swap3A_389 : vector<1x16xf32> to vector<16xf32>
      %swap3A_391 = vector.shape_cast %add3A_386 : vector<16xf32> to vector<1x16xf32>
      tpu.vector_store %arg8[%swap3A_387, %swap3A_388], %swap3A_391 {strides = array<i32>} : memref<400x64xf32, #tpu.memory_space<vmem>>, vector<1x16xf32>,
      %add3A_392 = arith.constant 200 : i32
      %add3A_393 = arith.addi %add3A_392, %scan3A_304 : i32
      %get3A_394 = arith.index_cast %add3A_393 : i32 to index
      %get3A_395 = arith.constant 32 : index
      %get3A_396 = tpu.vector_load %arg8[%get3A_394, %get3A_395] {strides = array<i32>} : memref<400x64xf32, #tpu.memory_space<vmem>>, vector<1x16xf32>,
      %get3A_397 = vector.shape_cast %get3A_396 : vector<1x16xf32> to vector<16xf32>
      %mul3A_398 = arith.constant 8.000000e+00 : f32
      %mul3A_399 = vector.broadcast %mul3A_398 : f32 to vector<16xf32>
      %mul3A_400 = arith.mulf %get3A_397, %mul3A_399 : vector<16xf32>
      %add3A_401 = arith.addf %mul3A_400, %get3A_376 : vector<16xf32>
      %swap3A_402 = arith.index_cast %add3A_393 : i32 to index
      %swap3A_403 = arith.constant 32 : index
      %swap3A_404 = tpu.vector_load %arg8[%swap3A_402, %swap3A_403] {strides = array<i32>} : memref<400x64xf32, #tpu.memory_space<vmem>>, vector<1x16xf32>,
      %swap3A_405 = vector.shape_cast %swap3A_404 : vector<1x16xf32> to vector<16xf32>
      %swap3A_406 = vector.shape_cast %add3A_401 : vector<16xf32> to vector<1x16xf32>
      tpu.vector_store %arg8[%swap3A_402, %swap3A_403], %swap3A_406 {strides = array<i32>} : memref<400x64xf32, #tpu.memory_space<vmem>>, vector<1x16xf32>,
      %get3A_407 = arith.index_cast %scan3A_304 : i32 to index
      %get3A_408 = arith.constant 48 : index
      %get3A_409 = tpu.vector_load %arg7[%get3A_407, %get3A_408] {strides = array<i32>} : memref<200x64xf32, #tpu.memory_space<vmem>>, vector<1x16xf32>,
      %get3A_410 = vector.shape_cast %get3A_409 : vector<1x16xf32> to vector<16xf32>
      %add3A_411 = arith.constant 0 : i32
      %add3A_412 = arith.addi %add3A_411, %scan3A_304 : i32
      %get3A_413 = arith.index_cast %add3A_412 : i32 to index
      %get3A_414 = arith.constant 48 : index
      %get3A_415 = tpu.vector_load %arg8[%get3A_413, %get3A_414] {strides = array<i32>} : memref<400x64xf32, #tpu.memory_space<vmem>>, vector<1x16xf32>,
      %get3A_416 = vector.shape_cast %get3A_415 : vector<1x16xf32> to vector<16xf32>
      %mul3A_417 = arith.constant 8.000000e+00 : f32
      %mul3A_418 = vector.broadcast %mul3A_417 : f32 to vector<16xf32>
      %mul3A_419 = arith.mulf %get3A_416, %mul3A_418 : vector<16xf32>
      %add3A_420 = arith.addf %mul3A_419, %get3A_410 : vector<16xf32>
      %swap3A_421 = arith.index_cast %add3A_412 : i32 to index
      %swap3A_422 = arith.constant 48 : index
      %swap3A_423 = tpu.vector_load %arg8[%swap3A_421, %swap3A_422] {strides = array<i32>} : memref<400x64xf32, #tpu.memory_space<vmem>>, vector<1x16xf32>,
      %swap3A_424 = vector.shape_cast %swap3A_423 : vector<1x16xf32> to vector<16xf32>
      %swap3A_425 = vector.shape_cast %add3A_420 : vector<16xf32> to vector<1x16xf32>
      tpu.vector_store %arg8[%swap3A_421, %swap3A_422], %swap3A_425 {strides = array<i32>} : memref<400x64xf32, #tpu.memory_space<vmem>>, vector<1x16xf32>,
      %add3A_426 = arith.constant 200 : i32
      %add3A_427 = arith.addi %add3A_426, %scan3A_304 : i32
      %get3A_428 = arith.index_cast %add3A_427 : i32 to index
      %get3A_429 = arith.constant 48 : index
      %get3A_430 = tpu.vector_load %arg8[%get3A_428, %get3A_429] {strides = array<i32>} : memref<400x64xf32, #tpu.memory_space<vmem>>, vector<1x16xf32>,
      %get3A_431 = vector.shape_cast %get3A_430 : vector<1x16xf32> to vector<16xf32>
      %mul3A_432 = arith.constant 8.000000e+00 : f32
      %mul3A_433 = vector.broadcast %mul3A_432 : f32 to vector<16xf32>
      %mul3A_434 = arith.mulf %get3A_431, %mul3A_433 : vector<16xf32>
      %add3A_435 = arith.addf %mul3A_434, %get3A_410 : vector<16xf32>
      %swap3A_436 = arith.index_cast %add3A_427 : i32 to index
      %swap3A_437 = arith.constant 48 : index
      %swap3A_438 = tpu.vector_load %arg8[%swap3A_436, %swap3A_437] {strides = array<i32>} : memref<400x64xf32, #tpu.memory_space<vmem>>, vector<1x16xf32>,
      %swap3A_439 = vector.shape_cast %swap3A_438 : vector<1x16xf32> to vector<16xf32>
      %swap3A_440 = vector.shape_cast %add3A_435 : vector<16xf32> to vector<1x16xf32>
      tpu.vector_store %arg8[%swap3A_436, %swap3A_437], %swap3A_440 {strides = array<i32>} : memref<400x64xf32, #tpu.memory_space<vmem>>, vector<1x16xf32>,
    }
    %scan3A_143 = arith.constant 200 : i32
    %add3A_144 = arith.constant 25200 : i32
    %add3A_145 = arith.addi %mul3A_2, %add3A_144 : i32
    %dma_start3A_146 = arith.constant 0 : i32
    %dma_start3A_147 = tpu.memref_slice %arg5[%add3A_145, %dma_start3A_146] : memref<819200x64xf32, #tpu.memory_space<hbm>> -> memref<400x64xf32, #tpu.memory_space<hbm>>
    %dma_start3A_148 = arith.constant 0 : i32
    %dma_start3A_149 = tpu.memref_slice %arg5[%add3A_145, %dma_start3A_148] : memref<819200x64xf32, #tpu.memory_space<hbm>> -> memref<400x64xf32, #tpu.memory_space<hbm>>
    tpu.enqueue_dma source(%arg8 : memref<400x64xf32, #tpu.memory_space<vmem>>) target(%dma_start3A_149 : memref<400x64xf32, #tpu.memory_space<hbm>>) target_semaphore(%arg14 : memref<!tpu.dma_semaphore, #tpu.memory_space<semaphore_mem>>)
    %dma_wait3A_150 = arith.constant 0 : i32
    %dma_wait3A_151 = arith.constant 0 : i32
    %dma_wait3A_152 = tpu.memref_slice %arg3[%dma_wait3A_150, %dma_wait3A_151] : memref<100000x64xf32, #tpu.memory_space<hbm>> -> memref<400x64xf32, #tpu.memory_space<hbm>>
    %dma_wait3A_153 = arith.constant 0 : i32
    %dma_wait3A_154 = arith.constant 0 : i32
    %dma_wait3A_155 = tpu.memref_slice %arg3[%dma_wait3A_153, %dma_wait3A_154] : memref<100000x64xf32, #tpu.memory_space<hbm>> -> memref<400x64xf32, #tpu.memory_space<hbm>>
    tpu.wait_dma2 semaphore(%arg14 : memref<!tpu.dma_semaphore, #tpu.memory_space<semaphore_mem>>) src(%dma_wait3A_155 : memref<400x64xf32, #tpu.memory_space<hbm>>) dst(%arg8 : memref<400x64xf32, #tpu.memory_space<vmem>>)
    %dma_wait3A_156 = arith.constant 0 : i32
    %dma_wait3A_157 = arith.constant 0 : i32
    %dma_wait3A_158 = tpu.memref_slice %arg3[%dma_wait3A_156, %dma_wait3A_157] : memref<100000x64xf32, #tpu.memory_space<hbm>> -> memref<400x64xf32, #tpu.memory_space<hbm>>
    %dma_wait3A_159 = arith.constant 0 : i32
    %dma_wait3A_160 = arith.constant 0 : i32
    %dma_wait3A_161 = tpu.memref_slice %arg3[%dma_wait3A_159, %dma_wait3A_160] : memref<100000x64xf32, #tpu.memory_space<hbm>> -> memref<400x64xf32, #tpu.memory_space<hbm>>
    tpu.wait_dma2 semaphore(%arg15 : memref<!tpu.dma_semaphore, #tpu.memory_space<semaphore_mem>>) src(%dma_wait3A_161 : memref<400x64xf32, #tpu.memory_space<hbm>>) dst(%arg9 : memref<400x64xf32, #tpu.memory_space<vmem>>)
    %dma_wait3A_162 = arith.constant 0 : i32
    %dma_wait3A_163 = arith.constant 0 : i32
    %dma_wait3A_164 = tpu.memref_slice %arg3[%dma_wait3A_162, %dma_wait3A_163] : memref<100000x64xf32, #tpu.memory_space<hbm>> -> memref<400x64xf32, #tpu.memory_space<hbm>>
    %dma_wait3A_165 = arith.constant 0 : i32
    %dma_wait3A_166 = arith.constant 0 : i32
    %dma_wait3A_167 = tpu.memref_slice %arg3[%dma_wait3A_165, %dma_wait3A_166] : memref<100000x64xf32, #tpu.memory_space<hbm>> -> memref<400x64xf32, #tpu.memory_space<hbm>>
    tpu.wait_dma2 semaphore(%arg16 : memref<!tpu.dma_semaphore, #tpu.memory_space<semaphore_mem>>) src(%dma_wait3A_167 : memref<400x64xf32, #tpu.memory_space<hbm>>) dst(%arg10 : memref<400x64xf32, #tpu.memory_space<vmem>>)
    return
  }
}

</mosaic_0001>

<sc_bundles>
// kernel: kernel.3.cloned.1.call-start
scs
__scs_entry_jumppad:
0x0: {  	(pc) =	sbr.rel $0x88, $3  }
0x1: {  	(tag) =	ssettag $0x0;
	lr =	simm.s32 $0x1  }
0x2: {  	[smem:$0x3F9E] =	sst lr;
	_ =	strace $0xD0000000  }
0x3: {  	_ = 	snop  }
0x4: {  	_ = 	snop  }
0x5: {  	_ = 	snop  }
0x6: {  	_ = 	snop  }
0x7: {  	_ = 	snop  }
__scs_overlays_trampoline_lowered:
0x8: {  	[smem:$0x3FAD] =	sst s0  }
0x9: {  	[smem:$0x3FAE] =	sst s1  }
0xa: {  	[smem:$0x3FAF] =	sst s2  }
0xb: {  	[smem:$0x3FB0] =	sst s3  }
0xc: {  	[smem:$0x3FB1] =	sst s4  }
0xd: {  	[smem:$0x3FB2] =	sst s5  }
0xe: {  	[smem:$0x3FB3] =	sst s6  }
0xf: {  	[smem:$0x3FB4] =	sst s7  }
0x10: {  	[smem:$0x3FB5] =	sst s8  }
0x11: {  	[smem:$0x3FB6] =	sst s9;
	s0 =	simm.s32 @!p0 $0x0  }
0x12: {  	s1 =	sld [smem:$0x3F9C];
	s0 =	simm.s32 @p0 $0x1  }
0x13: {  	[smem:$0x3FB7] =	sst s0;
	s0 =	simm.s32 @!p1 $0x0  }
0x14: {  	s2 =	sld [smem:$0x3F9B];
	s0 =	simm.s32 @p1 $0x1  }
0x15: {  	[smem:$0x3FB8] =	sst s0;
	s0 =	simm.s32 @!p2 $0x0  }
0x16: {  	s3 =	sld [smem:$0x3FDB];
	s0 =	simm.s32 @p2 $0x1  }
0x17: {  	s4 =	simm.s32 $0x1BF5;
	[smem:$0x3FBA] =	sst s0  }
0x18: {  	s0 =	sld [smem:$0x3F9D];
	_ =	swait.ge [sflag:s4], $0x0  }
0x19: {  	s7 =	sld [smem:$0x3F9E]  }
0x1a: {  	s8 =	sadd.s32 $0xFFFFE003, lr  }
0x1b: {  	s9 =	sadd.s32 $0xFFFFFEF7, lr;
	s5 =	simm.s32 $0xFFFFFFFF;
	p2 =	slt.u32 s8, $0xFFFFF086  }
0x1c: {  	p1 =	slt.u32 s9, $0xF7A;
	s5 =	simm.s32 @!p2 $0x0  }
0x1d: {  	s5 =	simm.s32 @p1 $0x1;
	p0 =	seq.s32 s7, s2  }
0x1e: {  	s7 =	smul.u32 @!p0 $0xF7A, s2;
	p2 =	seq.s32 @!p0 s5, $0x0  }
0x1f: {  	s9 =	smul.u32 $0xF7A, s1;
	s8 =	simm.s32 @!p0 $0x1BF5;
	p2 =	por !p2, p0  }
0x20: {  	[sflag:s8] =	ssyncset.s32 @!p0 $0xFFFFF086;
	s6 =	sadd.s32 @!p0 s3, s7;
	s7 =	simm.s32 @!p0 $0x108  }
0x21: {  	s3 =	sadd.s32 s3, s9;
	s6 =	sadd.s32 @!p0 $0x88, s6;
	s7 =	simm.s32 @p2 $0x1082  }
0x22: {  	[simem:s7], [sflag:s8] =	dma.local @!p0 [hbm:s6], $0xF7A  }
0x23: {  	s9 =	sor.u32 $0xD0000000, s2;
	s6 =	simm.s32 $0x108;
	_ =	swait.ge @!p0 [sflag:s8], $0x0  }
0x24: {  	s3 =	sadd.s32 $0x88, s3;
	s6 =	simm.s32 @!p1 $0x1082;
	[sflag:s4] =	ssyncset.s32 $0xFFFFF086  }
0x25: {  	[simem:s6], [sflag:s4] =	dma.local [hbm:s3], $0xF7A  }
0x26: {  	[smem:$0x3F9E] =	sst s1;
	(tag) =	ssettag s2;
	_ =	strace s9  }
0x27: {  	s1 =	sld [smem:$0x3FAE]  }
0x28: {  	s2 =	sld [smem:$0x3FAF]  }
0x29: {  	s4 =	sld [smem:$0x3FB1]  }
0x2a: {  	p0 =	seq.s32 s5, $0x0;
	s5 =	sld [smem:$0x3FB2]  }
0x2b: {  	s6 =	sld [smem:$0x3FB3]  }
0x2c: {  	s7 =	sld [smem:$0x3FB4]  }
0x2d: {  	s3 =	simm.s32 $0x108;
	s8 =	sld [smem:$0x3FB5]  }
0x2e: {  	s3 =	simm.s32 @!p0 $0x1082;
	s9 =	sld [smem:$0x3FB6]  }
0x2f: {  	lr =	sadd.s32 s0, s3;
	s0 =	sld [smem:$0x3FAD]  }
0x30: {  	s3 =	sld [smem:$0x3FB0]  }
0x31: {  	[smem:$0x3FB9] =	sst s10  }
0x32: {  	s10 =	sld [smem:$0x3FB7];
	_ =	sdelay $0x3  }
0x33: {  	p0 =	seq.s32 s10, $0x1;
	s10 =	sld [smem:$0x3FB9];
	_ =	sdelay $0x3  }
0x34: {  	[smem:$0x3FB9] =	sst s10  }
0x35: {  	s10 =	sld [smem:$0x3FB8];
	_ =	sdelay $0x3  }
0x36: {  	p1 =	seq.s32 s10, $0x1;
	s10 =	sld [smem:$0x3FB9];
	_ =	sdelay $0x3  }
0x37: {  	[smem:$0x3FB9] =	sst s10  }
0x38: {  	s10 =	sld [smem:$0x3FBA]  }
0x39: {  	_ = 	snop;
	(pc) =	sbr.ind lr, $3  }
0x3a: {  	_ = 	snop  }
0x3b: {  	_ = 	snop  }
0x3c: {  	p2 =	seq.s32 s10, $0x1;
	s10 =	sld [smem:$0x3FB9]  }
0x3d: {  	_ =	shalt  }
0x3e: {  	_ =	shalt  }
0x3f: {  	_ =	shalt  }
0x40: {  	_ =	shalt  }
0x41: {  	_ =	shalt  }
0x42: {  	_ =	shalt  }
0x43: {  	_ =	shalt  }
0x44: {  	_ =	shalt  }
0x45: {  	_ =	shalt  }
0x46: {  	_ =	shalt  }
0x47: {  	_ =	shalt  }
0x48: {  	_ =	shalt  }
0x49: {  	_ =	shalt  }
0x4a: {  	_ =	shalt  }
0x4b: {  	_ =	shalt  }
0x4c: {  	_ =	shalt  }
0x4d: {  	_ =	shalt  }
0x4e: {  	_ =	shalt  }
0x4f: {  	_ =	shalt  }
0x50: {  	_ =	shalt  }
0x51: {  	_ =	shalt  }
0x52: {  	_ =	shalt  }
0x53: {  	_ =	shalt  }
0x54: {  	_ =	shalt  }
0x55: {  	_ =	shalt  }
0x56: {  	_ =	shalt  }
0x57: {  	_ =	shalt  }
0x58: {  	_ =	shalt  }
0x59: {  	_ =	shalt  }
0x5a: {  	_ =	shalt  }
0x5b: {  	_ =	shalt  }
0x5c: {  	_ =	shalt  }
0x5d: {  	_ =	shalt  }
0x5e: {  	_ =	shalt  }
0x5f: {  	_ =	shalt  }
0x60: {  	_ =	shalt  }
0x61: {  	_ =	shalt  }
0x62: {  	_ =	shalt  }
0x63: {  	_ =	shalt  }
0x64: {  	_ =	shalt  }
0x65: {  	_ =	shalt  }
0x66: {  	_ =	shalt  }
0x67: {  	_ =	shalt  }
0x68: {  	_ =	shalt  }
0x69: {  	_ =	shalt  }
0x6a: {  	_ =	shalt  }
0x6b: {  	_ =	shalt  }
0x6c: {  	_ =	shalt  }
0x6d: {  	_ =	shalt  }
0x6e: {  	_ =	shalt  }
0x6f: {  	_ =	shalt  }
0x70: {  	_ =	shalt  }
0x71: {  	_ =	shalt  }
0x72: {  	_ =	shalt  }
0x73: {  	_ =	shalt  }
0x74: {  	_ =	shalt  }
0x75: {  	_ =	shalt  }
0x76: {  	_ =	shalt  }
0x77: {  	_ =	shalt  }
0x78: {  	_ =	shalt  }
0x79: {  	_ =	shalt  }
0x7a: {  	_ =	shalt  }
0x7b: {  	_ =	shalt  }
0x7c: {  	_ =	shalt  }
0x7d: {  	_ =	shalt  }
0x7e: {  	_ =	shalt  }
0x7f: {  	_ =	shalt  }
0x80: {  	_ =	shalt  }
0x81: {  	_ =	shalt  }
0x82: {  	_ =	shalt  }
0x83: {  	_ =	shalt  }
0x84: {  	_ =	shalt  }
0x85: {  	_ =	shalt  }
0x86: {  	_ =	shalt  }
0x87: {  	_ =	shalt  }
.Lfunc_end0:
.L_simem_size_0:
called_computation.1_lowered:
.L_overlay_start_0:
0x88: {  	s2 =	sld [smem:$0x3FD9]  }
0x89: {  	s3 =	sld [smem:$0x3FFE];
	_ =	sdelay $0x1  }
0x8a: {  	s1 =	srdreg.scid  }
0x8b: {  	s0 =	sand.u32 $0x1, s1  }
0x8c: {  	s17 =	sshll.u32 s0, $0xA;
	s2 =	sadd.s32 s3, s2  }
0x8d: {  	s2 =	sadd.s32 s2, s17  }
0x8e: {  	[smem:$0x3FC5] =	sst s2  }
0x8f: {  	_ = 	snop  }
0x90: {  	s2 =	sld [smem:$0x3FD0];
	(tm) =	ssettm $0x1  }
0x91: {  	s18 =	sld [smem:$0x3FFB];
	_ =	sdelay $0x3  }
0x92: {  	_ =	strace s18  }
0x93: {  	s3 =	sld [smem:$0x3FFC];
	_ =	sdelay $0x3  }
0x94: {  	_ =	strace s3  }
0x95: {  	s3 =	sld [smem:$0x3FFD];
	_ =	sdelay $0x3  }
0x96: {  	_ =	strace s3  }
0x97: {  	_ =	strace $0x8FFFFFFF  }
0x98: {  	s19 =	sld [smem:$0x3FDB];
	_ =	sdelay $0x1  }
0x99: {  	s4 =	simm.s32 $_scs_section_size  }
0x9a: {  	s5 =	simm.s32 $_size__tile_overlayer_lowered;
	s6 =	simm.s32 $_tile_overlayer_lowered  }
0x9b: {  	s22 =	simm.s32 $0x1BFF;
	s21 =	sshll.u32 s6, $0x1;
	s3 =	sadd.s32 s4, s19  }
0x9c: {  	s7 =	simm.s32 $0x0;
	s20 =	sshll.u32 s5, $0x1;
	s5 =	sadd.s32 s21, s3  }
0x9d: {  	[timem:s7], [sflag:s22] =	dma.local [hbm:s5], s20  }
0x9e: {  	_ =	swait.ge [sflag:s22], s20  }
0x9f: {  	s4 =	ssub.s32 $0x0, s20;
	[sflag:s22] =	ssyncset.done $0x0  }
0xa0: {  	[sflag:s22] =	ssyncadd.s32 s4;
	_ =	sdelay $0x1  }
0xa1: {  	s23 =	simm.s32 $0x1B8B  }
0xa2: {  	_ =	swait.ge [sflag:s23], $0x1  }
0xa3: {  	[sflag:s23] =	ssyncset.done $0x0  }
0xa4: {  	s25 =	simm.s32 $0x1B8E;
	s24 =	sld [smem:$0x3FFE];
	[sflag:s23] =	ssyncadd.s32 $0xFFFFFFFF  }
0xa5: {  	s26 =	simm.s32 $execute0_lowered;
	[smem:$0x3FD2] =	sst s25  }
0xa6: {  	s5 =	sshll.u32 s26, $0x1;
	_ =	strace $0x80000046;
	[dreg:$0x1] =	wrdreg $0xFFFFFFFF  }
0xa7: {  	s28 =	simm.s32 $_size_execute0_lowered;
	s3 =	sadd.s32 s3, s5;
	[dreg:$0x0] =	wrdreg $0x0  }
0xa8: {  	s5 =	sshll.u32 s28, $0x1;
	[dreg:$0x2] =	wrdreg s3  }
0xa9: {  	[dreg:$0x3] =	wrdreg s5  }
0xaa: {  	[dreg:$0x4] =	wrdreg $0xC0  }
0xab: {  	_ =	task [dreg:s7], $0x5FFFF  }
0xac: {  	[dreg:$0x1] =	wrdreg $0xFFFFFFFF  }
0xad: {  	[dreg:$0x0] =	wrdreg $0x60  }
0xae: {  	[dreg:$0x2] =	wrdreg s24  }
0xaf: {  	[dreg:$0x3] =	wrdreg s2  }
0xb0: {  	[dreg:$0x4] =	wrdreg $0x9  }
0xb1: {  	_ =	task.clear_ibuf [dreg:s7], $0x5FFFF;
	_ =	strace $0x90000046  }
0xb2: {  	s29 =	simm.s32 $0x9;
	_ =	strace $0x80000048  }
0xb3: {  	_ =	swait.ge [sflag:s29], $0x1  }
0xb4: {  	[sflag:s29] =	ssyncadd.s32 $0xFFFFFFFF  }
0xb5: {  	_ =	strace $0x90000048  }
0xb6: {  	_ =	sfence  }
0xb7: {  	s30 =	sld [smem:$0x0];
	_ =	sdelay $0x2  }
0xb8: {  	s31 =	sshll.u32 s1, $0xD;
	s1 =	sshrl.u32 s1, $0x2  }
0xb9: {  	s3 =	sand.u32 $0x4000, s31;
	s1 =	sadd.s32 s1, s30  }
0xba: {  	s0 =	sor.u32 s3, s0;
	s1 =	sshll.u32 s1, $0x11  }
0xbb: {  	s0 =	sor.u32 s1, s0  }
0xbc: {  	s0 =	sadd.s32 $0x8F2B, s0  }
0xbd: {  	[sflag:s0] =	ssyncadd.remote.s32 $0x1  }
0xbe: {  	_ =	sfence.sel $0xFFFF  }
0xbf: {  	[dreg:$0x0] =	wrdreg $0xFFFFFFFF;
	(pc) =	sbr.abs _section_cstart, $3  }
0xc0: {  	[dreg:$0x1] =	wrdreg $0xFFFFFFFF  }
0xc1: {  	_ =	task.clear_ibuf [dreg:s7], $0x2FFFF;
	_ =	strace $0x9FFFFFFF  }
0xc2: {  	(tm) =	ssettm $0x7FFFFFFF  }
0xc3: {  	_ =	shalt  }
tec
execute0_lowered:
.L_overlay_start_1:
0x0: {  	(tag) =	ssettag $0x1  }
0x1: {  	s0 =	rddreg [dreg:$0x0];
	s1 =	srdreg.scid  }
0x2: {  	s3 =	stileid.u32;
	s2 =	rddreg [dreg:$0x1];
	s13 =	simm.s32 $0x7  }
0x3: {  	s14 =	simm.s32 $0x64;
	s15 =	simm.s32 $0x9A00;
	s17 =	simm.s32 $0xB300  }
0x4: {  	s19 =	simm.s32 $0xCC00;
	s23 =	simm.s32 $0xFE00;
	s28 =	simm.s32 $0x13000  }
0x5: {  	s30 =	simm.s32 $0x14900;
	s31 =	simm.s32 $0x1;
	s12 =	simm.s32 $0x19400  }
0x6: {  	s16 =	simm.s32 $0x1AD00;
	s18 =	simm.s32 $0x2;
	s20 =	simm.s32 $0x3  }
0x7: {  	s22 =	simm.s32 $0x4;
	s1 =	sand.u32 $0x1, s1;
	s4 =	sshll.u32 s3, $0x1  }
0x8: {  	s29 =	simm.s32 $0x6;
	s24 =	simm.s32 $0x0;
	s5 =	sor.u32 s1, s4  }
0x9: {  	s3 =	simm.s32 $0x0;
	s1 =	ssub.s32 $0x2, s1;
	s4 =	smul.u32 $0xD00, s5  }
0xa: {  	[smem:$0x7FF] =	sst s3;
	s7 =	smul.u32 $0x190000, s5;
	s8 =	sshrl.u32 s1, $0x1  }
0xb: {  	_ =	strace $0x80000047;
	s5 =	smul.u32 $0x6400, s5;
	s25 =	ssub.s32 s1, s8  }
0xc: {  	s6 =	sadd.s32 s4, s0;
	s4 =	sadd.s32 $0x1B200, s0;
	s0 =	sadd.s32 $0xA00, s0  }
0xd: {  	s26 =	sshrl.u32 s7, $0x3;
	s8 =	sor.u32 $0x190, s5;
	s9 =	sor.u32 $0x320, s5  }
0xe: {  	[dreg:$0x3] =	wrdreg s0;
	s6 =	sadd.s32 $0x1200, s6;
	s1 =	sadd.s32 s2, s26  }
0xf: {  	s0 =	smax.u32 s25, $0x1;
	s25 =	simm.s32 $0x11700;
	[dreg:$0x4] =	wrdreg s6  }
0x10: {  	s26 =	simm.s32 $0x5;
	s1 =	sadd.s32 $0x31380, s1;
	[dreg:$0x6] =	wrdreg s0  }
0x11: {  	s0 =	simm.s32 $0x17B00;
	[dreg:$0x5] =	wrdreg s1;
	s1 =	simm.s32 $0x16200  }
.LBB2_1:
0x12: {  	s6 =	rddreg [dreg:$0x3];
	s7 =	simm.s32 $0x6800  }
0x13: {  	[tilespmem:s7], [sflag:$0x7] =	stream.linear.gather [hbm4b:s6+s3], $0x3200, $0x38;
	[tilespmem:$0x1C600] =	vst v63  }
0x14: {  	_ =	swait.ge [sflag:s13], $0x3200  }
0x15: {  	[sflag:s13] =	ssyncset.done $0x0  }
0x16: {  	s10 =	rddreg [dreg:$0x4];
	[sflag:s13] =	ssyncadd.s32 $0xFFFFCE00  }
0x17: {  	[tilespmem:s3], [sflag:$0x7] =	stream.linear.gather [hbm4b:s10+s3], $0x6800, $0x38;
	[tilespmem:$0x1C600] =	vst v63  }
0x18: {  	_ =	swait.ge [sflag:s13], $0x6800  }
0x19: {  	[sflag:s13] =	ssyncset.done $0x0  }
0x1a: {  	[sflag:s13] =	ssyncadd.s32 $0xFFFF9800  }
0x1b: {  	[tilespmem:s15], [sflag:$0x1] =	stream.indirect.gather [hbm4b:s4+s14], $0x40, s3, s14, $0xb8;
	[tilespmem:$0x1C600] =	vst v63  }
0x1c: {  	s11 =	simm.s32 $0x68  }
0x1d: {  	[tilespmem:s17], [sflag:$0x1] =	stream.indirect.gather [hbm4b:s4+s14], $0x40, s11, s14, $0xb8;
	[tilespmem:$0x1C600] =	vst v63  }
0x1e: {  	s21 =	simm.s32 $0xD0  }
0x1f: {  	[tilespmem:s19], [sflag:$0x1] =	stream.indirect.gather [hbm4b:s4+s14], $0x40, s21, s14, $0xb8;
	[tilespmem:$0x1C600] =	vst v63  }
0x20: {  	s7 =	simm.s32 $0x138;
	s10 =	simm.s32 $0xE500  }
0x21: {  	[tilespmem:s10], [sflag:$0x1] =	stream.indirect.gather [hbm4b:s4+s14], $0x40, s7, s14, $0xb8;
	[tilespmem:$0x1C600] =	vst v63  }
0x22: {  	s11 =	simm.s32 $0x1A0  }
0x23: {  	[tilespmem:s23], [sflag:$0x2] =	stream.indirect.gather [hbm4b:s4+s14], $0x40, s11, s14, $0xb8;
	[tilespmem:$0x1C600] =	vst v63  }
0x24: {  	s17 =	simm.s32 $0x208  }
0x25: {  	[tilespmem:s25], [sflag:$0x2] =	stream.indirect.gather [hbm4b:s4+s14], $0x40, s17, s14, $0xb8;
	[tilespmem:$0x1C600] =	vst v63  }
0x26: {  	s19 =	simm.s32 $0x270  }
0x27: {  	[tilespmem:s28], [sflag:$0x2] =	stream.indirect.gather [hbm4b:s4+s14], $0x40, s19, s14, $0xb8;
	[tilespmem:$0x1C600] =	vst v63  }
0x28: {  	s21 =	simm.s32 $0x2D8;
	s17 =	simm.s32 $0x0  }
0x29: {  	[tilespmem:s30], [sflag:$0x2] =	stream.indirect.gather [hbm4b:s4+s14], $0x40, s21, s14, $0xb8;
	[tilespmem:$0x1C600] =	vst v63  }
.LBB2_2:
0x2a: {  	_ =	swait.ge [sflag:s31], $0x6400  }
0x2b: {  	[sflag:s31] =	ssyncset.done $0x0  }
0x2c: {  	s6 =	simm.s32 $0xCC70;
	[sflag:s31] =	ssyncadd.s32 $0xFFFF9C00  }
0x2d: {  	v0 =	vld [tilespmem:s6+$0xFFFFCD90]  }
0x2e: {  	s19 =	simm.s32 $0x6840;
	v1 =	vld [tilespmem:s6+$0xFFFFFF90]  }
0x2f: {  	v2 =	vld [tilespmem:s19+$0xFFFFFFC0];
	_ =	sdelay $0x2  }
0x30: {  	v0 =	vmul.f32 $8.000000000e+00, v0  }
0x31: {  	v1 =	vmul.f32 $8.000000000e+00, v1  }
0x32: {  	v0 =	vadd.f32 v0, v2  }
0x33: {  	v1 =	vadd.f32 v1, v2  }
0x34: {  	[tilespmem:s6+$0xFFFFCD90] =	vst v0;
	v0 =	vld [tilespmem:s6+$0xFFFFCDA0]  }
0x35: {  	v2 =	vld [tilespmem:s6+$0xFFFFFFA0];
	[tilespmem:s6+$0xFFFFFF90] =	vst v1  }
0x36: {  	v1 =	vld [tilespmem:s19+$0xFFFFFFD0];
	_ =	sdelay $0x2  }
0x37: {  	v0 =	vmul.f32 $8.000000000e+00, v0  }
0x38: {  	v2 =	vmul.f32 $8.000000000e+00, v2  }
0x39: {  	v0 =	vadd.f32 v0, v1  }
0x3a: {  	v1 =	vadd.f32 v2, v1  }
0x3b: {  	[tilespmem:s6+$0xFFFFCDA0] =	vst v0;
	v0 =	vld [tilespmem:s6+$0xFFFFCDB0]  }
0x3c: {  	v2 =	vld [tilespmem:s6+$0xFFFFFFB0];
	[tilespmem:s6+$0xFFFFFFA0] =	vst v1  }
0x3d: {  	v1 =	vld [tilespmem:s19+$0xFFFFFFE0];
	_ =	sdelay $0x2  }
0x3e: {  	v0 =	vmul.f32 $8.000000000e+00, v0  }
0x3f: {  	v2 =	vmul.f32 $8.000000000e+00, v2  }
0x40: {  	v0 =	vadd.f32 v0, v1  }
0x41: {  	v1 =	vadd.f32 v2, v1  }
0x42: {  	[tilespmem:s6+$0xFFFFCDB0] =	vst v0;
	v0 =	vld [tilespmem:s6+$0xFFFFCDC0]  }
0x43: {  	v2 =	vld [tilespmem:s6+$0xFFFFFFC0];
	[tilespmem:s6+$0xFFFFFFB0] =	vst v1  }
0x44: {  	v1 =	vld [tilespmem:s19+$0xFFFFFFF0];
	_ =	sdelay $0x2  }
0x45: {  	v0 =	vmul.f32 $8.000000000e+00, v0  }
0x46: {  	v2 =	vmul.f32 $8.000000000e+00, v2  }
0x47: {  	v0 =	vadd.f32 v0, v1  }
0x48: {  	v1 =	vadd.f32 v2, v1  }
0x49: {  	[tilespmem:s6+$0xFFFFCDC0] =	vst v0;
	v0 =	vld [tilespmem:s6+$0xFFFFCDD0]  }
0x4a: {  	v2 =	vld [tilespmem:s6+$0xFFFFFFD0];
	[tilespmem:s6+$0xFFFFFFC0] =	vst v1  }
0x4b: {  	v1 =	vld [tilespmem:s19+$0x0];
	_ =	sdelay $0x2  }
0x4c: {  	v0 =	vmul.f32 $8.000000000e+00, v0  }
0x4d: {  	v2 =	vmul.f32 $8.000000000e+00, v2  }
0x4e: {  	v0 =	vadd.f32 v0, v1  }
0x4f: {  	v1 =	vadd.f32 v2, v1  }
0x50: {  	[tilespmem:s6+$0xFFFFCDD0] =	vst v0;
	v0 =	vld [tilespmem:s6+$0xFFFFCDE0]  }
0x51: {  	v2 =	vld [tilespmem:s6+$0xFFFFFFE0];
	[tilespmem:s6+$0xFFFFFFD0] =	vst v1  }
0x52: {  	v1 =	vld [tilespmem:s19+$0x10];
	_ =	sdelay $0x2  }
0x53: {  	v0 =	vmul.f32 $8.000000000e+00, v0  }
0x54: {  	v2 =	vmul.f32 $8.000000000e+00, v2  }
0x55: {  	v0 =	vadd.f32 v0, v1  }
0x56: {  	v1 =	vadd.f32 v2, v1  }
0x57: {  	v2 =	vld [tilespmem:s6+$0xFFFFFFF0];
	[tilespmem:s6+$0xFFFFCDE0] =	vst v0  }
0x58: {  	v0 =	vld [tilespmem:s6+$0xFFFFCDF0];
	[tilespmem:s6+$0xFFFFFFE0] =	vst v1  }
0x59: {  	v1 =	vld [tilespmem:s19+$0x20];
	_ =	sdelay $0x2  }
0x5a: {  	v2 =	vmul.f32 $8.000000000e+00, v2  }
0x5b: {  	v0 =	vmul.f32 $8.000000000e+00, v0  }
0x5c: {  	v2 =	vadd.f32 v2, v1  }
0x5d: {  	v3 =	vadd.f32 v0, v1;
	v0 =	vld [tilespmem:s6+$0xFFFFCE00]  }
0x5e: {  	v1 =	vld [tilespmem:s6+$0x0];
	[tilespmem:s6+$0xFFFFFFF0] =	vst v2  }
0x5f: {  	s10 =	simm.s32 $0x0;
	s7 =	simm.s32 $0xCC70;
	[tilespmem:s6+$0xFFFFCDF0] =	vst v3  }
.LBB2_3:
0x60: {  	s10 =	sadd.s32 $0x2, s10;
	v2 =	vld [tilespmem:s19+$0x30];
	s6 =	sadd.s32 $0x80, s6;
	s19 =	sadd.s32 $0x80, s19  }
0x61: {  	p0 =	slt.u32 s10, $0xC6;
	_ =	sdelay $0x1  }
0x62: {  	v0 =	vmul.f32 $8.000000000e+00, v0;
	v1 =	vmul.f32 $8.000000000e+00, v1;
	_ =	sdelay $0x1  }
0x63: {  	v0 =	vadd.f32 v0, v2;
	v1 =	vadd.f32 v1, v2  }
0x64: {  	v2 =	vld [tilespmem:s6+$0xFFFFFF90]  }
0x65: {  	v3 =	vld [tilespmem:s6+$0xFFFFCD90];
	[tilespmem:s7+$0xFFFFCE00] =	vst v0  }
0x66: {  	[tilespmem:s7+$0x0] =	vst v1;
	s7 =	smov.u32 s6  }
0x67: {  	v0 =	vld [tilespmem:s19+$0xFFFFFFC0];
	_ =	sdelay $0x2  }
0x68: {  	v2 =	vmul.f32 $8.000000000e+00, v2;
	v1 =	vmul.f32 $8.000000000e+00, v3;
	_ =	sdelay $0x1  }
0x69: {  	v1 =	vadd.f32 v1, v0;
	v0 =	vadd.f32 v2, v0  }
0x6a: {  	v2 =	vld [tilespmem:s6+$0xFFFFFFA0]  }
0x6b: {  	[tilespmem:s6+$0xFFFFCD90] =	vst v1;
	v1 =	vld [tilespmem:s6+$0xFFFFCDA0]  }
0x6c: {  	[tilespmem:s6+$0xFFFFFF90] =	vst v0  }
0x6d: {  	v0 =	vld [tilespmem:s19+$0xFFFFFFD0];
	_ =	sdelay $0x2  }
0x6e: {  	v2 =	vmul.f32 $8.000000000e+00, v2;
	v1 =	vmul.f32 $8.000000000e+00, v1;
	_ =	sdelay $0x1  }
0x6f: {  	v1 =	vadd.f32 v1, v0;
	v0 =	vadd.f32 v2, v0  }
0x70: {  	v2 =	vld [tilespmem:s6+$0xFFFFFFB0]  }
0x71: {  	[tilespmem:s6+$0xFFFFCDA0] =	vst v1;
	v1 =	vld [tilespmem:s6+$0xFFFFCDB0]  }
0x72: {  	[tilespmem:s6+$0xFFFFFFA0] =	vst v0  }
0x73: {  	v0 =	vld [tilespmem:s19+$0xFFFFFFE0];
	_ =	sdelay $0x2  }
0x74: {  	v2 =	vmul.f32 $8.000000000e+00, v2;
	v1 =	vmul.f32 $8.000000000e+00, v1;
	_ =	sdelay $0x1  }
0x75: {  	v1 =	vadd.f32 v1, v0;
	v0 =	vadd.f32 v2, v0  }
0x76: {  	v2 =	vld [tilespmem:s6+$0xFFFFFFC0]  }
0x77: {  	[tilespmem:s6+$0xFFFFCDB0] =	vst v1;
	v1 =	vld [tilespmem:s6+$0xFFFFCDC0]  }
0x78: {  	[tilespmem:s6+$0xFFFFFFB0] =	vst v0  }
0x79: {  	v0 =	vld [tilespmem:s19+$0xFFFFFFF0];
	_ =	sdelay $0x2  }
0x7a: {  	v2 =	vmul.f32 $8.000000000e+00, v2;
	v1 =	vmul.f32 $8.000000000e+00, v1;
	_ =	sdelay $0x1  }
0x7b: {  	v1 =	vadd.f32 v1, v0;
	v0 =	vadd.f32 v2, v0  }
0x7c: {  	v2 =	vld [tilespmem:s6+$0xFFFFFFD0]  }
0x7d: {  	[tilespmem:s6+$0xFFFFCDC0] =	vst v1;
	v1 =	vld [tilespmem:s6+$0xFFFFCDD0]  }
0x7e: {  	[tilespmem:s6+$0xFFFFFFC0] =	vst v0  }
0x7f: {  	v0 =	vld [tilespmem:s19+$0x0];
	_ =	sdelay $0x2  }
0x80: {  	v2 =	vmul.f32 $8.000000000e+00, v2;
	v1 =	vmul.f32 $8.000000000e+00, v1;
	_ =	sdelay $0x1  }
0x81: {  	v1 =	vadd.f32 v1, v0;
	v0 =	vadd.f32 v2, v0  }
0x82: {  	v2 =	vld [tilespmem:s6+$0xFFFFFFE0]  }
0x83: {  	[tilespmem:s6+$0xFFFFCDD0] =	vst v1;
	v1 =	vld [tilespmem:s6+$0xFFFFCDE0]  }
0x84: {  	[tilespmem:s6+$0xFFFFFFD0] =	vst v0  }
0x85: {  	v0 =	vld [tilespmem:s19+$0x10];
	_ =	sdelay $0x2  }
0x86: {  	v2 =	vmul.f32 $8.000000000e+00, v2;
	v1 =	vmul.f32 $8.000000000e+00, v1;
	_ =	sdelay $0x1  }
0x87: {  	v1 =	vadd.f32 v1, v0;
	v0 =	vadd.f32 v2, v0  }
0x88: {  	v2 =	vld [tilespmem:s6+$0xFFFFFFF0]  }
0x89: {  	[tilespmem:s6+$0xFFFFCDE0] =	vst v1;
	v1 =	vld [tilespmem:s6+$0xFFFFCDF0]  }
0x8a: {  	[tilespmem:s6+$0xFFFFFFE0] =	vst v0  }
0x8b: {  	v0 =	vld [tilespmem:s19+$0x20];
	_ =	sdelay $0x2  }
0x8c: {  	v2 =	vmul.f32 $8.000000000e+00, v2;
	v1 =	vmul.f32 $8.000000000e+00, v1  }
.Ltmp0:
0x8d: {  	(pc) =	sbr.rel @p0 .LBB2_3-.Ltmp0, $4  }
0x8e: {  	v1 =	vadd.f32 v1, v0;
	v2 =	vadd.f32 v2, v0  }
0x8f: {  	v0 =	vld [tilespmem:s6+$0xFFFFCE00]  }
0x90: {  	[tilespmem:s6+$0xFFFFCDF0] =	vst v1;
	v1 =	vld [tilespmem:s6+$0x0]  }
0x91: {  	[tilespmem:s6+$0xFFFFFFF0] =	vst v2  }
0x92: {  	v2 =	vld [tilespmem:s19+$0x30];
	_ =	sdelay $0x2  }
0x93: {  	v0 =	vmul.f32 $8.000000000e+00, v0  }
0x94: {  	s6 =	smul.u32 $0x4B0, s17;
	v1 =	vmul.f32 $8.000000000e+00, v1  }
0x95: {  	v0 =	vadd.f32 v0, v2  }
0x96: {  	s10 =	sadd.s32 s5, s6;
	v1 =	vadd.f32 v1, v2  }
0x97: {  	p0 =	seq.s32 s17, $0x0;
	s10 =	sshll.u32 s10, $0x3;
	[tilespmem:s7+$0xFFFFCE00] =	vst v0  }
0x98: {  	s19 =	smul.u32 $0x1380, s17;
	s11 =	sadd.s32 s2, s10;
	[tilespmem:s7+$0x0] =	vst v1;
	s7 =	simm.s32 @!p0 $0x6  }
0x99: {  	[hbm4b:s11+s3] =	stream.linear.scatter [tilespmem:s15], [sflag:$0x4], $0x6400, $0x38;
	[tilespmem:$0x1C600] =	vst v63  }
0x9a: {  	_ =	swait.ge @!p0 [sflag:s7], $0x6400  }
0x9b: {  	s19 =	sshra.s32 s19, $0x2;
	[sflag:s7] =	ssyncset.done @!p0 $0x0  }
0x9c: {  	s21 =	sadd.s32 $0x340, s19;
	[sflag:s7] =	ssyncadd.s32 @!p0 $0xFFFF9C00  }
0x9d: {  	[tilespmem:s1], [sflag:$0x3] =	stream.indirect.gather [hbm4b:s4+s14], $0x40, s21, s14, $0xb8;
	[tilespmem:$0x1C600] =	vst v63  }
0x9e: {  	s10 =	sadd.s32 $0x3A8, s19  }
0x9f: {  	[tilespmem:s0], [sflag:$0x3] =	stream.indirect.gather [hbm4b:s4+s14], $0x40, s10, s14, $0xb8;
	[tilespmem:$0x1C600] =	vst v63  }
0xa0: {  	s11 =	sadd.s32 $0x410, s19  }
0xa1: {  	[tilespmem:s12], [sflag:$0x3] =	stream.indirect.gather [hbm4b:s4+s14], $0x40, s11, s14, $0xb8;
	[tilespmem:$0x1C600] =	vst v63  }
0xa2: {  	s21 =	sadd.s32 $0x478, s19  }
0xa3: {  	[tilespmem:s16], [sflag:$0x3] =	stream.indirect.gather [hbm4b:s4+s14], $0x40, s21, s14, $0xb8;
	[tilespmem:$0x1C600] =	vst v63  }
0xa4: {  	_ =	swait.ge [sflag:s18], $0x6400  }
0xa5: {  	[sflag:s18] =	ssyncset.done $0x0  }
0xa6: {  	s21 =	simm.s32 $0x13070;
	[sflag:s18] =	ssyncadd.s32 $0xFFFF9C00  }
0xa7: {  	v0 =	vld [tilespmem:s21+$0xFFFFCD90]  }
0xa8: {  	s7 =	simm.s32 $0x6840;
	v1 =	vld [tilespmem:s21+$0xFFFFFF90]  }
0xa9: {  	v2 =	vld [tilespmem:s7+$0xFFFFFFC0];
	_ =	sdelay $0x2  }
0xaa: {  	v0 =	vmul.f32 $8.000000000e+00, v0  }
0xab: {  	v1 =	vmul.f32 $8.000000000e+00, v1  }
0xac: {  	v0 =	vadd.f32 v0, v2  }
0xad: {  	v1 =	vadd.f32 v1, v2  }
0xae: {  	[tilespmem:s21+$0xFFFFCD90] =	vst v0;
	v0 =	vld [tilespmem:s21+$0xFFFFCDA0]  }
0xaf: {  	v2 =	vld [tilespmem:s21+$0xFFFFFFA0];
	[tilespmem:s21+$0xFFFFFF90] =	vst v1  }
0xb0: {  	v1 =	vld [tilespmem:s7+$0xFFFFFFD0];
	_ =	sdelay $0x2  }
0xb1: {  	v0 =	vmul.f32 $8.000000000e+00, v0  }
0xb2: {  	v2 =	vmul.f32 $8.000000000e+00, v2  }
0xb3: {  	v0 =	vadd.f32 v0, v1  }
0xb4: {  	v1 =	vadd.f32 v2, v1  }
0xb5: {  	[tilespmem:s21+$0xFFFFCDA0] =	vst v0;
	v0 =	vld [tilespmem:s21+$0xFFFFCDB0]  }
0xb6: {  	v2 =	vld [tilespmem:s21+$0xFFFFFFB0];
	[tilespmem:s21+$0xFFFFFFA0] =	vst v1  }
0xb7: {  	v1 =	vld [tilespmem:s7+$0xFFFFFFE0];
	_ =	sdelay $0x2  }
0xb8: {  	v0 =	vmul.f32 $8.000000000e+00, v0  }
0xb9: {  	v2 =	vmul.f32 $8.000000000e+00, v2  }
0xba: {  	v0 =	vadd.f32 v0, v1  }
0xbb: {  	v1 =	vadd.f32 v2, v1  }
0xbc: {  	[tilespmem:s21+$0xFFFFCDB0] =	vst v0;
	v0 =	vld [tilespmem:s21+$0xFFFFCDC0]  }
0xbd: {  	v2 =	vld [tilespmem:s21+$0xFFFFFFC0];
	[tilespmem:s21+$0xFFFFFFB0] =	vst v1  }
0xbe: {  	v1 =	vld [tilespmem:s7+$0xFFFFFFF0];
	_ =	sdelay $0x2  }
0xbf: {  	v0 =	vmul.f32 $8.000000000e+00, v0  }
0xc0: {  	v2 =	vmul.f32 $8.000000000e+00, v2  }
0xc1: {  	v0 =	vadd.f32 v0, v1  }
0xc2: {  	v1 =	vadd.f32 v2, v1  }
0xc3: {  	[tilespmem:s21+$0xFFFFCDC0] =	vst v0;
	v0 =	vld [tilespmem:s21+$0xFFFFCDD0]  }
0xc4: {  	v2 =	vld [tilespmem:s21+$0xFFFFFFD0];
	[tilespmem:s21+$0xFFFFFFC0] =	vst v1  }
0xc5: {  	v1 =	vld [tilespmem:s7+$0x0];
	_ =	sdelay $0x2  }
0xc6: {  	v0 =	vmul.f32 $8.000000000e+00, v0  }
0xc7: {  	v2 =	vmul.f32 $8.000000000e+00, v2  }
0xc8: {  	v0 =	vadd.f32 v0, v1  }
0xc9: {  	v1 =	vadd.f32 v2, v1  }
0xca: {  	[tilespmem:s21+$0xFFFFCDD0] =	vst v0;
	v0 =	vld [tilespmem:s21+$0xFFFFCDE0]  }
0xcb: {  	v2 =	vld [tilespmem:s21+$0xFFFFFFE0];
	[tilespmem:s21+$0xFFFFFFD0] =	vst v1  }
0xcc: {  	v1 =	vld [tilespmem:s7+$0x10];
	_ =	sdelay $0x2  }
0xcd: {  	v0 =	vmul.f32 $8.000000000e+00, v0  }
0xce: {  	v2 =	vmul.f32 $8.000000000e+00, v2  }
0xcf: {  	v0 =	vadd.f32 v0, v1  }
0xd0: {  	v1 =	vadd.f32 v2, v1  }
0xd1: {  	v2 =	vld [tilespmem:s21+$0xFFFFFFF0];
	[tilespmem:s21+$0xFFFFCDE0] =	vst v0  }
0xd2: {  	v0 =	vld [tilespmem:s21+$0xFFFFCDF0];
	[tilespmem:s21+$0xFFFFFFE0] =	vst v1  }
0xd3: {  	v1 =	vld [tilespmem:s7+$0x20];
	_ =	sdelay $0x2  }
0xd4: {  	v2 =	vmul.f32 $8.000000000e+00, v2  }
0xd5: {  	v0 =	vmul.f32 $8.000000000e+00, v0  }
0xd6: {  	v2 =	vadd.f32 v2, v1  }
0xd7: {  	v3 =	vadd.f32 v0, v1;
	v0 =	vld [tilespmem:s21+$0xFFFFCE00]  }
0xd8: {  	v1 =	vld [tilespmem:s21+$0x0];
	[tilespmem:s21+$0xFFFFFFF0] =	vst v2  }
0xd9: {  	s10 =	simm.s32 $0x13070;
	s11 =	simm.s32 $0x0;
	[tilespmem:s21+$0xFFFFCDF0] =	vst v3  }
.LBB2_5:
0xda: {  	s11 =	sadd.s32 $0x2, s11;
	v2 =	vld [tilespmem:s7+$0x30];
	s21 =	sadd.s32 $0x80, s21;
	s7 =	sadd.s32 $0x80, s7  }
0xdb: {  	p0 =	slt.u32 s11, $0xC6;
	_ =	sdelay $0x1  }
0xdc: {  	v0 =	vmul.f32 $8.000000000e+00, v0;
	v1 =	vmul.f32 $8.000000000e+00, v1;
	_ =	sdelay $0x1  }
0xdd: {  	v0 =	vadd.f32 v0, v2;
	v1 =	vadd.f32 v1, v2  }
0xde: {  	v2 =	vld [tilespmem:s21+$0xFFFFFF90]  }
0xdf: {  	v3 =	vld [tilespmem:s21+$0xFFFFCD90];
	[tilespmem:s10+$0xFFFFCE00] =	vst v0  }
0xe0: {  	[tilespmem:s10+$0x0] =	vst v1;
	s10 =	smov.u32 s21  }
0xe1: {  	v0 =	vld [tilespmem:s7+$0xFFFFFFC0];
	_ =	sdelay $0x2  }
0xe2: {  	v2 =	vmul.f32 $8.000000000e+00, v2;
	v1 =	vmul.f32 $8.000000000e+00, v3;
	_ =	sdelay $0x1  }
0xe3: {  	v1 =	vadd.f32 v1, v0;
	v0 =	vadd.f32 v2, v0  }
0xe4: {  	v2 =	vld [tilespmem:s21+$0xFFFFFFA0]  }
0xe5: {  	[tilespmem:s21+$0xFFFFCD90] =	vst v1;
	v1 =	vld [tilespmem:s21+$0xFFFFCDA0]  }
0xe6: {  	[tilespmem:s21+$0xFFFFFF90] =	vst v0  }
0xe7: {  	v0 =	vld [tilespmem:s7+$0xFFFFFFD0];
	_ =	sdelay $0x2  }
0xe8: {  	v2 =	vmul.f32 $8.000000000e+00, v2;
	v1 =	vmul.f32 $8.000000000e+00, v1;
	_ =	sdelay $0x1  }
0xe9: {  	v1 =	vadd.f32 v1, v0;
	v0 =	vadd.f32 v2, v0  }
0xea: {  	v2 =	vld [tilespmem:s21+$0xFFFFFFB0]  }
0xeb: {  	[tilespmem:s21+$0xFFFFCDA0] =	vst v1;
	v1 =	vld [tilespmem:s21+$0xFFFFCDB0]  }
0xec: {  	[tilespmem:s21+$0xFFFFFFA0] =	vst v0  }
0xed: {  	v0 =	vld [tilespmem:s7+$0xFFFFFFE0];
	_ =	sdelay $0x2  }
0xee: {  	v2 =	vmul.f32 $8.000000000e+00, v2;
	v1 =	vmul.f32 $8.000000000e+00, v1;
	_ =	sdelay $0x1  }
0xef: {  	v1 =	vadd.f32 v1, v0;
	v0 =	vadd.f32 v2, v0  }
0xf0: {  	v2 =	vld [tilespmem:s21+$0xFFFFFFC0]  }
0xf1: {  	[tilespmem:s21+$0xFFFFCDB0] =	vst v1;
	v1 =	vld [tilespmem:s21+$0xFFFFCDC0]  }
0xf2: {  	[tilespmem:s21+$0xFFFFFFB0] =	vst v0  }
0xf3: {  	v0 =	vld [tilespmem:s7+$0xFFFFFFF0];
	_ =	sdelay $0x2  }
0xf4: {  	v2 =	vmul.f32 $8.000000000e+00, v2;
	v1 =	vmul.f32 $8.000000000e+00, v1;
	_ =	sdelay $0x1  }
0xf5: {  	v1 =	vadd.f32 v1, v0;
	v0 =	vadd.f32 v2, v0  }
0xf6: {  	v2 =	vld [tilespmem:s21+$0xFFFFFFD0]  }
0xf7: {  	[tilespmem:s21+$0xFFFFCDC0] =	vst v1;
	v1 =	vld [tilespmem:s21+$0xFFFFCDD0]  }
0xf8: {  	[tilespmem:s21+$0xFFFFFFC0] =	vst v0  }
0xf9: {  	v0 =	vld [tilespmem:s7+$0x0];
	_ =	sdelay $0x2  }
0xfa: {  	v2 =	vmul.f32 $8.000000000e+00, v2;
	v1 =	vmul.f32 $8.000000000e+00, v1;
	_ =	sdelay $0x1  }
0xfb: {  	v1 =	vadd.f32 v1, v0;
	v0 =	vadd.f32 v2, v0  }
0xfc: {  	v2 =	vld [tilespmem:s21+$0xFFFFFFE0]  }
0xfd: {  	[tilespmem:s21+$0xFFFFCDD0] =	vst v1;
	v1 =	vld [tilespmem:s21+$0xFFFFCDE0]  }
0xfe: {  	[tilespmem:s21+$0xFFFFFFD0] =	vst v0  }
0xff: {  	v0 =	vld [tilespmem:s7+$0x10];
	_ =	sdelay $0x2  }
0x100: {  	v2 =	vmul.f32 $8.000000000e+00, v2;
	v1 =	vmul.f32 $8.000000000e+00, v1;
	_ =	sdelay $0x1  }
0x101: {  	v1 =	vadd.f32 v1, v0;
	v0 =	vadd.f32 v2, v0  }
0x102: {  	v2 =	vld [tilespmem:s21+$0xFFFFFFF0]  }
0x103: {  	[tilespmem:s21+$0xFFFFCDE0] =	vst v1;
	v1 =	vld [tilespmem:s21+$0xFFFFCDF0]  }
0x104: {  	[tilespmem:s21+$0xFFFFFFE0] =	vst v0  }
0x105: {  	v0 =	vld [tilespmem:s7+$0x20];
	_ =	sdelay $0x2  }
0x106: {  	v2 =	vmul.f32 $8.000000000e+00, v2;
	v1 =	vmul.f32 $8.000000000e+00, v1  }
.Ltmp1:
0x107: {  	(pc) =	sbr.rel @p0 .LBB2_5-.Ltmp1, $4  }
0x108: {  	v1 =	vadd.f32 v1, v0;
	v2 =	vadd.f32 v2, v0  }
0x109: {  	v0 =	vld [tilespmem:s21+$0xFFFFCE00]  }
0x10a: {  	[tilespmem:s21+$0xFFFFCDF0] =	vst v1;
	v1 =	vld [tilespmem:s21+$0x0]  }
0x10b: {  	[tilespmem:s21+$0xFFFFFFF0] =	vst v2  }
0x10c: {  	v2 =	vld [tilespmem:s7+$0x30];
	_ =	sdelay $0x2  }
0x10d: {  	v0 =	vmul.f32 $8.000000000e+00, v0  }
0x10e: {  	v1 =	vmul.f32 $8.000000000e+00, v1  }
0x10f: {  	s21 =	sadd.s32 s6, s8;
	v0 =	vadd.f32 v0, v2  }
0x110: {  	s7 =	sshll.u32 s21, $0x3;
	v1 =	vadd.f32 v1, v2  }
0x111: {  	s7 =	sand.u32 $0x1FFFFF80, s7;
	[tilespmem:s10+$0xFFFFCE00] =	vst v0  }
0x112: {  	p0 =	seq.s32 s17, $0x14;
	s7 =	sadd.s32 s2, s7;
	[tilespmem:s10+$0x0] =	vst v1  }
0x113: {  	[hbm4b:s7+s3] =	stream.linear.scatter [tilespmem:s23], [sflag:$0x5], $0x6400, $0x38;
	[tilespmem:$0x1C600] =	vst v63  }
0x114: {  	s7 =	simm.s32 @!p0 $0x4  }
0x115: {  	_ =	swait.ge @!p0 [sflag:s7], $0x6400  }
0x116: {  	s11 =	simm.s32 @!p0 $0x9A00;
	[sflag:s7] =	ssyncset.done @!p0 $0x0  }
0x117: {  	s10 =	simm.s32 @!p0 $0x64;
	[sflag:s7] =	ssyncadd.s32 @!p0 $0xFFFF9C00;
	s7 =	sadd.s32 @!p0 $0x4E0, s19  }
0x118: {  	[tilespmem:s11], [sflag:$0x1] =	stream.indirect.gather @!p0 [hbm4b:s4+s10], $0x40, s7, s10, $0xb8;
	[tilespmem:$0x1C600] =	vst v63  }
0x119: {  	s7 =	sadd.s32 @!p0 $0x548, s19;
	s11 =	simm.s32 @!p0 $0xB300  }
0x11a: {  	[tilespmem:s11], [sflag:$0x1] =	stream.indirect.gather @!p0 [hbm4b:s4+s10], $0x40, s7, s10, $0xb8;
	[tilespmem:$0x1C600] =	vst v63  }
0x11b: {  	s7 =	sadd.s32 @!p0 $0x5B0, s19;
	s11 =	simm.s32 @!p0 $0xCC00  }
0x11c: {  	[tilespmem:s11], [sflag:$0x1] =	stream.indirect.gather @!p0 [hbm4b:s4+s10], $0x40, s7, s10, $0xb8;
	[tilespmem:$0x1C600] =	vst v63  }
0x11d: {  	s7 =	sadd.s32 @!p0 $0x618, s19;
	s11 =	simm.s32 @!p0 $0xE500  }
0x11e: {  	[tilespmem:s11], [sflag:$0x1] =	stream.indirect.gather @!p0 [hbm4b:s4+s10], $0x40, s7, s10, $0xb8;
	[tilespmem:$0x1C600] =	vst v63  }
0x11f: {  	_ =	swait.ge [sflag:s20], $0x6400  }
0x120: {  	[sflag:s20] =	ssyncset.done $0x0  }
0x121: {  	s21 =	simm.s32 $0x19470;
	[sflag:s20] =	ssyncadd.s32 $0xFFFF9C00  }
0x122: {  	v0 =	vld [tilespmem:s21+$0xFFFFCD90]  }
0x123: {  	s7 =	simm.s32 $0x6840;
	v1 =	vld [tilespmem:s21+$0xFFFFFF90]  }
0x124: {  	v2 =	vld [tilespmem:s7+$0xFFFFFFC0];
	_ =	sdelay $0x2  }
0x125: {  	v0 =	vmul.f32 $8.000000000e+00, v0  }
0x126: {  	v1 =	vmul.f32 $8.000000000e+00, v1  }
0x127: {  	v0 =	vadd.f32 v0, v2  }
0x128: {  	v1 =	vadd.f32 v1, v2  }
0x129: {  	[tilespmem:s21+$0xFFFFCD90] =	vst v0;
	v0 =	vld [tilespmem:s21+$0xFFFFCDA0]  }
0x12a: {  	v2 =	vld [tilespmem:s21+$0xFFFFFFA0];
	[tilespmem:s21+$0xFFFFFF90] =	vst v1  }
0x12b: {  	v1 =	vld [tilespmem:s7+$0xFFFFFFD0];
	_ =	sdelay $0x2  }
0x12c: {  	v0 =	vmul.f32 $8.000000000e+00, v0  }
0x12d: {  	v2 =	vmul.f32 $8.000000000e+00, v2  }
0x12e: {  	v0 =	vadd.f32 v0, v1  }
0x12f: {  	v1 =	vadd.f32 v2, v1  }
0x130: {  	[tilespmem:s21+$0xFFFFCDA0] =	vst v0;
	v0 =	vld [tilespmem:s21+$0xFFFFCDB0]  }
0x131: {  	v2 =	vld [tilespmem:s21+$0xFFFFFFB0];
	[tilespmem:s21+$0xFFFFFFA0] =	vst v1  }
0x132: {  	v1 =	vld [tilespmem:s7+$0xFFFFFFE0];
	_ =	sdelay $0x2  }
0x133: {  	v0 =	vmul.f32 $8.000000000e+00, v0  }
0x134: {  	v2 =	vmul.f32 $8.000000000e+00, v2  }
0x135: {  	v0 =	vadd.f32 v0, v1  }
0x136: {  	v1 =	vadd.f32 v2, v1  }
0x137: {  	[tilespmem:s21+$0xFFFFCDB0] =	vst v0;
	v0 =	vld [tilespmem:s21+$0xFFFFCDC0]  }
0x138: {  	v2 =	vld [tilespmem:s21+$0xFFFFFFC0];
	[tilespmem:s21+$0xFFFFFFB0] =	vst v1  }
0x139: {  	v1 =	vld [tilespmem:s7+$0xFFFFFFF0];
	_ =	sdelay $0x2  }
0x13a: {  	v0 =	vmul.f32 $8.000000000e+00, v0  }
0x13b: {  	v2 =	vmul.f32 $8.000000000e+00, v2  }
0x13c: {  	v0 =	vadd.f32 v0, v1  }
0x13d: {  	v1 =	vadd.f32 v2, v1  }
0x13e: {  	[tilespmem:s21+$0xFFFFCDC0] =	vst v0;
	v0 =	vld [tilespmem:s21+$0xFFFFCDD0]  }
0x13f: {  	v2 =	vld [tilespmem:s21+$0xFFFFFFD0];
	[tilespmem:s21+$0xFFFFFFC0] =	vst v1  }
0x140: {  	v1 =	vld [tilespmem:s7+$0x0];
	_ =	sdelay $0x2  }
0x141: {  	v0 =	vmul.f32 $8.000000000e+00, v0  }
0x142: {  	v2 =	vmul.f32 $8.000000000e+00, v2  }
0x143: {  	v0 =	vadd.f32 v0, v1  }
0x144: {  	v1 =	vadd.f32 v2, v1  }
0x145: {  	[tilespmem:s21+$0xFFFFCDD0] =	vst v0;
	v0 =	vld [tilespmem:s21+$0xFFFFCDE0]  }
0x146: {  	v2 =	vld [tilespmem:s21+$0xFFFFFFE0];
	[tilespmem:s21+$0xFFFFFFD0] =	vst v1  }
0x147: {  	v1 =	vld [tilespmem:s7+$0x10];
	_ =	sdelay $0x2  }
0x148: {  	v0 =	vmul.f32 $8.000000000e+00, v0  }
0x149: {  	v2 =	vmul.f32 $8.000000000e+00, v2  }
0x14a: {  	v0 =	vadd.f32 v0, v1  }
0x14b: {  	v1 =	vadd.f32 v2, v1  }
0x14c: {  	v2 =	vld [tilespmem:s21+$0xFFFFFFF0];
	[tilespmem:s21+$0xFFFFCDE0] =	vst v0  }
0x14d: {  	v0 =	vld [tilespmem:s21+$0xFFFFCDF0];
	[tilespmem:s21+$0xFFFFFFE0] =	vst v1  }
0x14e: {  	v1 =	vld [tilespmem:s7+$0x20];
	_ =	sdelay $0x2  }
0x14f: {  	v2 =	vmul.f32 $8.000000000e+00, v2  }
0x150: {  	v0 =	vmul.f32 $8.000000000e+00, v0  }
0x151: {  	v2 =	vadd.f32 v2, v1  }
0x152: {  	v3 =	vadd.f32 v0, v1;
	v0 =	vld [tilespmem:s21+$0xFFFFCE00]  }
0x153: {  	v1 =	vld [tilespmem:s21+$0x0];
	[tilespmem:s21+$0xFFFFFFF0] =	vst v2  }
0x154: {  	s11 =	simm.s32 $0x0;
	s10 =	simm.s32 $0x19470;
	[tilespmem:s21+$0xFFFFCDF0] =	vst v3  }
.LBB2_7:
0x155: {  	s11 =	sadd.s32 $0x2, s11;
	v2 =	vld [tilespmem:s7+$0x30];
	s21 =	sadd.s32 $0x80, s21;
	s7 =	sadd.s32 $0x80, s7  }
0x156: {  	p1 =	slt.u32 s11, $0xC6;
	_ =	sdelay $0x1  }
0x157: {  	v0 =	vmul.f32 $8.000000000e+00, v0;
	v1 =	vmul.f32 $8.000000000e+00, v1;
	_ =	sdelay $0x1  }
0x158: {  	v0 =	vadd.f32 v0, v2;
	v1 =	vadd.f32 v1, v2  }
0x159: {  	v2 =	vld [tilespmem:s21+$0xFFFFFF90]  }
0x15a: {  	v3 =	vld [tilespmem:s21+$0xFFFFCD90];
	[tilespmem:s10+$0xFFFFCE00] =	vst v0  }
0x15b: {  	[tilespmem:s10+$0x0] =	vst v1;
	s10 =	smov.u32 s21  }
0x15c: {  	v0 =	vld [tilespmem:s7+$0xFFFFFFC0];
	_ =	sdelay $0x2  }
0x15d: {  	v2 =	vmul.f32 $8.000000000e+00, v2;
	v1 =	vmul.f32 $8.000000000e+00, v3;
	_ =	sdelay $0x1  }
0x15e: {  	v1 =	vadd.f32 v1, v0;
	v0 =	vadd.f32 v2, v0  }
0x15f: {  	v2 =	vld [tilespmem:s21+$0xFFFFFFA0]  }
0x160: {  	[tilespmem:s21+$0xFFFFCD90] =	vst v1;
	v1 =	vld [tilespmem:s21+$0xFFFFCDA0]  }
0x161: {  	[tilespmem:s21+$0xFFFFFF90] =	vst v0  }
0x162: {  	v0 =	vld [tilespmem:s7+$0xFFFFFFD0];
	_ =	sdelay $0x2  }
0x163: {  	v2 =	vmul.f32 $8.000000000e+00, v2;
	v1 =	vmul.f32 $8.000000000e+00, v1;
	_ =	sdelay $0x1  }
0x164: {  	v1 =	vadd.f32 v1, v0;
	v0 =	vadd.f32 v2, v0  }
0x165: {  	v2 =	vld [tilespmem:s21+$0xFFFFFFB0]  }
0x166: {  	[tilespmem:s21+$0xFFFFCDA0] =	vst v1;
	v1 =	vld [tilespmem:s21+$0xFFFFCDB0]  }
0x167: {  	[tilespmem:s21+$0xFFFFFFA0] =	vst v0  }
0x168: {  	v0 =	vld [tilespmem:s7+$0xFFFFFFE0];
	_ =	sdelay $0x2  }
0x169: {  	v2 =	vmul.f32 $8.000000000e+00, v2;
	v1 =	vmul.f32 $8.000000000e+00, v1;
	_ =	sdelay $0x1  }
0x16a: {  	v1 =	vadd.f32 v1, v0;
	v0 =	vadd.f32 v2, v0  }
0x16b: {  	v2 =	vld [tilespmem:s21+$0xFFFFFFC0]  }
0x16c: {  	[tilespmem:s21+$0xFFFFCDB0] =	vst v1;
	v1 =	vld [tilespmem:s21+$0xFFFFCDC0]  }
0x16d: {  	[tilespmem:s21+$0xFFFFFFB0] =	vst v0  }
0x16e: {  	v0 =	vld [tilespmem:s7+$0xFFFFFFF0];
	_ =	sdelay $0x2  }
0x16f: {  	v2 =	vmul.f32 $8.000000000e+00, v2;
	v1 =	vmul.f32 $8.000000000e+00, v1;
	_ =	sdelay $0x1  }
0x170: {  	v1 =	vadd.f32 v1, v0;
	v0 =	vadd.f32 v2, v0  }
0x171: {  	v2 =	vld [tilespmem:s21+$0xFFFFFFD0]  }
0x172: {  	[tilespmem:s21+$0xFFFFCDC0] =	vst v1;
	v1 =	vld [tilespmem:s21+$0xFFFFCDD0]  }
0x173: {  	[tilespmem:s21+$0xFFFFFFC0] =	vst v0  }
0x174: {  	v0 =	vld [tilespmem:s7+$0x0];
	_ =	sdelay $0x2  }
0x175: {  	v2 =	vmul.f32 $8.000000000e+00, v2;
	v1 =	vmul.f32 $8.000000000e+00, v1;
	_ =	sdelay $0x1  }
0x176: {  	v1 =	vadd.f32 v1, v0;
	v0 =	vadd.f32 v2, v0  }
0x177: {  	v2 =	vld [tilespmem:s21+$0xFFFFFFE0]  }
0x178: {  	[tilespmem:s21+$0xFFFFCDD0] =	vst v1;
	v1 =	vld [tilespmem:s21+$0xFFFFCDE0]  }
0x179: {  	[tilespmem:s21+$0xFFFFFFD0] =	vst v0  }
0x17a: {  	v0 =	vld [tilespmem:s7+$0x10];
	_ =	sdelay $0x2  }
0x17b: {  	v2 =	vmul.f32 $8.000000000e+00, v2;
	v1 =	vmul.f32 $8.000000000e+00, v1;
	_ =	sdelay $0x1  }
0x17c: {  	v1 =	vadd.f32 v1, v0;
	v0 =	vadd.f32 v2, v0  }
0x17d: {  	v2 =	vld [tilespmem:s21+$0xFFFFFFF0]  }
0x17e: {  	[tilespmem:s21+$0xFFFFCDE0] =	vst v1;
	v1 =	vld [tilespmem:s21+$0xFFFFCDF0]  }
0x17f: {  	[tilespmem:s21+$0xFFFFFFE0] =	vst v0  }
0x180: {  	v0 =	vld [tilespmem:s7+$0x20];
	_ =	sdelay $0x2  }
0x181: {  	v2 =	vmul.f32 $8.000000000e+00, v2;
	v1 =	vmul.f32 $8.000000000e+00, v1  }
.Ltmp2:
0x182: {  	(pc) =	sbr.rel @p1 .LBB2_7-.Ltmp2, $4  }
0x183: {  	v1 =	vadd.f32 v1, v0;
	v2 =	vadd.f32 v2, v0  }
0x184: {  	v0 =	vld [tilespmem:s21+$0xFFFFCE00]  }
0x185: {  	[tilespmem:s21+$0xFFFFCDF0] =	vst v1;
	v1 =	vld [tilespmem:s21+$0x0]  }
0x186: {  	[tilespmem:s21+$0xFFFFFFF0] =	vst v2  }
0x187: {  	v2 =	vld [tilespmem:s7+$0x30];
	_ =	sdelay $0x2  }
0x188: {  	v0 =	vmul.f32 $8.000000000e+00, v0  }
0x189: {  	v1 =	vmul.f32 $8.000000000e+00, v1  }
.Ltmp3:
0x18a: {  	s6 =	sadd.s32 s6, s9;
	v0 =	vadd.f32 v0, v2;
	(pc) =	sbr.rel @p0 .LBB2_10-.Ltmp3, $4  }
0x18b: {  	s6 =	sshll.u32 s6, $0x3;
	v1 =	vadd.f32 v1, v2  }
0x18c: {  	s6 =	sand.u32 $0x1FFFFF80, s6;
	[tilespmem:s10+$0xFFFFCE00] =	vst v0  }
0x18d: {  	s6 =	sadd.s32 s2, s6;
	[tilespmem:s10+$0x0] =	vst v1  }
0x18e: {  	[hbm4b:s6+s3] =	stream.linear.scatter [tilespmem:s1], [sflag:$0x6], $0x6400, $0x38;
	[tilespmem:$0x1C600] =	vst v63  }
0x18f: {  	_ =	swait.ge [sflag:s26], $0x6400  }
0x190: {  	[sflag:s26] =	ssyncset.done $0x0  }
0x191: {  	s6 =	sadd.s32 $0x680, s19;
	[sflag:s26] =	ssyncadd.s32 $0xFFFF9C00  }
0x192: {  	[tilespmem:s23], [sflag:$0x2] =	stream.indirect.gather [hbm4b:s4+s14], $0x40, s6, s14, $0xb8;
	[tilespmem:$0x1C600] =	vst v63  }
0x193: {  	s10 =	sadd.s32 $0x6E8, s19  }
0x194: {  	[tilespmem:s25], [sflag:$0x2] =	stream.indirect.gather [hbm4b:s4+s14], $0x40, s10, s14, $0xb8;
	[tilespmem:$0x1C600] =	vst v63  }
.Ltmp4:
0x195: {  	_ = 	snop;
	(pc) =	sbr.rel .LBB2_2-.Ltmp4, $4  }
0x196: {  	s11 =	sadd.s32 $0x750, s19  }
0x197: {  	[tilespmem:s28], [sflag:$0x2] =	stream.indirect.gather [hbm4b:s4+s14], $0x40, s11, s14, $0xb8;
	[tilespmem:$0x1C600] =	vst v63  }
0x198: {  	s21 =	sadd.s32 $0x7B8, s19;
	s17 =	sadd.s32 $0x1, s17  }
0x199: {  	[tilespmem:s30], [sflag:$0x2] =	stream.indirect.gather [hbm4b:s4+s14], $0x40, s21, s14, $0xb8;
	[tilespmem:$0x1C600] =	vst v63  }
.LBB2_10:
0x19a: {  	_ =	swait.ge [sflag:s22], $0x6400  }
0x19b: {  	[sflag:s22] =	ssyncset.done $0x0  }
0x19c: {  	s6 =	simm.s32 $0x6660;
	[sflag:s22] =	ssyncadd.s32 $0xFFFF9C00  }
0x19d: {  	[tilespmem:s15], [sflag:$0x1] =	stream.indirect.gather [hbm4b:s4+s14], $0x40, s6, s14, $0xb8;
	[tilespmem:$0x1C600] =	vst v63  }
0x19e: {  	s17 =	simm.s32 $0xB300;
	s10 =	simm.s32 $0x66C8  }
0x19f: {  	[tilespmem:s17], [sflag:$0x1] =	stream.indirect.gather [hbm4b:s4+s14], $0x40, s10, s14, $0xb8;
	[tilespmem:$0x1C600] =	vst v63  }
0x1a0: {  	s19 =	simm.s32 $0xCC00;
	s11 =	simm.s32 $0x6730  }
0x1a1: {  	[tilespmem:s19], [sflag:$0x1] =	stream.indirect.gather [hbm4b:s4+s14], $0x40, s11, s14, $0xb8;
	[tilespmem:$0x1C600] =	vst v63  }
0x1a2: {  	s21 =	simm.s32 $0xE500;
	s7 =	simm.s32 $0x6798  }
0x1a3: {  	[tilespmem:s21], [sflag:$0x1] =	stream.indirect.gather [hbm4b:s4+s14], $0x40, s7, s14, $0xb8;
	[tilespmem:$0x1C600] =	vst v63  }
0x1a4: {  	_ =	swait.ge [sflag:s31], $0x6400  }
0x1a5: {  	[sflag:s31] =	ssyncset.done $0x0  }
0x1a6: {  	s6 =	simm.s32 $0xCC70;
	[sflag:s31] =	ssyncadd.s32 $0xFFFF9C00  }
0x1a7: {  	v0 =	vld [tilespmem:s6+$0xFFFFCD90]  }
0x1a8: {  	s7 =	simm.s32 $0x6840;
	v1 =	vld [tilespmem:s6+$0xFFFFFF90]  }
0x1a9: {  	v2 =	vld [tilespmem:s7+$0xFFFFFFC0];
	_ =	sdelay $0x2  }
0x1aa: {  	v0 =	vmul.f32 $8.000000000e+00, v0  }
0x1ab: {  	v1 =	vmul.f32 $8.000000000e+00, v1  }
0x1ac: {  	v0 =	vadd.f32 v0, v2  }
0x1ad: {  	v1 =	vadd.f32 v1, v2  }
0x1ae: {  	[tilespmem:s6+$0xFFFFCD90] =	vst v0;
	v0 =	vld [tilespmem:s6+$0xFFFFCDA0]  }
0x1af: {  	v2 =	vld [tilespmem:s6+$0xFFFFFFA0];
	[tilespmem:s6+$0xFFFFFF90] =	vst v1  }
0x1b0: {  	v1 =	vld [tilespmem:s7+$0xFFFFFFD0];
	_ =	sdelay $0x2  }
0x1b1: {  	v0 =	vmul.f32 $8.000000000e+00, v0  }
0x1b2: {  	v2 =	vmul.f32 $8.000000000e+00, v2  }
0x1b3: {  	v0 =	vadd.f32 v0, v1  }
0x1b4: {  	v1 =	vadd.f32 v2, v1  }
0x1b5: {  	[tilespmem:s6+$0xFFFFCDA0] =	vst v0;
	v0 =	vld [tilespmem:s6+$0xFFFFCDB0]  }
0x1b6: {  	v2 =	vld [tilespmem:s6+$0xFFFFFFB0];
	[tilespmem:s6+$0xFFFFFFA0] =	vst v1  }
0x1b7: {  	v1 =	vld [tilespmem:s7+$0xFFFFFFE0];
	_ =	sdelay $0x2  }
0x1b8: {  	v0 =	vmul.f32 $8.000000000e+00, v0  }
0x1b9: {  	v2 =	vmul.f32 $8.000000000e+00, v2  }
0x1ba: {  	v0 =	vadd.f32 v0, v1  }
0x1bb: {  	v1 =	vadd.f32 v2, v1  }
0x1bc: {  	[tilespmem:s6+$0xFFFFCDB0] =	vst v0;
	v0 =	vld [tilespmem:s6+$0xFFFFCDC0]  }
0x1bd: {  	v2 =	vld [tilespmem:s6+$0xFFFFFFC0];
	[tilespmem:s6+$0xFFFFFFB0] =	vst v1  }
0x1be: {  	v1 =	vld [tilespmem:s7+$0xFFFFFFF0];
	_ =	sdelay $0x2  }
0x1bf: {  	v0 =	vmul.f32 $8.000000000e+00, v0  }
0x1c0: {  	v2 =	vmul.f32 $8.000000000e+00, v2  }
0x1c1: {  	v0 =	vadd.f32 v0, v1  }
0x1c2: {  	v1 =	vadd.f32 v2, v1  }
0x1c3: {  	[tilespmem:s6+$0xFFFFCDC0] =	vst v0;
	v0 =	vld [tilespmem:s6+$0xFFFFCDD0]  }
0x1c4: {  	v2 =	vld [tilespmem:s6+$0xFFFFFFD0];
	[tilespmem:s6+$0xFFFFFFC0] =	vst v1  }
0x1c5: {  	v1 =	vld [tilespmem:s7+$0x0];
	_ =	sdelay $0x2  }
0x1c6: {  	v0 =	vmul.f32 $8.000000000e+00, v0  }
0x1c7: {  	v2 =	vmul.f32 $8.000000000e+00, v2  }
0x1c8: {  	v0 =	vadd.f32 v0, v1  }
0x1c9: {  	v1 =	vadd.f32 v2, v1  }
0x1ca: {  	[tilespmem:s6+$0xFFFFCDD0] =	vst v0;
	v0 =	vld [tilespmem:s6+$0xFFFFCDE0]  }
0x1cb: {  	v2 =	vld [tilespmem:s6+$0xFFFFFFE0];
	[tilespmem:s6+$0xFFFFFFD0] =	vst v1  }
0x1cc: {  	v1 =	vld [tilespmem:s7+$0x10];
	_ =	sdelay $0x2  }
0x1cd: {  	v0 =	vmul.f32 $8.000000000e+00, v0  }
0x1ce: {  	v2 =	vmul.f32 $8.000000000e+00, v2  }
0x1cf: {  	v0 =	vadd.f32 v0, v1  }
0x1d0: {  	v1 =	vadd.f32 v2, v1  }
0x1d1: {  	v2 =	vld [tilespmem:s6+$0xFFFFFFF0];
	[tilespmem:s6+$0xFFFFCDE0] =	vst v0  }
0x1d2: {  	v0 =	vld [tilespmem:s6+$0xFFFFCDF0];
	[tilespmem:s6+$0xFFFFFFE0] =	vst v1  }
0x1d3: {  	v1 =	vld [tilespmem:s7+$0x20];
	_ =	sdelay $0x2  }
0x1d4: {  	v2 =	vmul.f32 $8.000000000e+00, v2  }
0x1d5: {  	v0 =	vmul.f32 $8.000000000e+00, v0  }
0x1d6: {  	v2 =	vadd.f32 v2, v1  }
0x1d7: {  	v3 =	vadd.f32 v0, v1;
	v0 =	vld [tilespmem:s6+$0xFFFFCE00]  }
0x1d8: {  	v1 =	vld [tilespmem:s6+$0x0];
	[tilespmem:s6+$0xFFFFFFF0] =	vst v2  }
0x1d9: {  	s10 =	simm.s32 $0xCC70;
	s11 =	simm.s32 $0x0;
	[tilespmem:s6+$0xFFFFCDF0] =	vst v3  }
.LBB2_11:
0x1da: {  	s11 =	sadd.s32 $0x2, s11;
	v2 =	vld [tilespmem:s7+$0x30];
	s6 =	sadd.s32 $0x80, s6;
	s7 =	sadd.s32 $0x80, s7  }
0x1db: {  	p0 =	slt.u32 s11, $0xC6;
	_ =	sdelay $0x1  }
0x1dc: {  	v0 =	vmul.f32 $8.000000000e+00, v0;
	v1 =	vmul.f32 $8.000000000e+00, v1;
	_ =	sdelay $0x1  }
0x1dd: {  	v0 =	vadd.f32 v0, v2;
	v1 =	vadd.f32 v1, v2  }
0x1de: {  	v2 =	vld [tilespmem:s6+$0xFFFFFF90]  }
0x1df: {  	v3 =	vld [tilespmem:s6+$0xFFFFCD90];
	[tilespmem:s10+$0xFFFFCE00] =	vst v0  }
0x1e0: {  	[tilespmem:s10+$0x0] =	vst v1;
	s10 =	smov.u32 s6  }
0x1e1: {  	v0 =	vld [tilespmem:s7+$0xFFFFFFC0];
	_ =	sdelay $0x2  }
0x1e2: {  	v2 =	vmul.f32 $8.000000000e+00, v2;
	v1 =	vmul.f32 $8.000000000e+00, v3;
	_ =	sdelay $0x1  }
0x1e3: {  	v1 =	vadd.f32 v1, v0;
	v0 =	vadd.f32 v2, v0  }
0x1e4: {  	v2 =	vld [tilespmem:s6+$0xFFFFFFA0]  }
0x1e5: {  	[tilespmem:s6+$0xFFFFCD90] =	vst v1;
	v1 =	vld [tilespmem:s6+$0xFFFFCDA0]  }
0x1e6: {  	[tilespmem:s6+$0xFFFFFF90] =	vst v0  }
0x1e7: {  	v0 =	vld [tilespmem:s7+$0xFFFFFFD0];
	_ =	sdelay $0x2  }
0x1e8: {  	v2 =	vmul.f32 $8.000000000e+00, v2;
	v1 =	vmul.f32 $8.000000000e+00, v1;
	_ =	sdelay $0x1  }
0x1e9: {  	v1 =	vadd.f32 v1, v0;
	v0 =	vadd.f32 v2, v0  }
0x1ea: {  	v2 =	vld [tilespmem:s6+$0xFFFFFFB0]  }
0x1eb: {  	[tilespmem:s6+$0xFFFFCDA0] =	vst v1;
	v1 =	vld [tilespmem:s6+$0xFFFFCDB0]  }
0x1ec: {  	[tilespmem:s6+$0xFFFFFFA0] =	vst v0  }
0x1ed: {  	v0 =	vld [tilespmem:s7+$0xFFFFFFE0];
	_ =	sdelay $0x2  }
0x1ee: {  	v2 =	vmul.f32 $8.000000000e+00, v2;
	v1 =	vmul.f32 $8.000000000e+00, v1;
	_ =	sdelay $0x1  }
0x1ef: {  	v1 =	vadd.f32 v1, v0;
	v0 =	vadd.f32 v2, v0  }
0x1f0: {  	v2 =	vld [tilespmem:s6+$0xFFFFFFC0]  }
0x1f1: {  	[tilespmem:s6+$0xFFFFCDB0] =	vst v1;
	v1 =	vld [tilespmem:s6+$0xFFFFCDC0]  }
0x1f2: {  	[tilespmem:s6+$0xFFFFFFB0] =	vst v0  }
0x1f3: {  	v0 =	vld [tilespmem:s7+$0xFFFFFFF0];
	_ =	sdelay $0x2  }
0x1f4: {  	v2 =	vmul.f32 $8.000000000e+00, v2;
	v1 =	vmul.f32 $8.000000000e+00, v1;
	_ =	sdelay $0x1  }
0x1f5: {  	v1 =	vadd.f32 v1, v0;
	v0 =	vadd.f32 v2, v0  }
0x1f6: {  	v2 =	vld [tilespmem:s6+$0xFFFFFFD0]  }
0x1f7: {  	[tilespmem:s6+$0xFFFFCDC0] =	vst v1;
	v1 =	vld [tilespmem:s6+$0xFFFFCDD0]  }
0x1f8: {  	[tilespmem:s6+$0xFFFFFFC0] =	vst v0  }
0x1f9: {  	v0 =	vld [tilespmem:s7+$0x0];
	_ =	sdelay $0x2  }
0x1fa: {  	v2 =	vmul.f32 $8.000000000e+00, v2;
	v1 =	vmul.f32 $8.000000000e+00, v1;
	_ =	sdelay $0x1  }
0x1fb: {  	v1 =	vadd.f32 v1, v0;
	v0 =	vadd.f32 v2, v0  }
0x1fc: {  	v2 =	vld [tilespmem:s6+$0xFFFFFFE0]  }
0x1fd: {  	[tilespmem:s6+$0xFFFFCDD0] =	vst v1;
	v1 =	vld [tilespmem:s6+$0xFFFFCDE0]  }
0x1fe: {  	[tilespmem:s6+$0xFFFFFFD0] =	vst v0  }
0x1ff: {  	v0 =	vld [tilespmem:s7+$0x10];
	_ =	sdelay $0x2  }
0x200: {  	v2 =	vmul.f32 $8.000000000e+00, v2;
	v1 =	vmul.f32 $8.000000000e+00, v1;
	_ =	sdelay $0x1  }
0x201: {  	v1 =	vadd.f32 v1, v0;
	v0 =	vadd.f32 v2, v0  }
0x202: {  	v2 =	vld [tilespmem:s6+$0xFFFFFFF0]  }
0x203: {  	[tilespmem:s6+$0xFFFFCDE0] =	vst v1;
	v1 =	vld [tilespmem:s6+$0xFFFFCDF0]  }
0x204: {  	[tilespmem:s6+$0xFFFFFFE0] =	vst v0  }
0x205: {  	v0 =	vld [tilespmem:s7+$0x20];
	_ =	sdelay $0x2  }
0x206: {  	v2 =	vmul.f32 $8.000000000e+00, v2;
	v1 =	vmul.f32 $8.000000000e+00, v1  }
.Ltmp5:
0x207: {  	(pc) =	sbr.rel @p0 .LBB2_11-.Ltmp5, $4  }
0x208: {  	v1 =	vadd.f32 v1, v0;
	v2 =	vadd.f32 v2, v0  }
0x209: {  	v0 =	vld [tilespmem:s6+$0xFFFFCE00]  }
0x20a: {  	[tilespmem:s6+$0xFFFFCDF0] =	vst v1;
	v1 =	vld [tilespmem:s6+$0x0]  }
0x20b: {  	[tilespmem:s6+$0xFFFFFFF0] =	vst v2  }
0x20c: {  	v2 =	vld [tilespmem:s7+$0x30];
	_ =	sdelay $0x2  }
0x20d: {  	v0 =	vmul.f32 $8.000000000e+00, v0  }
0x20e: {  	v1 =	vmul.f32 $8.000000000e+00, v1  }
0x20f: {  	v0 =	vadd.f32 v0, v2  }
0x210: {  	v1 =	vadd.f32 v1, v2  }
0x211: {  	[tilespmem:s10+$0xFFFFCE00] =	vst v0  }
0x212: {  	s6 =	rddreg [dreg:$0x5];
	[tilespmem:s10+$0x0] =	vst v1  }
0x213: {  	[hbm4b:s6+s3] =	stream.linear.scatter [tilespmem:s15], [sflag:$0x4], $0x6400, $0x38;
	[tilespmem:$0x1C600] =	vst v63  }
0x214: {  	_ =	swait.ge [sflag:s22], $0x6400  }
0x215: {  	[sflag:s22] =	ssyncset.done $0x0  }
0x216: {  	[sflag:s22] =	ssyncadd.s32 $0xFFFF9C00  }
0x217: {  	_ =	swait.ge [sflag:s26], $0x6400  }
0x218: {  	[sflag:s26] =	ssyncset.done $0x0  }
0x219: {  	[sflag:s26] =	ssyncadd.s32 $0xFFFF9C00  }
0x21a: {  	_ =	swait.ge [sflag:s29], $0x6400  }
0x21b: {  	s24 =	sadd.s32 $0x1, s24;
	s21 =	rddreg [dreg:$0x6]  }
0x21c: {  	p0 =	sne.s32 s24, s21  }
.Ltmp6:
0x21d: {  	_ = 	snop;
	(pc) =	sbr.rel @p0 .LBB2_1-.Ltmp6, $3  }
0x21e: {  	_ =	sdelay $0x1  }
0x21f: {  	[sflag:s29] =	ssyncset.done $0x0  }
0x220: {  	[sflag:s29] =	ssyncadd.s32 $0xFFFF9C00  }
0x221: {  	_ =	sfence.sel $0x180000  }
0x222: {  	[bflag:$0x0] =	sbarrier.arrive $0xFFFF  }
0x223: {  	_ =	strace $0x90000047  }
0x224: {  	s0 =	stileid.u32;
	[bflag:$0x2] =	sbarrier.arrive $0xFFFF  }
0x225: {  	p0 =	sne.s32 s0, $0x0;
	s0 =	rddreg [dreg:$0x2]  }
0x226: {  	s0 =	sadd.s32 @!p0 $0x100000, s0  }
0x227: {  	[sflag:s0] =	ssyncadd.tile.s32 @!p0 $0x1;
	_ =	shalt  }
.Lfunc_end2:
_tile_overlayer_lowered:
.L_overlay_start_2:
0x228: {  	(tag) =	ssettag $0x2  }
0x229: {  	s0 =	rddreg [dreg:$0x0];
	s2 =	stileid.u32  }
0x22a: {  	s1 =	rddreg [dreg:$0x1];
	p0 =	sne.s32 s2, $0x0  }
0x22b: {  	s3 =	rddreg [dreg:$0x2];
	[bflag:$0x3] =	sbarrier.arrive $0xFFFF;
	s2 =	simm.s32 @!p0 $0x1C07  }
0x22c: {  	[timem:s3], [sflag:s2] =	dma.local @!p0 [hbm:s0], s1  }
0x22d: {  	s0 =	simm.s32 @!p0 $0x7  }
0x22e: {  	_ =	swait.ge @!p0 [sflag:s0], s1  }
0x22f: {  	s1 =	ssub.s32 @!p0 $0x0, s1;
	[sflag:s0] =	ssyncset.done @!p0 $0x0  }
0x230: {  	[sflag:s0] =	ssyncadd.s32 @!p0 s1  }
0x231: {  	[bflag:$0x3] =	sbarrier.arrive $0xFFFF  }
0x232: {  	_ =	shalt  }

// kernel: sparse-core-data-format-call.cloned.1.call-start
scs
called_computation_lowered:
.L_overlay_start_0:
0x0: {  	s2 =	sld [smem:$0x3FD9]  }
0x1: {  	s3 =	sld [smem:$0x3FFE];
	_ =	sdelay $0x1  }
0x2: {  	s1 =	srdreg.scid  }
0x3: {  	s0 =	sand.u32 $0x1, s1  }
0x4: {  	s18 =	sshll.u32 s0, $0xA;
	s2 =	sadd.s32 s3, s2  }
0x5: {  	s2 =	sadd.s32 s2, s18  }
0x6: {  	[smem:$0x3FC5] =	sst s2  }
0x7: {  	_ = 	snop  }
0x8: {  	s2 =	sld [smem:$0x3FD0];
	(tm) =	ssettm $0x1  }
0x9: {  	s19 =	sld [smem:$0x3FFB];
	_ =	sdelay $0x3  }
0xa: {  	_ =	strace s19  }
0xb: {  	s3 =	sld [smem:$0x3FFC];
	_ =	sdelay $0x3  }
0xc: {  	_ =	strace s3  }
0xd: {  	s3 =	sld [smem:$0x3FFD];
	_ =	sdelay $0x3  }
0xe: {  	_ =	strace s3  }
0xf: {  	_ =	strace $0x8FFFFFFF  }
0x10: {  	s20 =	sld [smem:$0x3FDB];
	_ =	sdelay $0x1  }
0x11: {  	s4 =	simm.s32 $_scs_section_size  }
0x12: {  	s5 =	simm.s32 $_size__tile_overlayer_lowered;
	s6 =	simm.s32 $_tile_overlayer_lowered  }
0x13: {  	s23 =	simm.s32 $0x1BFF;
	s22 =	sshll.u32 s6, $0x1;
	s3 =	sadd.s32 s4, s20  }
0x14: {  	s7 =	simm.s32 $0x0;
	s21 =	sshll.u32 s5, $0x1;
	s5 =	sadd.s32 s22, s3  }
0x15: {  	[timem:s7], [sflag:s23] =	dma.local [hbm:s5], s21  }
0x16: {  	_ =	swait.ge [sflag:s23], s21  }
0x17: {  	s4 =	ssub.s32 $0x0, s21;
	[sflag:s23] =	ssyncset.done $0x0  }
0x18: {  	[sflag:s23] =	ssyncadd.s32 s4;
	_ =	sdelay $0x1  }
0x19: {  	s24 =	simm.s32 $0x1B8B  }
0x1a: {  	_ =	swait.ge [sflag:s24], $0x1  }
0x1b: {  	[sflag:s24] =	ssyncset.done $0x0  }
0x1c: {  	s26 =	simm.s32 $0x1B8E;
	s25 =	sld [smem:$0x3FFE];
	[sflag:s24] =	ssyncadd.s32 $0xFFFFFFFF  }
0x1d: {  	s27 =	simm.s32 $execute0_lowered;
	[smem:$0x3FD2] =	sst s26  }
0x1e: {  	s5 =	sshll.u32 s27, $0x1;
	_ =	strace $0x80000049;
	[dreg:$0x1] =	wrdreg $0xFFFFFFFF  }
0x1f: {  	s28 =	simm.s32 $_size_execute0_lowered;
	s3 =	sadd.s32 s3, s5;
	[dreg:$0x0] =	wrdreg $0x0  }
0x20: {  	s5 =	sshll.u32 s28, $0x1;
	[dreg:$0x2] =	wrdreg s3  }
0x21: {  	[dreg:$0x3] =	wrdreg s5  }
0x22: {  	[dreg:$0x4] =	wrdreg $0xC0  }
0x23: {  	_ =	task [dreg:s7], $0x5FFFF  }
0x24: {  	[dreg:$0x1] =	wrdreg $0xFFFFFFFF  }
0x25: {  	[dreg:$0x0] =	wrdreg $0x60  }
0x26: {  	[dreg:$0x2] =	wrdreg s25  }
0x27: {  	[dreg:$0x3] =	wrdreg s2  }
0x28: {  	[dreg:$0x4] =	wrdreg $0x9  }
0x29: {  	_ =	task.clear_ibuf [dreg:s7], $0x5FFFF;
	_ =	strace $0x90000049  }
0x2a: {  	s29 =	simm.s32 $0x9;
	_ =	strace $0x8000004B  }
0x2b: {  	_ =	swait.ge [sflag:s29], $0x1  }
0x2c: {  	[sflag:s29] =	ssyncadd.s32 $0xFFFFFFFF  }
0x2d: {  	_ =	strace $0x9000004B  }
0x2e: {  	_ =	sfence  }
0x2f: {  	s30 =	sld [smem:$0x0];
	_ =	sdelay $0x2  }
0x30: {  	s31 =	sshll.u32 s1, $0xD;
	s1 =	sshrl.u32 s1, $0x2  }
0x31: {  	s3 =	sand.u32 $0x4000, s31;
	s1 =	sadd.s32 s1, s30  }
0x32: {  	s0 =	sor.u32 s3, s0;
	s1 =	sshll.u32 s1, $0x11  }
0x33: {  	s0 =	sor.u32 s1, s0  }
0x34: {  	s0 =	sadd.s32 $0x8F2B, s0  }
0x35: {  	[sflag:s0] =	ssyncadd.remote.s32 $0x1  }
0x36: {  	_ =	sfence.sel $0xFFFF  }
0x37: {  	[dreg:$0x0] =	wrdreg $0xFFFFFFFF;
	(pc) =	sbr.abs _section_cstart, $3  }
0x38: {  	[dreg:$0x1] =	wrdreg $0xFFFFFFFF  }
0x39: {  	_ =	task.clear_ibuf [dreg:s7], $0x2FFFF;
	_ =	strace $0x9FFFFFFF  }
0x3a: {  	(tm) =	ssettm $0x7FFFFFFF  }
0x3b: {  	_ =	shalt  }
tec
execute0_lowered:
.L_overlay_start_1:
0x0: {  	(tag) =	ssettag $0x1  }
0x1: {  	s0 =	srdreg.scid  }
0x2: {  	s1 =	sshll.u32 s0, $0x4  }
0x3: {  	s0 =	stileid.u32;
	s1 =	sand.u32 $0x10, s1  }
0x4: {  	s1 =	sor.u32 s0, s1  }
0x5: {  	s6 =	rddreg [dreg:$0x0];
	s4 =	simm.s32 $0x1;
	s2 =	sshll.u32 s1, $0x7  }
0x6: {  	s7 =	simm.s32 $0x2;
	s12 =	simm.s32 $0x0;
	s1 =	ssub.s32 $0x1000, s2  }
0x7: {  	s8 =	simm.s32 $0x8000;
	s13 =	simm.s32 $0x0;
	s3 =	sand.u32 $0xF80, s1  }
0x8: {  	s9 =	simm.s32 $0x0;
	s5 =	sshrl.u32 s1, $0xC;
	p0 =	sne.s32 s3, $0x0  }
.Ltmp0:
0x9: {  	s1 =	rddreg [dreg:$0x2];
	s4 =	simm.s32 @!p0 $0x0;
	(pc) =	sbr.rel .LBB1_1-.Ltmp0, $4  }
0xa: {  	s11 =	simm.s32 $0x0;
	s3 =	rddreg [dreg:$0x1];
	s5 =	sadd.s32 s4, s5  }
0xb: {  	_ =	strace $0x8000004A;
	s4 =	simm.s32 $0x1;
	s5 =	smul.u32 $0xC8, s5  }
0xc: {  	s6 =	sadd.s32 $0xA00, s6;
	s10 =	smov.u32 s2;
	[sflag:s4] =	ssyncpa.u1 $0x0  }
0xd: {  	p0 =	por $0x0, $0x0;
	[sflag:s7] =	ssyncpa.u1 $0x0;
	s7 =	sor.u32 $0x1, s5  }
.LBB1_4:
0xe: {  	s16 =	sshll.u32 s13, $0x3;
	s17 =	sand.u32 $0x78, s13  }
0xf: {  	s30 =	sand.u32 $0x7E00, s13;
	s12 =	sshll.u32 s12, $0xF;
	s16 =	sand.u32 $0xC00, s16  }
0x10: {  	[tilespmem:s15+$0x810 ss:$0x81] =	vst.msk $0xffff, v2;
	s31 =	sand.u32 $0x7, s13;
	s16 =	sor.u32 s17, s16;
	s17 =	sadd.s32 s3, s30  }
0x11: {  	[tilespmem:s15+$0x1020 ss:$0x81] =	vst.msk $0xffff, v0;
	s13 =	sshll.u32 s31, $0x12;
	s12 =	sadd.s32 s12, s17;
	s16 =	sshrl.u32 s16, $0x3  }
0x12: {  	[tilespmem:s15+$0x0 ss:$0x81] =	vst.msk $0xffff, v1;
	s13 =	sor.u32 $0x400, s13;
	s12 =	sadd.s32 s16, s12  }
0x13: {  	[hbm4b:s12+s13] =	stream.strided.scatter [tilespmem:s14], [sflag:$0x2], $0x2000, s8, s13, $0x20;
	[tilespmem:$0x8080] =	vst v63  }
.LBB1_5:
0x14: {  	s14 =	sadd.s32 $0x1, s9  }
0x15: {  	s12 =	sadd.s32 $0x1000, s10;
	s16 =	smov.u32 s10;
	p2 =	sgt.s32 s14, $0xC7  }
0x16: {  	s16 =	smov.u32 @p2 s12  }
0x17: {  	s14 =	simm.s32 @p2 $0x0;
	p2 =	sgt.s32 s16, $0xFFF  }
0x18: {  	s16 =	smov.u32 @p2 s2;
	p2 =	sne.s32 s11, s7  }
.Ltmp1:
0x19: {  	p1 =	slt.u32 s11, $0x2;
	(pc) =	sbr.rel @!p2 .LBB1_6-.Ltmp1, $4  }
0x1a: {  	s15 =	simm.s32 @!p1 $0x2  }
0x1b: {  	s13 =	smov.u32 s10;
	p0 =	por !p0, !p0;
	_ =	swait.ge @!p1 [sflag:s15], $0x2000  }
0x1c: {  	s12 =	smov.u32 s9;
	[sflag:s15] =	ssyncset.done @!p1 $0x0;
	s9 =	smov.u32 s14  }
0x1d: {  	s11 =	sadd.s32 $0x1, s11;
	[sflag:s15] =	ssyncadd.s32 @!p1 $0xFFFFE000;
	s10 =	smov.u32 s16  }
.LBB1_1:
0x1e: {  	p1 =	sge.u32 s11, s5  }
0x1f: {  	s14 =	sand.u32 @!p1 $0x1FFFFFF, s9  }
0x20: {  	s15 =	smulhi.u32 @!p1 $0x147AE15, s14;
	_ =	sdelay $0x1  }
0x21: {  	s15 =	smul.u32 @!p1 $0xC8, s15  }
0x22: {  	s16 =	sxor.u32 @!p1 $0xFFFFFFFF, s11;
	s17 =	smul.u32 @!p1 $0xC80, s10  }
0x23: {  	s31 =	sadd.s32 $0xFFFFFFFF, s11;
	s16 =	sshll.u32 @!p1 s16, $0xD;
	s14 =	ssub.s32 @!p1 s14, s15  }
0x24: {  	s15 =	sand.u32 @!p1 $0x2000, s16;
	s16 =	sadd.s32 @!p1 s6, s17;
	s14 =	sshll.u32 @!p1 s14, $0x4  }
0x25: {  	s17 =	simm.s32 @!p1 $0x6400;
	s14 =	sadd.s32 @!p1 s14, s16;
	s16 =	simm.s32 @!p1 $0x40  }
0x26: {  	[tilespmem:s15], [sflag:$0x1] =	stream.strided.gather @!p1 [hbm4b:s14+s16], $0x2000, s17, s16, $0x38;
	[tilespmem:$0x8080] =	vst v63  }
0x27: {  	p1 =	sge.u32 s31, s5  }
.Ltmp2:
0x28: {  	_ = 	snop;
	(pc) =	sbr.rel @p1 .LBB1_5-.Ltmp2, $1  }
0x29: {  	_ =	sdelay $0x3  }
0x2a: {  	s14 =	simm.s32 $0x1  }
0x2b: {  	_ =	swait.ge [sflag:s4], $0x2000;
	s14 =	simm.s32 @!p0 $0x0  }
0x2c: {  	[sflag:s4] =	ssyncset.done $0x0;
	s15 =	sshll.u32 s14, $0xD  }
0x2d: {  	[sflag:s4] =	ssyncadd.s32 $0xFFFFE000;
	s18 =	sor.u32 $0x20, s15  }
0x2e: {  	s14 =	smul.u32 $0x8100, s14;
	v3 =	vld [tilespmem:s18+$0x10]  }
0x2f: {  	s30 =	sand.u32 $0x1, s11;
	v2 =	vld [tilespmem:s18+$0xFFFFFFF0]  }
0x30: {  	s15 =	smul.u32 $0x8100, s30;
	s14 =	sshrl.u32 s14, $0x2;
	v0 =	vld [tilespmem:s18+$0x0]  }
0x31: {  	v1 =	vld [tilespmem:s18+$0xFFFFFFE0];
	s16 =	sor.u32 $0x4000, s14  }
0x32: {  	s31 =	sshrl.u32 s15, $0x2;
	s15 =	sadd.s32 $0x0, s16  }
0x33: {  	s17 =	simm.s32 $0x4;
	s18 =	sadd.s32 $0x40, s18;
	s14 =	sor.u32 $0x4000, s31;
	[tilespmem:s15+$0x1830 ss:$0x81] =	vst.msk $0xffff, v3  }
.LBB1_3:
0x34: {  	v3 =	vld [tilespmem:s18+$0x10];
	p1 =	sne.s32 s17, $0x1FC;
	[tilespmem:s15+$0x810 ss:$0x81] =	vst.msk $0xffff, v2;
	s19 =	smov.u32 s17;
	s17 =	sadd.s32 $0x4, s17  }
.Ltmp3:
0x35: {  	v2 =	vld [tilespmem:s18+$0xFFFFFFF0];
	[tilespmem:s15+$0x1020 ss:$0x81] =	vst.msk $0xffff, v0;
	(pc) =	sbr.rel @p1 .LBB1_3-.Ltmp3, $4  }
0x36: {  	v0 =	vld [tilespmem:s18+$0x0];
	[tilespmem:s15+$0x0 ss:$0x81] =	vst.msk $0xffff, v1  }
0x37: {  	s15 =	sshra.s32 s19, $0x2;
	v1 =	vld [tilespmem:s18+$0xFFFFFFE0]  }
0x38: {  	s15 =	sadd.s32 s15, s16  }
0x39: {  	s18 =	sadd.s32 $0x40, s18;
	[tilespmem:s15+$0x1830 ss:$0x81] =	vst.msk $0xffff, v3  }
.Ltmp4:
0x3a: {  	_ = 	snop;
	(pc) =	sbr.rel .LBB1_4-.Ltmp4, $1  }
0x3b: {  	_ =	sdelay $0x3  }
.LBB1_6:
0x3c: {  	_ =	sfence.sel $0x180000  }
0x3d: {  	s2 =	simm.s32 $0x1;
	[bflag:$0x0] =	sbarrier.arrive $0xFFFF  }
0x3e: {  	s31 =	simm.s32 $0x2;
	[sflag:s2] =	ssyncpa.u1 $0x1  }
0x3f: {  	[sflag:s31] =	ssyncpa.u1 $0x1  }
0x40: {  	p0 =	sne.s32 s0, $0x0;
	_ =	strace $0x9000004A  }
0x41: {  	s0 =	sadd.s32 @!p0 $0x100000, s1;
	[bflag:$0x2] =	sbarrier.arrive $0xFFFF  }
0x42: {  	[sflag:s0] =	ssyncadd.tile.s32 @!p0 $0x1;
	_ =	shalt  }
.Lfunc_end1:
_tile_overlayer_lowered:
.L_overlay_start_2:
0x43: {  	(tag) =	ssettag $0x2  }
0x44: {  	s0 =	rddreg [dreg:$0x0];
	s2 =	stileid.u32  }
0x45: {  	s1 =	rddreg [dreg:$0x1];
	p0 =	sne.s32 s2, $0x0  }
0x46: {  	s3 =	rddreg [dreg:$0x2];
	[bflag:$0x3] =	sbarrier.arrive $0xFFFF;
	s2 =	simm.s32 @!p0 $0x1C01  }
0x47: {  	[timem:s3], [sflag:s2] =	dma.local @!p0 [hbm:s0], s1  }
0x48: {  	s0 =	simm.s32 @!p0 $0x1  }
0x49: {  	_ =	swait.ge @!p0 [sflag:s0], s1  }
0x4a: {  	s1 =	ssub.s32 @!p0 $0x0, s1;
	[sflag:s0] =	ssyncset.done @!p0 $0x0  }
0x4b: {  	[sflag:s0] =	ssyncadd.s32 @!p0 s1  }
0x4c: {  	[bflag:$0x3] =	sbarrier.arrive $0xFFFF  }
0x4d: {  	_ =	shalt  }

</sc_bundles>
